<compile_context>
chip_gen: v7x
topology: tpu7x:2x2x1
jax: 0.10.2.dev20260603
libtpu: 0.0.44.dev20260713+nightly
codegen_flags: <defaults>
</compile_context>

<pallas_src>
import functools

import jax
import jax.numpy as jnp
from jax import lax
from jax.experimental import pallas as pl
from jax.experimental.pallas import tpu as pltpu
from jax.experimental.pallas import tpu_sc as plsc

_N = 10000
_E = 320000
_D = 128
_NC = 2
_NS = 16
_NW = _NC * _NS
_EPT = _E // _NW
_B = 80
_CH = _EPT // _B
_BLK = 25
_NBLK = _CH // _BLK
_NB = 3
_LG = 3
_NP = 10112
_RPT = _NP // _NS
_NPD = 10240
_RPD = _NPD // _NS


def _make_seg_sum(compute_deg):
    mesh = plsc.VectorSubcoreMesh(
        core_axis_name="c", subcore_axis_name="s",
        num_cores=_NC, num_subcores=_NS)

    out_type = [jax.ShapeDtypeStruct((_NC, _NP, _D), jnp.float32)]
    if compute_deg:
        out_type.append(jax.ShapeDtypeStruct((_NC * _NPD,), jnp.float32))

    @functools.partial(
        pl.kernel,
        out_type=tuple(out_type),
        mesh=mesh,
        scratch_types=[
            pltpu.VMEM((2, _BLK, _B), jnp.int32),
            pltpu.VMEM((2, _BLK, _B), jnp.int32),
            pltpu.VMEM((_NB, _B, _D), jnp.float32),
            pltpu.VMEM((_B,), jnp.float32),
            pltpu.VMEM_SHARED((_NP, _D), jnp.float32),
            pltpu.VMEM_SHARED((_NPD,), jnp.float32),
            pltpu.SemaphoreType.DMA,
            pltpu.SemaphoreType.DMA,
            pltpu.SemaphoreType.DMA,
        ],
    )
    def seg_sum(table_hbm, edges_hbm, zeros2_hbm, zeros1_hbm, ones_hbm,
                *refs):
        if compute_deg:
            out_hbm, deg_hbm = refs[0], refs[1]
            rest = refs[2:]
        else:
            out_hbm = refs[0]
            rest = refs[1:]
        src_v, dst_v, rows_v, ones_v, acc_sh, deg_sh, gsem, dA, isem = rest

        c = lax.axis_index("c")
        s = lax.axis_index("s")
        wid = s * _NC + c
        r0 = s * _RPT
        pltpu.sync_copy(zeros2_hbm, rows_v.at[0])
        for i in range(7):
            pltpu.sync_copy(rows_v.at[0], acc_sh.at[pl.ds(r0 + i * _B, _B)])
        pltpu.sync_copy(rows_v.at[0, pl.ds(0, _RPT - 7 * _B)],
                        acc_sh.at[pl.ds(r0 + 7 * _B, _RPT - 7 * _B)])
        if compute_deg:
            pltpu.sync_copy(zeros1_hbm, deg_sh.at[pl.ds(s * _RPD, _RPD)])
            pltpu.sync_copy(ones_hbm, ones_v)
        plsc.subcore_barrier()

        def fire_gather(sl, j):
            pltpu.async_copy(table_hbm.at[src_v.at[sl, j]],
                             rows_v.at[lax.rem(j, _NB)], gsem)

        def drain_gather():
            pltpu.make_async_copy(
                zeros2_hbm.at[pl.ds(0, _B)], rows_v.at[0], gsem).wait()

        def do_scatter(sl, j):
            if compute_deg:
                d = pltpu.async_copy(ones_v, deg_sh.at[dst_v.at[sl, j]], dA,
                                     add=True)
                pltpu.sync_copy(rows_v.at[lax.rem(j, _NB)],
                                acc_sh.at[dst_v.at[sl, j]], add=True)
                d.wait()
            else:
                pltpu.sync_copy(rows_v.at[lax.rem(j, _NB)],
                                acc_sh.at[dst_v.at[sl, j]], add=True)

        pltpu.sync_copy(edges_hbm.at[0, wid, 0], src_v.at[0])
        pltpu.sync_copy(edges_hbm.at[1, wid, 0], dst_v.at[0])

        def block(k, carry):
            sl = lax.rem(k, 2)
            nsl = 1 - sl

            @pl.when(k + 1 < _NBLK)
            def _():
                pltpu.async_copy(edges_hbm.at[0, wid, k + 1],
                                 src_v.at[nsl], isem)
                pltpu.async_copy(edges_hbm.at[1, wid, k + 1],
                                 dst_v.at[nsl], isem)

            for j in range(_LG):
                fire_gather(sl, j)

            def body(j, c2):
                drain_gather()
                do_scatter(sl, j)
                fire_gather(sl, j + _LG)
                return c2

            lax.fori_loop(0, _BLK - _LG, body, 0)
            for j in range(_BLK - _LG, _BLK):
                drain_gather()
                do_scatter(sl, j)

            @pl.when(k + 1 < _NBLK)
            def _():
                pltpu.make_async_copy(edges_hbm.at[0, wid, 0],
                                      src_v.at[0], isem).wait()
                pltpu.make_async_copy(edges_hbm.at[1, wid, 0],
                                      dst_v.at[0], isem).wait()
            return carry

        lax.fori_loop(0, _NBLK, block, 0)
        plsc.subcore_barrier()
        pltpu.sync_copy(acc_sh.at[pl.ds(r0, _RPT)],
                        out_hbm.at[c, pl.ds(r0, _RPT)])
        if compute_deg:
            pltpu.sync_copy(deg_sh.at[pl.ds(s * _RPD, _RPD)],
                            deg_hbm.at[pl.ds(c * _NPD + s * _RPD, _RPD)])

    return seg_sum


_seg_sum_l1 = _make_seg_sum(True)
_seg_sum_l2 = _make_seg_sum(False)


def _bn_relu_tail(h, g, b):
    m = jnp.mean(h, axis=0, keepdims=True)
    d = h - m
    v = jnp.mean(d * d, axis=0, keepdims=True)
    return jnp.maximum(g * d * lax.rsqrt(v + 1e-5) + b, 0.0)


def _tc_body(p_ref, x_ref, deg_ref, wl_ref, bl_ref,
             wr_ref, g_ref, b_ref, h_ref):
    degs = deg_ref[0] + deg_ref[1]
    dinv2 = 1.0 / jnp.maximum(degs[:_NP // _D], 1.0)
    psum = p_ref[0] + p_ref[1]
    scaled = psum.reshape(_NP // _D, _D, _D) * dinv2[:, :, None]
    agg = scaled.reshape(_NP, _D)[:_N]
    h = (jnp.dot(agg, wl_ref[...], preferred_element_type=jnp.float32)
         + bl_ref[...]
         + jnp.dot(x_ref[...], wr_ref[...], preferred_element_type=jnp.float32))
    h_ref[...] = _bn_relu_tail(h, g_ref[...], b_ref[...])


def _tc_layer(p, x, deg, Wl, bl, Wr, g, b):
    return pl.pallas_call(
        _tc_body,
        out_shape=jax.ShapeDtypeStruct((_N, _D), jnp.float32),
    )(p, x, deg, Wl, bl.reshape(1, _D), Wr,
      g.reshape(1, _D), b.reshape(1, _D))


def kernel(x, edge_index, Wl0, bl0, Wr0, g0, b0, Wl1, bl1, Wr1, g1, b1):
    edges = edge_index.reshape(2, _NW, _NBLK, _BLK, _B)
    zeros2 = jnp.zeros((_B, _D), jnp.float32)
    zeros1 = jnp.zeros((_RPD,), jnp.float32)
    ones = jnp.ones((_B,), jnp.float32)

    part1, deg = _seg_sum_l1(x, edges, zeros2, zeros1, ones)
    deg = deg.reshape(_NC, _NPD // _D, _D)

    h1 = _tc_layer(part1, x, deg, Wl0, bl0, Wr0, g0, b0)

    (part2,) = _seg_sum_l2(h1, edges, zeros2, zeros1, ones)

    h2 = _tc_layer(part2, h1, deg, Wl1, bl1, Wr1, g1, b1)

    return h2

# --- scband reference (transcript-rebuilt; emitter-appended) ---
"""Pipeline reference for scband-gnn-27092653703483 (READ-ONLY COPY).

The authoritative reference and input builder live on the scoring server;
editing this copy changes nothing except your own understanding.
"""

import jax, jax.numpy as jnp
import numpy as np

N = 10000
E = 320000
D = 128
H = 128


def _sage(x, src, dst, Wl, bl, Wr):
    # PyG SAGEConv with mean aggregation: lin_l(mean_{j->i} x_j) + lin_r(x_i)
    agg = jax.ops.segment_sum(x[src], dst, num_segments=N)
    deg = jax.ops.segment_sum(jnp.ones((src.shape[0],), x.dtype), dst, num_segments=N)
    agg = agg / jnp.clip(deg, 1.0, None)[:, None]
    return agg @ Wl + bl + x @ Wr


def _bn_relu(h, g, b):
    # BatchNorm1d in training mode (batch statistics, biased variance) + relu
    m = jnp.mean(h, axis=0)
    v = jnp.var(h, axis=0)
    return jax.nn.relu(g * (h - m) / jnp.sqrt(v + 1e-5) + b)


def setup_inputs(seed: int = 0):
    key = jax.random.key(seed)
    ks = jax.random.split(key, 6)
    x = jax.random.normal(ks[0], (N, D), dtype=jnp.float32)
    edge_index = jax.random.randint(ks[1], (2, E), 0, N, dtype=jnp.int32)
    s = 0.05
    return {
        "x": x,
        "edge_index": edge_index,
        "Wl0": jax.random.normal(ks[2], (D, H), jnp.float32) * s,
        "bl0": jnp.zeros((H,), jnp.float32),
        "Wr0": jax.random.normal(ks[3], (D, H), jnp.float32) * s,
        "g0": jnp.ones((H,), jnp.float32),
        "b0": jnp.zeros((H,), jnp.float32),
        "Wl1": jax.random.normal(ks[4], (H, H), jnp.float32) * s,
        "bl1": jnp.zeros((H,), jnp.float32),
        "Wr1": jax.random.normal(ks[5], (H, H), jnp.float32) * s,
        "g1": jnp.ones((H,), jnp.float32),
        "b1": jnp.zeros((H,), jnp.float32),
    }


def reference(x, edge_index, Wl0, bl0, Wr0, g0, b0, Wl1, bl1, Wr1, g1, b1):
    src, dst = edge_index[0], edge_index[1]
    h = _sage(x, src, dst, Wl0, bl0, Wr0)
    h = _bn_relu(h, g0, b0)
    h = _sage(h, src, dst, Wl1, bl1, Wr1)
    h = _bn_relu(h, g1, b1)
    return h

if __name__ == "__main__":
    import jax
    _d = setup_inputs()
    print(jax.jit(kernel)(*tuple(_d.values())))

</pallas_src>

<mosaic_0001>
#map = affine_map<(d0, d1) -> (0, 0)>
#map1 = affine_map<(d0, d1) -> (0, 0, 0, 0, 0)>
#map2 = affine_map<(d0, d1) -> (0)>
#map3 = affine_map<(d0, d1) -> (0, 0, 0)>
module attributes {stable_mosaic.version = 14 : i64} {
  func.func @seg_sum(%arg0: i32, %arg1: i32, %arg2: memref<10000x128xf32, #tpu.memory_space<hbm>>, %arg3: memref<2x32x5x25x80xi32, #tpu.memory_space<hbm>>, %arg4: memref<80x128xf32, #tpu.memory_space<hbm>>, %arg5: memref<640xf32, #tpu.memory_space<hbm>>, %arg6: memref<80xf32, #tpu.memory_space<hbm>>, %arg7: memref<2x10112x128xf32, #tpu.memory_space<hbm>>, %arg8: memref<20480xf32, #tpu.memory_space<hbm>>, %arg9: memref<2x25x80xi32, #tpu.memory_space<vmem>>, %arg10: memref<2x25x80xi32, #tpu.memory_space<vmem>>, %arg11: memref<3x80x128xf32, #tpu.memory_space<vmem>>, %arg12: memref<80xf32, #tpu.memory_space<vmem>>, %arg13: memref<10112x128xf32, #tpu.memory_space<vmem_shared>>, %arg14: memref<10240xf32, #tpu.memory_space<vmem_shared>>, %arg15: memref<!tpu.dma_semaphore, #tpu.memory_space<semaphore_mem>>, %arg16: memref<!tpu.dma_semaphore, #tpu.memory_space<semaphore_mem>>, %arg17: memref<!tpu.dma_semaphore, #tpu.memory_space<semaphore_mem>>) attributes {dimension_semantics = [#tpu.dimension_semantics<core_parallel>, #tpu.dimension_semantics<subcore_parallel>], iteration_bounds = array<i64: 2, 16>, scalar_prefetch = 0 : i64, scratch_operands = 9 : i64, tpu.core_type = #tpu.core_type<sc_vector_subcore>, window_params = [{transform_indices = #map}, {transform_indices = #map1}, {transform_indices = #map}, {transform_indices = #map2}, {transform_indices = #map2}, {transform_indices = #map3}, {transform_indices = #map2}]} {
    %mul3A = arith.constant 2 : i32
    %mul3A_0 = arith.muli %arg1, %mul3A : i32
    %add3A = arith.addi %mul3A_0, %arg0 : i32
    %mul3A_1 = arith.constant 632 : i32
    %mul3A_2 = arith.muli %arg1, %mul3A_1 : i32
    %run_scoped3A = arith.constant 0 : i32
    "tpu.region"() ({
      %run_scoped3A_48 = tpu.sem_alloc : memref<!tpu.dma_semaphore, #tpu.memory_space<semaphore_mem>>
      %dma_start3A = arith.constant 0 : i32
      %dma_start3A_49 = arith.constant 0 : i32
      %dma_start3A_50 = tpu.memref_slice %arg11[%run_scoped3A, %dma_start3A, %dma_start3A_49] : memref<3x80x128xf32, #tpu.memory_space<vmem>> -> memref<1x80x128xf32, #tpu.memory_space<vmem>>
      %dma_start3A_51 = tpu.memref_squeeze %dma_start3A_50 : memref<1x80x128xf32, #tpu.memory_space<vmem>> -> memref<80x128xf32, #tpu.memory_space<vmem>>
      %dma_start3A_52 = arith.constant 0 : i32
      %dma_start3A_53 = arith.constant 0 : i32
      %dma_start3A_54 = tpu.memref_slice %arg11[%run_scoped3A, %dma_start3A_52, %dma_start3A_53] : memref<3x80x128xf32, #tpu.memory_space<vmem>> -> memref<1x80x128xf32, #tpu.memory_space<vmem>>
      %dma_start3A_55 = tpu.memref_squeeze %dma_start3A_54 : memref<1x80x128xf32, #tpu.memory_space<vmem>> -> memref<80x128xf32, #tpu.memory_space<vmem>>
      tpu.enqueue_dma source(%arg4 : memref<80x128xf32, #tpu.memory_space<hbm>>) target(%dma_start3A_55 : memref<80x128xf32, #tpu.memory_space<vmem>>) target_semaphore(%run_scoped3A_48 : memref<!tpu.dma_semaphore, #tpu.memory_space<semaphore_mem>>)
      %dma_wait3A = arith.constant 0 : i32
      %dma_wait3A_56 = arith.constant 0 : i32
      %dma_wait3A_57 = tpu.memref_slice %arg11[%run_scoped3A, %dma_wait3A, %dma_wait3A_56] : memref<3x80x128xf32, #tpu.memory_space<vmem>> -> memref<1x80x128xf32, #tpu.memory_space<vmem>>
      %dma_wait3A_58 = tpu.memref_squeeze %dma_wait3A_57 : memref<1x80x128xf32, #tpu.memory_space<vmem>> -> memref<80x128xf32, #tpu.memory_space<vmem>>
      %dma_wait3A_59 = arith.constant 0 : i32
      %dma_wait3A_60 = arith.constant 0 : i32
      %dma_wait3A_61 = tpu.memref_slice %arg11[%run_scoped3A, %dma_wait3A_59, %dma_wait3A_60] : memref<3x80x128xf32, #tpu.memory_space<vmem>> -> memref<1x80x128xf32, #tpu.memory_space<vmem>>
      %dma_wait3A_62 = tpu.memref_squeeze %dma_wait3A_61 : memref<1x80x128xf32, #tpu.memory_space<vmem>> -> memref<80x128xf32, #tpu.memory_space<vmem>>
      tpu.wait_dma2 semaphore(%run_scoped3A_48 : memref<!tpu.dma_semaphore, #tpu.memory_space<semaphore_mem>>) src(%arg4 : memref<80x128xf32, #tpu.memory_space<hbm>>) dst(%dma_wait3A_62 : memref<80x128xf32, #tpu.memory_space<vmem>>)
      tpu.yield
    }) : () -> ()
    %add3A_3 = arith.constant 0 : i32
    %add3A_4 = arith.addi %mul3A_2, %add3A_3 : i32
    %run_scoped3A_5 = arith.constant 0 : i32
    "tpu.region"() ({
      %run_scoped3A_48 = tpu.sem_alloc : memref<!tpu.dma_semaphore, #tpu.memory_space<semaphore_mem>>
      %dma_start3A = arith.constant 0 : i32
      %dma_start3A_49 = arith.constant 0 : i32
      %dma_start3A_50 = tpu.memref_slice %arg11[%run_scoped3A_5, %dma_start3A, %dma_start3A_49] : memref<3x80x128xf32, #tpu.memory_space<vmem>> -> memref<1x80x128xf32, #tpu.memory_space<vmem>>
      %dma_start3A_51 = tpu.memref_squeeze %dma_start3A_50 : memref<1x80x128xf32, #tpu.memory_space<vmem>> -> memref<80x128xf32, #tpu.memory_space<vmem>>
      %dma_start3A_52 = arith.constant 0 : i32
      %dma_start3A_53 = tpu.memref_slice %arg13[%add3A_4, %dma_start3A_52] : memref<10112x128xf32, #tpu.memory_space<vmem_shared>> -> memref<80x128xf32, #tpu.memory_space<vmem_shared>>
      %dma_start3A_54 = arith.constant 0 : i32
      %dma_start3A_55 = tpu.memref_slice %arg13[%add3A_4, %dma_start3A_54] : memref<10112x128xf32, #tpu.memory_space<vmem_shared>> -> memref<80x128xf32, #tpu.memory_space<vmem_shared>>
      %dma_start3A_56 = arith.constant 0 : i32
      %dma_start3A_57 = arith.constant 0 : i32
      %dma_start3A_58 = tpu.memref_slice %arg11[%run_scoped3A_5, %dma_start3A_56, %dma_start3A_57] : memref<3x80x128xf32, #tpu.memory_space<vmem>> -> memref<1x80x128xf32, #tpu.memory_space<vmem>>
      %dma_start3A_59 = tpu.memref_squeeze %dma_start3A_58 : memref<1x80x128xf32, #tpu.memory_space<vmem>> -> memref<80x128xf32, #tpu.memory_space<vmem>>
      tpu.enqueue_dma source(%dma_start3A_59 : memref<80x128xf32, #tpu.memory_space<vmem>>) target(%dma_start3A_55 : memref<80x128xf32, #tpu.memory_space<vmem_shared>>) target_semaphore(%run_scoped3A_48 : memref<!tpu.dma_semaphore, #tpu.memory_space<semaphore_mem>>)
      %dma_wait3A = arith.constant 0 : i32
      %dma_wait3A_60 = arith.constant 0 : i32
      %dma_wait3A_61 = tpu.memref_slice %arg11[%run_scoped3A_5, %dma_wait3A, %dma_wait3A_60] : memref<3x80x128xf32, #tpu.memory_space<vmem>> -> memref<1x80x128xf32, #tpu.memory_space<vmem>>
      %dma_wait3A_62 = tpu.memref_squeeze %dma_wait3A_61 : memref<1x80x128xf32, #tpu.memory_space<vmem>> -> memref<80x128xf32, #tpu.memory_space<vmem>>
      %dma_wait3A_63 = arith.constant 0 : i32
      %dma_wait3A_64 = tpu.memref_slice %arg13[%add3A_4, %dma_wait3A_63] : memref<10112x128xf32, #tpu.memory_space<vmem_shared>> -> memref<80x128xf32, #tpu.memory_space<vmem_shared>>
      %dma_wait3A_65 = arith.constant 0 : i32
      %dma_wait3A_66 = tpu.memref_slice %arg13[%add3A_4, %dma_wait3A_65] : memref<10112x128xf32, #tpu.memory_space<vmem_shared>> -> memref<80x128xf32, #tpu.memory_space<vmem_shared>>
      %dma_wait3A_67 = arith.constant 0 : i32
      %dma_wait3A_68 = arith.constant 0 : i32
      %dma_wait3A_69 = tpu.memref_slice %arg11[%run_scoped3A_5, %dma_wait3A_67, %dma_wait3A_68] : memref<3x80x128xf32, #tpu.memory_space<vmem>> -> memref<1x80x128xf32, #tpu.memory_space<vmem>>
      %dma_wait3A_70 = tpu.memref_squeeze %dma_wait3A_69 : memref<1x80x128xf32, #tpu.memory_space<vmem>> -> memref<80x128xf32, #tpu.memory_space<vmem>>
      tpu.wait_dma2 semaphore(%run_scoped3A_48 : memref<!tpu.dma_semaphore, #tpu.memory_space<semaphore_mem>>) src(%dma_wait3A_70 : memref<80x128xf32, #tpu.memory_space<vmem>>) dst(%dma_wait3A_66 : memref<80x128xf32, #tpu.memory_space<vmem_shared>>)
      tpu.yield
    }) : () -> ()
    %add3A_6 = arith.constant 80 : i32
    %add3A_7 = arith.addi %mul3A_2, %add3A_6 : i32
    %run_scoped3A_8 = arith.constant 0 : i32
    "tpu.region"() ({
      %run_scoped3A_48 = tpu.sem_alloc : memref<!tpu.dma_semaphore, #tpu.memory_space<semaphore_mem>>
      %dma_start3A = arith.constant 0 : i32
      %dma_start3A_49 = arith.constant 0 : i32
      %dma_start3A_50 = tpu.memref_slice %arg11[%run_scoped3A_8, %dma_start3A, %dma_start3A_49] : memref<3x80x128xf32, #tpu.memory_space<vmem>> -> memref<1x80x128xf32, #tpu.memory_space<vmem>>
      %dma_start3A_51 = tpu.memref_squeeze %dma_start3A_50 : memref<1x80x128xf32, #tpu.memory_space<vmem>> -> memref<80x128xf32, #tpu.memory_space<vmem>>
      %dma_start3A_52 = arith.constant 0 : i32
      %dma_start3A_53 = tpu.memref_slice %arg13[%add3A_7, %dma_start3A_52] : memref<10112x128xf32, #tpu.memory_space<vmem_shared>> -> memref<80x128xf32, #tpu.memory_space<vmem_shared>>
      %dma_start3A_54 = arith.constant 0 : i32
      %dma_start3A_55 = tpu.memref_slice %arg13[%add3A_7, %dma_start3A_54] : memref<10112x128xf32, #tpu.memory_space<vmem_shared>> -> memref<80x128xf32, #tpu.memory_space<vmem_shared>>
      %dma_start3A_56 = arith.constant 0 : i32
      %dma_start3A_57 = arith.constant 0 : i32
      %dma_start3A_58 = tpu.memref_slice %arg11[%run_scoped3A_8, %dma_start3A_56, %dma_start3A_57] : memref<3x80x128xf32, #tpu.memory_space<vmem>> -> memref<1x80x128xf32, #tpu.memory_space<vmem>>
      %dma_start3A_59 = tpu.memref_squeeze %dma_start3A_58 : memref<1x80x128xf32, #tpu.memory_space<vmem>> -> memref<80x128xf32, #tpu.memory_space<vmem>>
      tpu.enqueue_dma source(%dma_start3A_59 : memref<80x128xf32, #tpu.memory_space<vmem>>) target(%dma_start3A_55 : memref<80x128xf32, #tpu.memory_space<vmem_shared>>) target_semaphore(%run_scoped3A_48 : memref<!tpu.dma_semaphore, #tpu.memory_space<semaphore_mem>>)
      %dma_wait3A = arith.constant 0 : i32
      %dma_wait3A_60 = arith.constant 0 : i32
      %dma_wait3A_61 = tpu.memref_slice %arg11[%run_scoped3A_8, %dma_wait3A, %dma_wait3A_60] : memref<3x80x128xf32, #tpu.memory_space<vmem>> -> memref<1x80x128xf32, #tpu.memory_space<vmem>>
      %dma_wait3A_62 = tpu.memref_squeeze %dma_wait3A_61 : memref<1x80x128xf32, #tpu.memory_space<vmem>> -> memref<80x128xf32, #tpu.memory_space<vmem>>
      %dma_wait3A_63 = arith.constant 0 : i32
      %dma_wait3A_64 = tpu.memref_slice %arg13[%add3A_7, %dma_wait3A_63] : memref<10112x128xf32, #tpu.memory_space<vmem_shared>> -> memref<80x128xf32, #tpu.memory_space<vmem_shared>>
      %dma_wait3A_65 = arith.constant 0 : i32
      %dma_wait3A_66 = tpu.memref_slice %arg13[%add3A_7, %dma_wait3A_65] : memref<10112x128xf32, #tpu.memory_space<vmem_shared>> -> memref<80x128xf32, #tpu.memory_space<vmem_shared>>
      %dma_wait3A_67 = arith.constant 0 : i32
      %dma_wait3A_68 = arith.constant 0 : i32
      %dma_wait3A_69 = tpu.memref_slice %arg11[%run_scoped3A_8, %dma_wait3A_67, %dma_wait3A_68] : memref<3x80x128xf32, #tpu.memory_space<vmem>> -> memref<1x80x128xf32, #tpu.memory_space<vmem>>
      %dma_wait3A_70 = tpu.memref_squeeze %dma_wait3A_69 : memref<1x80x128xf32, #tpu.memory_space<vmem>> -> memref<80x128xf32, #tpu.memory_space<vmem>>
      tpu.wait_dma2 semaphore(%run_scoped3A_48 : memref<!tpu.dma_semaphore, #tpu.memory_space<semaphore_mem>>) src(%dma_wait3A_70 : memref<80x128xf32, #tpu.memory_space<vmem>>) dst(%dma_wait3A_66 : memref<80x128xf32, #tpu.memory_space<vmem_shared>>)
      tpu.yield
    }) : () -> ()
    %add3A_9 = arith.constant 160 : i32
    %add3A_10 = arith.addi %mul3A_2, %add3A_9 : i32
    %run_scoped3A_11 = arith.constant 0 : i32
    "tpu.region"() ({
      %run_scoped3A_48 = tpu.sem_alloc : memref<!tpu.dma_semaphore, #tpu.memory_space<semaphore_mem>>
      %dma_start3A = arith.constant 0 : i32
      %dma_start3A_49 = arith.constant 0 : i32
      %dma_start3A_50 = tpu.memref_slice %arg11[%run_scoped3A_11, %dma_start3A, %dma_start3A_49] : memref<3x80x128xf32, #tpu.memory_space<vmem>> -> memref<1x80x128xf32, #tpu.memory_space<vmem>>
      %dma_start3A_51 = tpu.memref_squeeze %dma_start3A_50 : memref<1x80x128xf32, #tpu.memory_space<vmem>> -> memref<80x128xf32, #tpu.memory_space<vmem>>
      %dma_start3A_52 = arith.constant 0 : i32
      %dma_start3A_53 = tpu.memref_slice %arg13[%add3A_10, %dma_start3A_52] : memref<10112x128xf32, #tpu.memory_space<vmem_shared>> -> memref<80x128xf32, #tpu.memory_space<vmem_shared>>
      %dma_start3A_54 = arith.constant 0 : i32
      %dma_start3A_55 = tpu.memref_slice %arg13[%add3A_10, %dma_start3A_54] : memref<10112x128xf32, #tpu.memory_space<vmem_shared>> -> memref<80x128xf32, #tpu.memory_space<vmem_shared>>
      %dma_start3A_56 = arith.constant 0 : i32
      %dma_start3A_57 = arith.constant 0 : i32
      %dma_start3A_58 = tpu.memref_slice %arg11[%run_scoped3A_11, %dma_start3A_56, %dma_start3A_57] : memref<3x80x128xf32, #tpu.memory_space<vmem>> -> memref<1x80x128xf32, #tpu.memory_space<vmem>>
      %dma_start3A_59 = tpu.memref_squeeze %dma_start3A_58 : memref<1x80x128xf32, #tpu.memory_space<vmem>> -> memref<80x128xf32, #tpu.memory_space<vmem>>
      tpu.enqueue_dma source(%dma_start3A_59 : memref<80x128xf32, #tpu.memory_space<vmem>>) target(%dma_start3A_55 : memref<80x128xf32, #tpu.memory_space<vmem_shared>>) target_semaphore(%run_scoped3A_48 : memref<!tpu.dma_semaphore, #tpu.memory_space<semaphore_mem>>)
      %dma_wait3A = arith.constant 0 : i32
      %dma_wait3A_60 = arith.constant 0 : i32
      %dma_wait3A_61 = tpu.memref_slice %arg11[%run_scoped3A_11, %dma_wait3A, %dma_wait3A_60] : memref<3x80x128xf32, #tpu.memory_space<vmem>> -> memref<1x80x128xf32, #tpu.memory_space<vmem>>
      %dma_wait3A_62 = tpu.memref_squeeze %dma_wait3A_61 : memref<1x80x128xf32, #tpu.memory_space<vmem>> -> memref<80x128xf32, #tpu.memory_space<vmem>>
      %dma_wait3A_63 = arith.constant 0 : i32
      %dma_wait3A_64 = tpu.memref_slice %arg13[%add3A_10, %dma_wait3A_63] : memref<10112x128xf32, #tpu.memory_space<vmem_shared>> -> memref<80x128xf32, #tpu.memory_space<vmem_shared>>
      %dma_wait3A_65 = arith.constant 0 : i32
      %dma_wait3A_66 = tpu.memref_slice %arg13[%add3A_10, %dma_wait3A_65] : memref<10112x128xf32, #tpu.memory_space<vmem_shared>> -> memref<80x128xf32, #tpu.memory_space<vmem_shared>>
      %dma_wait3A_67 = arith.constant 0 : i32
      %dma_wait3A_68 = arith.constant 0 : i32
      %dma_wait3A_69 = tpu.memref_slice %arg11[%run_scoped3A_11, %dma_wait3A_67, %dma_wait3A_68] : memref<3x80x128xf32, #tpu.memory_space<vmem>> -> memref<1x80x128xf32, #tpu.memory_space<vmem>>
      %dma_wait3A_70 = tpu.memref_squeeze %dma_wait3A_69 : memref<1x80x128xf32, #tpu.memory_space<vmem>> -> memref<80x128xf32, #tpu.memory_space<vmem>>
      tpu.wait_dma2 semaphore(%run_scoped3A_48 : memref<!tpu.dma_semaphore, #tpu.memory_space<semaphore_mem>>) src(%dma_wait3A_70 : memref<80x128xf32, #tpu.memory_space<vmem>>) dst(%dma_wait3A_66 : memref<80x128xf32, #tpu.memory_space<vmem_shared>>)
      tpu.yield
    }) : () -> ()
    %add3A_12 = arith.constant 240 : i32
    %add3A_13 = arith.addi %mul3A_2, %add3A_12 : i32
    %run_scoped3A_14 = arith.constant 0 : i32
    "tpu.region"() ({
      %run_scoped3A_48 = tpu.sem_alloc : memref<!tpu.dma_semaphore, #tpu.memory_space<semaphore_mem>>
      %dma_start3A = arith.constant 0 : i32
      %dma_start3A_49 = arith.constant 0 : i32
      %dma_start3A_50 = tpu.memref_slice %arg11[%run_scoped3A_14, %dma_start3A, %dma_start3A_49] : memref<3x80x128xf32, #tpu.memory_space<vmem>> -> memref<1x80x128xf32, #tpu.memory_space<vmem>>
      %dma_start3A_51 = tpu.memref_squeeze %dma_start3A_50 : memref<1x80x128xf32, #tpu.memory_space<vmem>> -> memref<80x128xf32, #tpu.memory_space<vmem>>
      %dma_start3A_52 = arith.constant 0 : i32
      %dma_start3A_53 = tpu.memref_slice %arg13[%add3A_13, %dma_start3A_52] : memref<10112x128xf32, #tpu.memory_space<vmem_shared>> -> memref<80x128xf32, #tpu.memory_space<vmem_shared>>
      %dma_start3A_54 = arith.constant 0 : i32
      %dma_start3A_55 = tpu.memref_slice %arg13[%add3A_13, %dma_start3A_54] : memref<10112x128xf32, #tpu.memory_space<vmem_shared>> -> memref<80x128xf32, #tpu.memory_space<vmem_shared>>
      %dma_start3A_56 = arith.constant 0 : i32
      %dma_start3A_57 = arith.constant 0 : i32
      %dma_start3A_58 = tpu.memref_slice %arg11[%run_scoped3A_14, %dma_start3A_56, %dma_start3A_57] : memref<3x80x128xf32, #tpu.memory_space<vmem>> -> memref<1x80x128xf32, #tpu.memory_space<vmem>>
      %dma_start3A_59 = tpu.memref_squeeze %dma_start3A_58 : memref<1x80x128xf32, #tpu.memory_space<vmem>> -> memref<80x128xf32, #tpu.memory_space<vmem>>
      tpu.enqueue_dma source(%dma_start3A_59 : memref<80x128xf32, #tpu.memory_space<vmem>>) target(%dma_start3A_55 : memref<80x128xf32, #tpu.memory_space<vmem_shared>>) target_semaphore(%run_scoped3A_48 : memref<!tpu.dma_semaphore, #tpu.memory_space<semaphore_mem>>)
      %dma_wait3A = arith.constant 0 : i32
      %dma_wait3A_60 = arith.constant 0 : i32
      %dma_wait3A_61 = tpu.memref_slice %arg11[%run_scoped3A_14, %dma_wait3A, %dma_wait3A_60] : memref<3x80x128xf32, #tpu.memory_space<vmem>> -> memref<1x80x128xf32, #tpu.memory_space<vmem>>
      %dma_wait3A_62 = tpu.memref_squeeze %dma_wait3A_61 : memref<1x80x128xf32, #tpu.memory_space<vmem>> -> memref<80x128xf32, #tpu.memory_space<vmem>>
      %dma_wait3A_63 = arith.constant 0 : i32
      %dma_wait3A_64 = tpu.memref_slice %arg13[%add3A_13, %dma_wait3A_63] : memref<10112x128xf32, #tpu.memory_space<vmem_shared>> -> memref<80x128xf32, #tpu.memory_space<vmem_shared>>
      %dma_wait3A_65 = arith.constant 0 : i32
      %dma_wait3A_66 = tpu.memref_slice %arg13[%add3A_13, %dma_wait3A_65] : memref<10112x128xf32, #tpu.memory_space<vmem_shared>> -> memref<80x128xf32, #tpu.memory_space<vmem_shared>>
      %dma_wait3A_67 = arith.constant 0 : i32
      %dma_wait3A_68 = arith.constant 0 : i32
      %dma_wait3A_69 = tpu.memref_slice %arg11[%run_scoped3A_14, %dma_wait3A_67, %dma_wait3A_68] : memref<3x80x128xf32, #tpu.memory_space<vmem>> -> memref<1x80x128xf32, #tpu.memory_space<vmem>>
      %dma_wait3A_70 = tpu.memref_squeeze %dma_wait3A_69 : memref<1x80x128xf32, #tpu.memory_space<vmem>> -> memref<80x128xf32, #tpu.memory_space<vmem>>
      tpu.wait_dma2 semaphore(%run_scoped3A_48 : memref<!tpu.dma_semaphore, #tpu.memory_space<semaphore_mem>>) src(%dma_wait3A_70 : memref<80x128xf32, #tpu.memory_space<vmem>>) dst(%dma_wait3A_66 : memref<80x128xf32, #tpu.memory_space<vmem_shared>>)
      tpu.yield
    }) : () -> ()
    %add3A_15 = arith.constant 320 : i32
    %add3A_16 = arith.addi %mul3A_2, %add3A_15 : i32
    %run_scoped3A_17 = arith.constant 0 : i32
    "tpu.region"() ({
      %run_scoped3A_48 = tpu.sem_alloc : memref<!tpu.dma_semaphore, #tpu.memory_space<semaphore_mem>>
      %dma_start3A = arith.constant 0 : i32
      %dma_start3A_49 = arith.constant 0 : i32
      %dma_start3A_50 = tpu.memref_slice %arg11[%run_scoped3A_17, %dma_start3A, %dma_start3A_49] : memref<3x80x128xf32, #tpu.memory_space<vmem>> -> memref<1x80x128xf32, #tpu.memory_space<vmem>>
      %dma_start3A_51 = tpu.memref_squeeze %dma_start3A_50 : memref<1x80x128xf32, #tpu.memory_space<vmem>> -> memref<80x128xf32, #tpu.memory_space<vmem>>
      %dma_start3A_52 = arith.constant 0 : i32
      %dma_start3A_53 = tpu.memref_slice %arg13[%add3A_16, %dma_start3A_52] : memref<10112x128xf32, #tpu.memory_space<vmem_shared>> -> memref<80x128xf32, #tpu.memory_space<vmem_shared>>
      %dma_start3A_54 = arith.constant 0 : i32
      %dma_start3A_55 = tpu.memref_slice %arg13[%add3A_16, %dma_start3A_54] : memref<10112x128xf32, #tpu.memory_space<vmem_shared>> -> memref<80x128xf32, #tpu.memory_space<vmem_shared>>
      %dma_start3A_56 = arith.constant 0 : i32
      %dma_start3A_57 = arith.constant 0 : i32
      %dma_start3A_58 = tpu.memref_slice %arg11[%run_scoped3A_17, %dma_start3A_56, %dma_start3A_57] : memref<3x80x128xf32, #tpu.memory_space<vmem>> -> memref<1x80x128xf32, #tpu.memory_space<vmem>>
      %dma_start3A_59 = tpu.memref_squeeze %dma_start3A_58 : memref<1x80x128xf32, #tpu.memory_space<vmem>> -> memref<80x128xf32, #tpu.memory_space<vmem>>
      tpu.enqueue_dma source(%dma_start3A_59 : memref<80x128xf32, #tpu.memory_space<vmem>>) target(%dma_start3A_55 : memref<80x128xf32, #tpu.memory_space<vmem_shared>>) target_semaphore(%run_scoped3A_48 : memref<!tpu.dma_semaphore, #tpu.memory_space<semaphore_mem>>)
      %dma_wait3A = arith.constant 0 : i32
      %dma_wait3A_60 = arith.constant 0 : i32
      %dma_wait3A_61 = tpu.memref_slice %arg11[%run_scoped3A_17, %dma_wait3A, %dma_wait3A_60] : memref<3x80x128xf32, #tpu.memory_space<vmem>> -> memref<1x80x128xf32, #tpu.memory_space<vmem>>
      %dma_wait3A_62 = tpu.memref_squeeze %dma_wait3A_61 : memref<1x80x128xf32, #tpu.memory_space<vmem>> -> memref<80x128xf32, #tpu.memory_space<vmem>>
      %dma_wait3A_63 = arith.constant 0 : i32
      %dma_wait3A_64 = tpu.memref_slice %arg13[%add3A_16, %dma_wait3A_63] : memref<10112x128xf32, #tpu.memory_space<vmem_shared>> -> memref<80x128xf32, #tpu.memory_space<vmem_shared>>
      %dma_wait3A_65 = arith.constant 0 : i32
      %dma_wait3A_66 = tpu.memref_slice %arg13[%add3A_16, %dma_wait3A_65] : memref<10112x128xf32, #tpu.memory_space<vmem_shared>> -> memref<80x128xf32, #tpu.memory_space<vmem_shared>>
      %dma_wait3A_67 = arith.constant 0 : i32
      %dma_wait3A_68 = arith.constant 0 : i32
      %dma_wait3A_69 = tpu.memref_slice %arg11[%run_scoped3A_17, %dma_wait3A_67, %dma_wait3A_68] : memref<3x80x128xf32, #tpu.memory_space<vmem>> -> memref<1x80x128xf32, #tpu.memory_space<vmem>>
      %dma_wait3A_70 = tpu.memref_squeeze %dma_wait3A_69 : memref<1x80x128xf32, #tpu.memory_space<vmem>> -> memref<80x128xf32, #tpu.memory_space<vmem>>
      tpu.wait_dma2 semaphore(%run_scoped3A_48 : memref<!tpu.dma_semaphore, #tpu.memory_space<semaphore_mem>>) src(%dma_wait3A_70 : memref<80x128xf32, #tpu.memory_space<vmem>>) dst(%dma_wait3A_66 : memref<80x128xf32, #tpu.memory_space<vmem_shared>>)
      tpu.yield
    }) : () -> ()
    %add3A_18 = arith.constant 400 : i32
    %add3A_19 = arith.addi %mul3A_2, %add3A_18 : i32
    %run_scoped3A_20 = arith.constant 0 : i32
    "tpu.region"() ({
      %run_scoped3A_48 = tpu.sem_alloc : memref<!tpu.dma_semaphore, #tpu.memory_space<semaphore_mem>>
      %dma_start3A = arith.constant 0 : i32
      %dma_start3A_49 = arith.constant 0 : i32
      %dma_start3A_50 = tpu.memref_slice %arg11[%run_scoped3A_20, %dma_start3A, %dma_start3A_49] : memref<3x80x128xf32, #tpu.memory_space<vmem>> -> memref<1x80x128xf32, #tpu.memory_space<vmem>>
      %dma_start3A_51 = tpu.memref_squeeze %dma_start3A_50 : memref<1x80x128xf32, #tpu.memory_space<vmem>> -> memref<80x128xf32, #tpu.memory_space<vmem>>
      %dma_start3A_52 = arith.constant 0 : i32
      %dma_start3A_53 = tpu.memref_slice %arg13[%add3A_19, %dma_start3A_52] : memref<10112x128xf32, #tpu.memory_space<vmem_shared>> -> memref<80x128xf32, #tpu.memory_space<vmem_shared>>
      %dma_start3A_54 = arith.constant 0 : i32
      %dma_start3A_55 = tpu.memref_slice %arg13[%add3A_19, %dma_start3A_54] : memref<10112x128xf32, #tpu.memory_space<vmem_shared>> -> memref<80x128xf32, #tpu.memory_space<vmem_shared>>
      %dma_start3A_56 = arith.constant 0 : i32
      %dma_start3A_57 = arith.constant 0 : i32
      %dma_start3A_58 = tpu.memref_slice %arg11[%run_scoped3A_20, %dma_start3A_56, %dma_start3A_57] : memref<3x80x128xf32, #tpu.memory_space<vmem>> -> memref<1x80x128xf32, #tpu.memory_space<vmem>>
      %dma_start3A_59 = tpu.memref_squeeze %dma_start3A_58 : memref<1x80x128xf32, #tpu.memory_space<vmem>> -> memref<80x128xf32, #tpu.memory_space<vmem>>
      tpu.enqueue_dma source(%dma_start3A_59 : memref<80x128xf32, #tpu.memory_space<vmem>>) target(%dma_start3A_55 : memref<80x128xf32, #tpu.memory_space<vmem_shared>>) target_semaphore(%run_scoped3A_48 : memref<!tpu.dma_semaphore, #tpu.memory_space<semaphore_mem>>)
      %dma_wait3A = arith.constant 0 : i32
      %dma_wait3A_60 = arith.constant 0 : i32
      %dma_wait3A_61 = tpu.memref_slice %arg11[%run_scoped3A_20, %dma_wait3A, %dma_wait3A_60] : memref<3x80x128xf32, #tpu.memory_space<vmem>> -> memref<1x80x128xf32, #tpu.memory_space<vmem>>
      %dma_wait3A_62 = tpu.memref_squeeze %dma_wait3A_61 : memref<1x80x128xf32, #tpu.memory_space<vmem>> -> memref<80x128xf32, #tpu.memory_space<vmem>>
      %dma_wait3A_63 = arith.constant 0 : i32
      %dma_wait3A_64 = tpu.memref_slice %arg13[%add3A_19, %dma_wait3A_63] : memref<10112x128xf32, #tpu.memory_space<vmem_shared>> -> memref<80x128xf32, #tpu.memory_space<vmem_shared>>
      %dma_wait3A_65 = arith.constant 0 : i32
      %dma_wait3A_66 = tpu.memref_slice %arg13[%add3A_19, %dma_wait3A_65] : memref<10112x128xf32, #tpu.memory_space<vmem_shared>> -> memref<80x128xf32, #tpu.memory_space<vmem_shared>>
      %dma_wait3A_67 = arith.constant 0 : i32
      %dma_wait3A_68 = arith.constant 0 : i32
      %dma_wait3A_69 = tpu.memref_slice %arg11[%run_scoped3A_20, %dma_wait3A_67, %dma_wait3A_68] : memref<3x80x128xf32, #tpu.memory_space<vmem>> -> memref<1x80x128xf32, #tpu.memory_space<vmem>>
      %dma_wait3A_70 = tpu.memref_squeeze %dma_wait3A_69 : memref<1x80x128xf32, #tpu.memory_space<vmem>> -> memref<80x128xf32, #tpu.memory_space<vmem>>
      tpu.wait_dma2 semaphore(%run_scoped3A_48 : memref<!tpu.dma_semaphore, #tpu.memory_space<semaphore_mem>>) src(%dma_wait3A_70 : memref<80x128xf32, #tpu.memory_space<vmem>>) dst(%dma_wait3A_66 : memref<80x128xf32, #tpu.memory_space<vmem_shared>>)
      tpu.yield
    }) : () -> ()
    %add3A_21 = arith.constant 480 : i32
    %add3A_22 = arith.addi %mul3A_2, %add3A_21 : i32
    %run_scoped3A_23 = arith.constant 0 : i32
    "tpu.region"() ({
      %run_scoped3A_48 = tpu.sem_alloc : memref<!tpu.dma_semaphore, #tpu.memory_space<semaphore_mem>>
      %dma_start3A = arith.constant 0 : i32
      %dma_start3A_49 = arith.constant 0 : i32
      %dma_start3A_50 = tpu.memref_slice %arg11[%run_scoped3A_23, %dma_start3A, %dma_start3A_49] : memref<3x80x128xf32, #tpu.memory_space<vmem>> -> memref<1x80x128xf32, #tpu.memory_space<vmem>>
      %dma_start3A_51 = tpu.memref_squeeze %dma_start3A_50 : memref<1x80x128xf32, #tpu.memory_space<vmem>> -> memref<80x128xf32, #tpu.memory_space<vmem>>
      %dma_start3A_52 = arith.constant 0 : i32
      %dma_start3A_53 = tpu.memref_slice %arg13[%add3A_22, %dma_start3A_52] : memref<10112x128xf32, #tpu.memory_space<vmem_shared>> -> memref<80x128xf32, #tpu.memory_space<vmem_shared>>
      %dma_start3A_54 = arith.constant 0 : i32
      %dma_start3A_55 = tpu.memref_slice %arg13[%add3A_22, %dma_start3A_54] : memref<10112x128xf32, #tpu.memory_space<vmem_shared>> -> memref<80x128xf32, #tpu.memory_space<vmem_shared>>
      %dma_start3A_56 = arith.constant 0 : i32
      %dma_start3A_57 = arith.constant 0 : i32
      %dma_start3A_58 = tpu.memref_slice %arg11[%run_scoped3A_23, %dma_start3A_56, %dma_start3A_57] : memref<3x80x128xf32, #tpu.memory_space<vmem>> -> memref<1x80x128xf32, #tpu.memory_space<vmem>>
      %dma_start3A_59 = tpu.memref_squeeze %dma_start3A_58 : memref<1x80x128xf32, #tpu.memory_space<vmem>> -> memref<80x128xf32, #tpu.memory_space<vmem>>
      tpu.enqueue_dma source(%dma_start3A_59 : memref<80x128xf32, #tpu.memory_space<vmem>>) target(%dma_start3A_55 : memref<80x128xf32, #tpu.memory_space<vmem_shared>>) target_semaphore(%run_scoped3A_48 : memref<!tpu.dma_semaphore, #tpu.memory_space<semaphore_mem>>)
      %dma_wait3A = arith.constant 0 : i32
      %dma_wait3A_60 = arith.constant 0 : i32
      %dma_wait3A_61 = tpu.memref_slice %arg11[%run_scoped3A_23, %dma_wait3A, %dma_wait3A_60] : memref<3x80x128xf32, #tpu.memory_space<vmem>> -> memref<1x80x128xf32, #tpu.memory_space<vmem>>
      %dma_wait3A_62 = tpu.memref_squeeze %dma_wait3A_61 : memref<1x80x128xf32, #tpu.memory_space<vmem>> -> memref<80x128xf32, #tpu.memory_space<vmem>>
      %dma_wait3A_63 = arith.constant 0 : i32
      %dma_wait3A_64 = tpu.memref_slice %arg13[%add3A_22, %dma_wait3A_63] : memref<10112x128xf32, #tpu.memory_space<vmem_shared>> -> memref<80x128xf32, #tpu.memory_space<vmem_shared>>
      %dma_wait3A_65 = arith.constant 0 : i32
      %dma_wait3A_66 = tpu.memref_slice %arg13[%add3A_22, %dma_wait3A_65] : memref<10112x128xf32, #tpu.memory_space<vmem_shared>> -> memref<80x128xf32, #tpu.memory_space<vmem_shared>>
      %dma_wait3A_67 = arith.constant 0 : i32
      %dma_wait3A_68 = arith.constant 0 : i32
      %dma_wait3A_69 = tpu.memref_slice %arg11[%run_scoped3A_23, %dma_wait3A_67, %dma_wait3A_68] : memref<3x80x128xf32, #tpu.memory_space<vmem>> -> memref<1x80x128xf32, #tpu.memory_space<vmem>>
      %dma_wait3A_70 = tpu.memref_squeeze %dma_wait3A_69 : memref<1x80x128xf32, #tpu.memory_space<vmem>> -> memref<80x128xf32, #tpu.memory_space<vmem>>
      tpu.wait_dma2 semaphore(%run_scoped3A_48 : memref<!tpu.dma_semaphore, #tpu.memory_space<semaphore_mem>>) src(%dma_wait3A_70 : memref<80x128xf32, #tpu.memory_space<vmem>>) dst(%dma_wait3A_66 : memref<80x128xf32, #tpu.memory_space<vmem_shared>>)
      tpu.yield
    }) : () -> ()
    %add3A_24 = arith.constant 560 : i32
    %add3A_25 = arith.addi %mul3A_2, %add3A_24 : i32
    %run_scoped3A_26 = arith.constant 0 : i32
    "tpu.region"() ({
      %run_scoped3A_48 = tpu.sem_alloc : memref<!tpu.dma_semaphore, #tpu.memory_space<semaphore_mem>>
      %dma_start3A = arith.constant 0 : i32
      %dma_start3A_49 = arith.constant 0 : i32
      %dma_start3A_50 = tpu.memref_slice %arg11[%run_scoped3A_26, %dma_start3A, %dma_start3A_49] : memref<3x80x128xf32, #tpu.memory_space<vmem>> -> memref<1x72x128xf32, #tpu.memory_space<vmem>>
      %dma_start3A_51 = tpu.memref_squeeze %dma_start3A_50 : memref<1x72x128xf32, #tpu.memory_space<vmem>> -> memref<72x128xf32, #tpu.memory_space<vmem>>
      %dma_start3A_52 = arith.constant 0 : i32
      %dma_start3A_53 = tpu.memref_slice %arg13[%add3A_25, %dma_start3A_52] : memref<10112x128xf32, #tpu.memory_space<vmem_shared>> -> memref<72x128xf32, #tpu.memory_space<vmem_shared>>
      %dma_start3A_54 = arith.constant 0 : i32
      %dma_start3A_55 = tpu.memref_slice %arg13[%add3A_25, %dma_start3A_54] : memref<10112x128xf32, #tpu.memory_space<vmem_shared>> -> memref<72x128xf32, #tpu.memory_space<vmem_shared>>
      %dma_start3A_56 = arith.constant 0 : i32
      %dma_start3A_57 = arith.constant 0 : i32
      %dma_start3A_58 = tpu.memref_slice %arg11[%run_scoped3A_26, %dma_start3A_56, %dma_start3A_57] : memref<3x80x128xf32, #tpu.memory_space<vmem>> -> memref<1x72x128xf32, #tpu.memory_space<vmem>>
      %dma_start3A_59 = tpu.memref_squeeze %dma_start3A_58 : memref<1x72x128xf32, #tpu.memory_space<vmem>> -> memref<72x128xf32, #tpu.memory_space<vmem>>
      tpu.enqueue_dma source(%dma_start3A_59 : memref<72x128xf32, #tpu.memory_space<vmem>>) target(%dma_start3A_55 : memref<72x128xf32, #tpu.memory_space<vmem_shared>>) target_semaphore(%run_scoped3A_48 : memref<!tpu.dma_semaphore, #tpu.memory_space<semaphore_mem>>)
      %dma_wait3A = arith.constant 0 : i32
      %dma_wait3A_60 = arith.constant 0 : i32
      %dma_wait3A_61 = tpu.memref_slice %arg11[%run_scoped3A_26, %dma_wait3A, %dma_wait3A_60] : memref<3x80x128xf32, #tpu.memory_space<vmem>> -> memref<1x72x128xf32, #tpu.memory_space<vmem>>
      %dma_wait3A_62 = tpu.memref_squeeze %dma_wait3A_61 : memref<1x72x128xf32, #tpu.memory_space<vmem>> -> memref<72x128xf32, #tpu.memory_space<vmem>>
      %dma_wait3A_63 = arith.constant 0 : i32
      %dma_wait3A_64 = tpu.memref_slice %arg13[%add3A_25, %dma_wait3A_63] : memref<10112x128xf32, #tpu.memory_space<vmem_shared>> -> memref<72x128xf32, #tpu.memory_space<vmem_shared>>
      %dma_wait3A_65 = arith.constant 0 : i32
      %dma_wait3A_66 = tpu.memref_slice %arg13[%add3A_25, %dma_wait3A_65] : memref<10112x128xf32, #tpu.memory_space<vmem_shared>> -> memref<72x128xf32, #tpu.memory_space<vmem_shared>>
      %dma_wait3A_67 = arith.constant 0 : i32
      %dma_wait3A_68 = arith.constant 0 : i32
      %dma_wait3A_69 = tpu.memref_slice %arg11[%run_scoped3A_26, %dma_wait3A_67, %dma_wait3A_68] : memref<3x80x128xf32, #tpu.memory_space<vmem>> -> memref<1x72x128xf32, #tpu.memory_space<vmem>>
      %dma_wait3A_70 = tpu.memref_squeeze %dma_wait3A_69 : memref<1x72x128xf32, #tpu.memory_space<vmem>> -> memref<72x128xf32, #tpu.memory_space<vmem>>
      tpu.wait_dma2 semaphore(%run_scoped3A_48 : memref<!tpu.dma_semaphore, #tpu.memory_space<semaphore_mem>>) src(%dma_wait3A_70 : memref<72x128xf32, #tpu.memory_space<vmem>>) dst(%dma_wait3A_66 : memref<72x128xf32, #tpu.memory_space<vmem_shared>>)
      tpu.yield
    }) : () -> ()
    %mul3A_27 = arith.constant 640 : i32
    %mul3A_28 = arith.muli %arg1, %mul3A_27 : i32
    "tpu.region"() ({
      %run_scoped3A_48 = tpu.sem_alloc : memref<!tpu.dma_semaphore, #tpu.memory_space<semaphore_mem>>
      %dma_start3A = tpu.memref_slice %arg14[%mul3A_28] : memref<10240xf32, #tpu.memory_space<vmem_shared>> -> memref<640xf32, #tpu.memory_space<vmem_shared>>
      tpu.enqueue_dma source(%arg5 : memref<640xf32, #tpu.memory_space<hbm>>) target(%dma_start3A : memref<640xf32, #tpu.memory_space<vmem_shared>>) target_semaphore(%run_scoped3A_48 : memref<!tpu.dma_semaphore, #tpu.memory_space<semaphore_mem>>)
      %dma_wait3A = tpu.memref_slice %arg14[%mul3A_28] : memref<10240xf32, #tpu.memory_space<vmem_shared>> -> memref<640xf32, #tpu.memory_space<vmem_shared>>
      tpu.wait_dma2 semaphore(%run_scoped3A_48 : memref<!tpu.dma_semaphore, #tpu.memory_space<semaphore_mem>>) src(%arg5 : memref<640xf32, #tpu.memory_space<hbm>>) dst(%dma_wait3A : memref<640xf32, #tpu.memory_space<vmem_shared>>)
      tpu.yield
    }) : () -> ()
    "tpu.region"() ({
      %run_scoped3A_48 = tpu.sem_alloc : memref<!tpu.dma_semaphore, #tpu.memory_space<semaphore_mem>>
      tpu.enqueue_dma source(%arg6 : memref<80xf32, #tpu.memory_space<hbm>>) target(%arg12 : memref<80xf32, #tpu.memory_space<vmem>>) target_semaphore(%run_scoped3A_48 : memref<!tpu.dma_semaphore, #tpu.memory_space<semaphore_mem>>)
      tpu.wait_dma2 semaphore(%run_scoped3A_48 : memref<!tpu.dma_semaphore, #tpu.memory_space<semaphore_mem>>) src(%arg6 : memref<80xf32, #tpu.memory_space<hbm>>) dst(%arg12 : memref<80xf32, #tpu.memory_space<vmem>>)
      tpu.yield
    }) : () -> ()
    %barrier3A = arith.constant 0 : index
    tpu.barrier barrier_id(%barrier3A)
    %run_scoped3A_29 = arith.constant 0 : i32
    %run_scoped3A_30 = arith.constant 0 : i32
    %run_scoped3A_31 = arith.constant 0 : i32
    "tpu.region"() ({
      %run_scoped3A_48 = tpu.sem_alloc : memref<!tpu.dma_semaphore, #tpu.memory_space<semaphore_mem>>
      %dma_start3A = arith.constant 0 : i32
      %dma_start3A_49 = arith.constant 0 : i32
      %dma_start3A_50 = tpu.memref_slice %arg9[%run_scoped3A_31, %dma_start3A, %dma_start3A_49] : memref<2x25x80xi32, #tpu.memory_space<vmem>> -> memref<1x25x80xi32, #tpu.memory_space<vmem>>
      %dma_start3A_51 = tpu.memref_squeeze %dma_start3A_50 : memref<1x25x80xi32, #tpu.memory_space<vmem>> -> memref<25x80xi32, #tpu.memory_space<vmem>>
      %dma_start3A_52 = arith.constant 0 : i32
      %dma_start3A_53 = arith.constant 0 : i32
      %dma_start3A_54 = tpu.memref_slice %arg3[%run_scoped3A_29, %add3A, %run_scoped3A_30, %dma_start3A_52, %dma_start3A_53] : memref<2x32x5x25x80xi32, #tpu.memory_space<hbm>> -> memref<1x1x1x25x80xi32, #tpu.memory_space<hbm>>
      %dma_start3A_55 = tpu.memref_squeeze %dma_start3A_54 : memref<1x1x1x25x80xi32, #tpu.memory_space<hbm>> -> memref<25x80xi32, #tpu.memory_space<hbm>>
      %dma_start3A_56 = arith.constant 0 : i32
      %dma_start3A_57 = arith.constant 0 : i32
      %dma_start3A_58 = tpu.memref_slice %arg9[%run_scoped3A_31, %dma_start3A_56, %dma_start3A_57] : memref<2x25x80xi32, #tpu.memory_space<vmem>> -> memref<1x25x80xi32, #tpu.memory_space<vmem>>
      %dma_start3A_59 = tpu.memref_squeeze %dma_start3A_58 : memref<1x25x80xi32, #tpu.memory_space<vmem>> -> memref<25x80xi32, #tpu.memory_space<vmem>>
      %dma_start3A_60 = arith.constant 0 : i32
      %dma_start3A_61 = arith.constant 0 : i32
      %dma_start3A_62 = tpu.memref_slice %arg3[%run_scoped3A_29, %add3A, %run_scoped3A_30, %dma_start3A_60, %dma_start3A_61] : memref<2x32x5x25x80xi32, #tpu.memory_space<hbm>> -> memref<1x1x1x25x80xi32, #tpu.memory_space<hbm>>
      %dma_start3A_63 = tpu.memref_squeeze %dma_start3A_62 : memref<1x1x1x25x80xi32, #tpu.memory_space<hbm>> -> memref<25x80xi32, #tpu.memory_space<hbm>>
      tpu.enqueue_dma source(%dma_start3A_63 : memref<25x80xi32, #tpu.memory_space<hbm>>) target(%dma_start3A_59 : memref<25x80xi32, #tpu.memory_space<vmem>>) target_semaphore(%run_scoped3A_48 : memref<!tpu.dma_semaphore, #tpu.memory_space<semaphore_mem>>)
      %dma_wait3A = arith.constant 0 : i32
      %dma_wait3A_64 = arith.constant 0 : i32
      %dma_wait3A_65 = tpu.memref_slice %arg9[%run_scoped3A_31, %dma_wait3A, %dma_wait3A_64] : memref<2x25x80xi32, #tpu.memory_space<vmem>> -> memref<1x25x80xi32, #tpu.memory_space<vmem>>
      %dma_wait3A_66 = tpu.memref_squeeze %dma_wait3A_65 : memref<1x25x80xi32, #tpu.memory_space<vmem>> -> memref<25x80xi32, #tpu.memory_space<vmem>>
      %dma_wait3A_67 = arith.constant 0 : i32
      %dma_wait3A_68 = arith.constant 0 : i32
      %dma_wait3A_69 = tpu.memref_slice %arg3[%run_scoped3A_29, %add3A, %run_scoped3A_30, %dma_wait3A_67, %dma_wait3A_68] : memref<2x32x5x25x80xi32, #tpu.memory_space<hbm>> -> memref<1x1x1x25x80xi32, #tpu.memory_space<hbm>>
      %dma_wait3A_70 = tpu.memref_squeeze %dma_wait3A_69 : memref<1x1x1x25x80xi32, #tpu.memory_space<hbm>> -> memref<25x80xi32, #tpu.memory_space<hbm>>
      %dma_wait3A_71 = arith.constant 0 : i32
      %dma_wait3A_72 = arith.constant 0 : i32
      %dma_wait3A_73 = tpu.memref_slice %arg9[%run_scoped3A_31, %dma_wait3A_71, %dma_wait3A_72] : memref<2x25x80xi32, #tpu.memory_space<vmem>> -> memref<1x25x80xi32, #tpu.memory_space<vmem>>
      %dma_wait3A_74 = tpu.memref_squeeze %dma_wait3A_73 : memref<1x25x80xi32, #tpu.memory_space<vmem>> -> memref<25x80xi32, #tpu.memory_space<vmem>>
      %dma_wait3A_75 = arith.constant 0 : i32
      %dma_wait3A_76 = arith.constant 0 : i32
      %dma_wait3A_77 = tpu.memref_slice %arg3[%run_scoped3A_29, %add3A, %run_scoped3A_30, %dma_wait3A_75, %dma_wait3A_76] : memref<2x32x5x25x80xi32, #tpu.memory_space<hbm>> -> memref<1x1x1x25x80xi32, #tpu.memory_space<hbm>>
      %dma_wait3A_78 = tpu.memref_squeeze %dma_wait3A_77 : memref<1x1x1x25x80xi32, #tpu.memory_space<hbm>> -> memref<25x80xi32, #tpu.memory_space<hbm>>
      tpu.wait_dma2 semaphore(%run_scoped3A_48 : memref<!tpu.dma_semaphore, #tpu.memory_space<semaphore_mem>>) src(%dma_wait3A_78 : memref<25x80xi32, #tpu.memory_space<hbm>>) dst(%dma_wait3A_74 : memref<25x80xi32, #tpu.memory_space<vmem>>)
      tpu.yield
    }) : () -> ()
    %run_scoped3A_32 = arith.constant 1 : i32
    %run_scoped3A_33 = arith.constant 0 : i32
    %run_scoped3A_34 = arith.constant 0 : i32
    "tpu.region"() ({
      %run_scoped3A_48 = tpu.sem_alloc : memref<!tpu.dma_semaphore, #tpu.memory_space<semaphore_mem>>
      %dma_start3A = arith.constant 0 : i32
      %dma_start3A_49 = arith.constant 0 : i32
      %dma_start3A_50 = tpu.memref_slice %arg10[%run_scoped3A_34, %dma_start3A, %dma_start3A_49] : memref<2x25x80xi32, #tpu.memory_space<vmem>> -> memref<1x25x80xi32, #tpu.memory_space<vmem>>
      %dma_start3A_51 = tpu.memref_squeeze %dma_start3A_50 : memref<1x25x80xi32, #tpu.memory_space<vmem>> -> memref<25x80xi32, #tpu.memory_space<vmem>>
      %dma_start3A_52 = arith.constant 0 : i32
      %dma_start3A_53 = arith.constant 0 : i32
      %dma_start3A_54 = tpu.memref_slice %arg3[%run_scoped3A_32, %add3A, %run_scoped3A_33, %dma_start3A_52, %dma_start3A_53] : memref<2x32x5x25x80xi32, #tpu.memory_space<hbm>> -> memref<1x1x1x25x80xi32, #tpu.memory_space<hbm>>
      %dma_start3A_55 = tpu.memref_squeeze %dma_start3A_54 : memref<1x1x1x25x80xi32, #tpu.memory_space<hbm>> -> memref<25x80xi32, #tpu.memory_space<hbm>>
      %dma_start3A_56 = arith.constant 0 : i32
      %dma_start3A_57 = arith.constant 0 : i32
      %dma_start3A_58 = tpu.memref_slice %arg10[%run_scoped3A_34, %dma_start3A_56, %dma_start3A_57] : memref<2x25x80xi32, #tpu.memory_space<vmem>> -> memref<1x25x80xi32, #tpu.memory_space<vmem>>
      %dma_start3A_59 = tpu.memref_squeeze %dma_start3A_58 : memref<1x25x80xi32, #tpu.memory_space<vmem>> -> memref<25x80xi32, #tpu.memory_space<vmem>>
      %dma_start3A_60 = arith.constant 0 : i32
      %dma_start3A_61 = arith.constant 0 : i32
      %dma_start3A_62 = tpu.memref_slice %arg3[%run_scoped3A_32, %add3A, %run_scoped3A_33, %dma_start3A_60, %dma_start3A_61] : memref<2x32x5x25x80xi32, #tpu.memory_space<hbm>> -> memref<1x1x1x25x80xi32, #tpu.memory_space<hbm>>
      %dma_start3A_63 = tpu.memref_squeeze %dma_start3A_62 : memref<1x1x1x25x80xi32, #tpu.memory_space<hbm>> -> memref<25x80xi32, #tpu.memory_space<hbm>>
      tpu.enqueue_dma source(%dma_start3A_63 : memref<25x80xi32, #tpu.memory_space<hbm>>) target(%dma_start3A_59 : memref<25x80xi32, #tpu.memory_space<vmem>>) target_semaphore(%run_scoped3A_48 : memref<!tpu.dma_semaphore, #tpu.memory_space<semaphore_mem>>)
      %dma_wait3A = arith.constant 0 : i32
      %dma_wait3A_64 = arith.constant 0 : i32
      %dma_wait3A_65 = tpu.memref_slice %arg10[%run_scoped3A_34, %dma_wait3A, %dma_wait3A_64] : memref<2x25x80xi32, #tpu.memory_space<vmem>> -> memref<1x25x80xi32, #tpu.memory_space<vmem>>
      %dma_wait3A_66 = tpu.memref_squeeze %dma_wait3A_65 : memref<1x25x80xi32, #tpu.memory_space<vmem>> -> memref<25x80xi32, #tpu.memory_space<vmem>>
      %dma_wait3A_67 = arith.constant 0 : i32
      %dma_wait3A_68 = arith.constant 0 : i32
      %dma_wait3A_69 = tpu.memref_slice %arg3[%run_scoped3A_32, %add3A, %run_scoped3A_33, %dma_wait3A_67, %dma_wait3A_68] : memref<2x32x5x25x80xi32, #tpu.memory_space<hbm>> -> memref<1x1x1x25x80xi32, #tpu.memory_space<hbm>>
      %dma_wait3A_70 = tpu.memref_squeeze %dma_wait3A_69 : memref<1x1x1x25x80xi32, #tpu.memory_space<hbm>> -> memref<25x80xi32, #tpu.memory_space<hbm>>
      %dma_wait3A_71 = arith.constant 0 : i32
      %dma_wait3A_72 = arith.constant 0 : i32
      %dma_wait3A_73 = tpu.memref_slice %arg10[%run_scoped3A_34, %dma_wait3A_71, %dma_wait3A_72] : memref<2x25x80xi32, #tpu.memory_space<vmem>> -> memref<1x25x80xi32, #tpu.memory_space<vmem>>
      %dma_wait3A_74 = tpu.memref_squeeze %dma_wait3A_73 : memref<1x25x80xi32, #tpu.memory_space<vmem>> -> memref<25x80xi32, #tpu.memory_space<vmem>>
      %dma_wait3A_75 = arith.constant 0 : i32
      %dma_wait3A_76 = arith.constant 0 : i32
      %dma_wait3A_77 = tpu.memref_slice %arg3[%run_scoped3A_32, %add3A, %run_scoped3A_33, %dma_wait3A_75, %dma_wait3A_76] : memref<2x32x5x25x80xi32, #tpu.memory_space<hbm>> -> memref<1x1x1x25x80xi32, #tpu.memory_space<hbm>>
      %dma_wait3A_78 = tpu.memref_squeeze %dma_wait3A_77 : memref<1x1x1x25x80xi32, #tpu.memory_space<hbm>> -> memref<25x80xi32, #tpu.memory_space<hbm>>
      tpu.wait_dma2 semaphore(%run_scoped3A_48 : memref<!tpu.dma_semaphore, #tpu.memory_space<semaphore_mem>>) src(%dma_wait3A_78 : memref<25x80xi32, #tpu.memory_space<hbm>>) dst(%dma_wait3A_74 : memref<25x80xi32, #tpu.memory_space<vmem>>)
      tpu.yield
    }) : () -> ()
    %scan3A = arith.constant 0 : i32
    %scan3A_35 = arith.constant 0 : i32
    %scan3A_36 = arith.constant 5 : i32
    %scan3A_37 = arith.addi %scan3A_35, %scan3A_36 : i32
    %scan3A_38 = arith.constant 1 : i32
    scf.for %scan3A_48 = %scan3A_35 to %scan3A_37 step %scan3A_38  : i32 {
      %rem3A = arith.constant 2 : i32
      %rem3A_49 = arith.remsi %scan3A_48, %rem3A : i32
      %sub3A = arith.constant 1 : i32
      %sub3A_50 = arith.subi %sub3A, %rem3A_49 : i32
      %add3A_51 = arith.constant 1 : i32
      %add3A_52 = arith.addi %scan3A_48, %add3A_51 : i32
      %lt3A = arith.constant 5 : i32
      %lt3A_53 = arith.cmpi slt, %add3A_52, %lt3A : i32
      %convert_element_type3A = arith.extui %lt3A_53 : i1 to i32
      %cond3A = arith.constant 0 : i32
      %cond3A_54 = arith.cmpi ne, %convert_element_type3A, %cond3A : i32
      scf.if %cond3A_54 {
        %add3A_201 = arith.constant 1 : i32
        %add3A_202 = arith.addi %scan3A_48, %add3A_201 : i32
        %dma_start3A_203 = arith.constant 0 : i32
        %dma_start3A_204 = arith.constant 0 : i32
        %dma_start3A_205 = arith.constant 0 : i32
        %dma_start3A_206 = tpu.memref_slice %arg9[%sub3A_50, %dma_start3A_204, %dma_start3A_205] : memref<2x25x80xi32, #tpu.memory_space<vmem>> -> memref<1x25x80xi32, #tpu.memory_space<vmem>>
        %dma_start3A_207 = tpu.memref_squeeze %dma_start3A_206 : memref<1x25x80xi32, #tpu.memory_space<vmem>> -> memref<25x80xi32, #tpu.memory_space<vmem>>
        %dma_start3A_208 = arith.constant 0 : i32
        %dma_start3A_209 = arith.constant 0 : i32
        %dma_start3A_210 = tpu.memref_slice %arg3[%dma_start3A_203, %add3A, %add3A_202, %dma_start3A_208, %dma_start3A_209] : memref<2x32x5x25x80xi32, #tpu.memory_space<hbm>> -> memref<1x1x1x25x80xi32, #tpu.memory_space<hbm>>
        %dma_start3A_211 = tpu.memref_squeeze %dma_start3A_210 : memref<1x1x1x25x80xi32, #tpu.memory_space<hbm>> -> memref<25x80xi32, #tpu.memory_space<hbm>>
        %dma_start3A_212 = arith.constant 0 : i32
        %dma_start3A_213 = arith.constant 0 : i32
        %dma_start3A_214 = tpu.memref_slice %arg9[%sub3A_50, %dma_start3A_212, %dma_start3A_213] : memref<2x25x80xi32, #tpu.memory_space<vmem>> -> memref<1x25x80xi32, #tpu.memory_space<vmem>>
        %dma_start3A_215 = tpu.memref_squeeze %dma_start3A_214 : memref<1x25x80xi32, #tpu.memory_space<vmem>> -> memref<25x80xi32, #tpu.memory_space<vmem>>
        %dma_start3A_216 = arith.constant 0 : i32
        %dma_start3A_217 = arith.constant 0 : i32
        %dma_start3A_218 = tpu.memref_slice %arg3[%dma_start3A_203, %add3A, %add3A_202, %dma_start3A_216, %dma_start3A_217] : memref<2x32x5x25x80xi32, #tpu.memory_space<hbm>> -> memref<1x1x1x25x80xi32, #tpu.memory_space<hbm>>
        %dma_start3A_219 = tpu.memref_squeeze %dma_start3A_218 : memref<1x1x1x25x80xi32, #tpu.memory_space<hbm>> -> memref<25x80xi32, #tpu.memory_space<hbm>>
        tpu.enqueue_dma source(%dma_start3A_219 : memref<25x80xi32, #tpu.memory_space<hbm>>) target(%dma_start3A_215 : memref<25x80xi32, #tpu.memory_space<vmem>>) target_semaphore(%arg17 : memref<!tpu.dma_semaphore, #tpu.memory_space<semaphore_mem>>)
        %add3A_220 = arith.constant 1 : i32
        %add3A_221 = arith.addi %scan3A_48, %add3A_220 : i32
        %dma_start3A_222 = arith.constant 1 : i32
        %dma_start3A_223 = arith.constant 0 : i32
        %dma_start3A_224 = arith.constant 0 : i32
        %dma_start3A_225 = tpu.memref_slice %arg10[%sub3A_50, %dma_start3A_223, %dma_start3A_224] : memref<2x25x80xi32, #tpu.memory_space<vmem>> -> memref<1x25x80xi32, #tpu.memory_space<vmem>>
        %dma_start3A_226 = tpu.memref_squeeze %dma_start3A_225 : memref<1x25x80xi32, #tpu.memory_space<vmem>> -> memref<25x80xi32, #tpu.memory_space<vmem>>
        %dma_start3A_227 = arith.constant 0 : i32
        %dma_start3A_228 = arith.constant 0 : i32
        %dma_start3A_229 = tpu.memref_slice %arg3[%dma_start3A_222, %add3A, %add3A_221, %dma_start3A_227, %dma_start3A_228] : memref<2x32x5x25x80xi32, #tpu.memory_space<hbm>> -> memref<1x1x1x25x80xi32, #tpu.memory_space<hbm>>
        %dma_start3A_230 = tpu.memref_squeeze %dma_start3A_229 : memref<1x1x1x25x80xi32, #tpu.memory_space<hbm>> -> memref<25x80xi32, #tpu.memory_space<hbm>>
        %dma_start3A_231 = arith.constant 0 : i32
        %dma_start3A_232 = arith.constant 0 : i32
        %dma_start3A_233 = tpu.memref_slice %arg10[%sub3A_50, %dma_start3A_231, %dma_start3A_232] : memref<2x25x80xi32, #tpu.memory_space<vmem>> -> memref<1x25x80xi32, #tpu.memory_space<vmem>>
        %dma_start3A_234 = tpu.memref_squeeze %dma_start3A_233 : memref<1x25x80xi32, #tpu.memory_space<vmem>> -> memref<25x80xi32, #tpu.memory_space<vmem>>
        %dma_start3A_235 = arith.constant 0 : i32
        %dma_start3A_236 = arith.constant 0 : i32
        %dma_start3A_237 = tpu.memref_slice %arg3[%dma_start3A_222, %add3A, %add3A_221, %dma_start3A_235, %dma_start3A_236] : memref<2x32x5x25x80xi32, #tpu.memory_space<hbm>> -> memref<1x1x1x25x80xi32, #tpu.memory_space<hbm>>
        %dma_start3A_238 = tpu.memref_squeeze %dma_start3A_237 : memref<1x1x1x25x80xi32, #tpu.memory_space<hbm>> -> memref<25x80xi32, #tpu.memory_space<hbm>>
        tpu.enqueue_dma source(%dma_start3A_238 : memref<25x80xi32, #tpu.memory_space<hbm>>) target(%dma_start3A_234 : memref<25x80xi32, #tpu.memory_space<vmem>>) target_semaphore(%arg17 : memref<!tpu.dma_semaphore, #tpu.memory_space<semaphore_mem>>)
      } else {
      }
      %rem3A_55 = arith.constant 0 : i32
      %rem3A_56 = arith.constant 3 : i32
      %rem3A_57 = arith.remsi %rem3A_55, %rem3A_56 : i32
      %dma_start3A = arith.constant 0 : i32
      %dma_start3A_58 = arith.constant 0 : i32
      %dma_start3A_59 = arith.constant 0 : i32
      %dma_start3A_60 = tpu.memref_slice %arg11[%rem3A_57, %dma_start3A_58, %dma_start3A_59] : memref<3x80x128xf32, #tpu.memory_space<vmem>> -> memref<1x80x128xf32, #tpu.memory_space<vmem>>
      %dma_start3A_61 = tpu.memref_squeeze %dma_start3A_60 : memref<1x80x128xf32, #tpu.memory_space<vmem>> -> memref<80x128xf32, #tpu.memory_space<vmem>>
      %dma_start3A_62 = arith.constant 0 : i32
      %dma_start3A_63 = tpu.memref_slice %arg9[%rem3A_49, %dma_start3A, %dma_start3A_62] : memref<2x25x80xi32, #tpu.memory_space<vmem>> -> memref<1x1x80xi32, #tpu.memory_space<vmem>>
      %dma_start3A_64 = tpu.memref_squeeze %dma_start3A_63 : memref<1x1x80xi32, #tpu.memory_space<vmem>> -> memref<80xi32, #tpu.memory_space<vmem>>
      %dma_start3A_65 = arith.constant 0 : i32
      %dma_start3A_66 = arith.constant 0 : i32
      %dma_start3A_67 = tpu.memref_slice %arg2[%dma_start3A_65, %dma_start3A_66] : memref<10000x128xf32, #tpu.memory_space<hbm>> -> memref<10000x128xf32, #tpu.memory_space<hbm>>
      tpu.enqueue_indirect_dma source(%dma_start3A_67 : memref<10000x128xf32, #tpu.memory_space<hbm>>) target(%dma_start3A_61 : memref<80x128xf32, #tpu.memory_space<vmem>>) offsets(%dma_start3A_64 : memref<80xi32, #tpu.memory_space<vmem>>) semaphore(%arg15 : memref<!tpu.dma_semaphore, #tpu.memory_space<semaphore_mem>>)
      %rem3A_68 = arith.constant 1 : i32
      %rem3A_69 = arith.constant 3 : i32
      %rem3A_70 = arith.remsi %rem3A_68, %rem3A_69 : i32
      %dma_start3A_71 = arith.constant 1 : i32
      %dma_start3A_72 = arith.constant 0 : i32
      %dma_start3A_73 = arith.constant 0 : i32
      %dma_start3A_74 = tpu.memref_slice %arg11[%rem3A_70, %dma_start3A_72, %dma_start3A_73] : memref<3x80x128xf32, #tpu.memory_space<vmem>> -> memref<1x80x128xf32, #tpu.memory_space<vmem>>
      %dma_start3A_75 = tpu.memref_squeeze %dma_start3A_74 : memref<1x80x128xf32, #tpu.memory_space<vmem>> -> memref<80x128xf32, #tpu.memory_space<vmem>>
      %dma_start3A_76 = arith.constant 0 : i32
      %dma_start3A_77 = tpu.memref_slice %arg9[%rem3A_49, %dma_start3A_71, %dma_start3A_76] : memref<2x25x80xi32, #tpu.memory_space<vmem>> -> memref<1x1x80xi32, #tpu.memory_space<vmem>>
      %dma_start3A_78 = tpu.memref_squeeze %dma_start3A_77 : memref<1x1x80xi32, #tpu.memory_space<vmem>> -> memref<80xi32, #tpu.memory_space<vmem>>
      %dma_start3A_79 = arith.constant 0 : i32
      %dma_start3A_80 = arith.constant 0 : i32
      %dma_start3A_81 = tpu.memref_slice %arg2[%dma_start3A_79, %dma_start3A_80] : memref<10000x128xf32, #tpu.memory_space<hbm>> -> memref<10000x128xf32, #tpu.memory_space<hbm>>
      tpu.enqueue_indirect_dma source(%dma_start3A_81 : memref<10000x128xf32, #tpu.memory_space<hbm>>) target(%dma_start3A_75 : memref<80x128xf32, #tpu.memory_space<vmem>>) offsets(%dma_start3A_78 : memref<80xi32, #tpu.memory_space<vmem>>) semaphore(%arg15 : memref<!tpu.dma_semaphore, #tpu.memory_space<semaphore_mem>>)
      %rem3A_82 = arith.constant 2 : i32
      %rem3A_83 = arith.constant 3 : i32
      %rem3A_84 = arith.remsi %rem3A_82, %rem3A_83 : i32
      %dma_start3A_85 = arith.constant 2 : i32
      %dma_start3A_86 = arith.constant 0 : i32
      %dma_start3A_87 = arith.constant 0 : i32
      %dma_start3A_88 = tpu.memref_slice %arg11[%rem3A_84, %dma_start3A_86, %dma_start3A_87] : memref<3x80x128xf32, #tpu.memory_space<vmem>> -> memref<1x80x128xf32, #tpu.memory_space<vmem>>
      %dma_start3A_89 = tpu.memref_squeeze %dma_start3A_88 : memref<1x80x128xf32, #tpu.memory_space<vmem>> -> memref<80x128xf32, #tpu.memory_space<vmem>>
      %dma_start3A_90 = arith.constant 0 : i32
      %dma_start3A_91 = tpu.memref_slice %arg9[%rem3A_49, %dma_start3A_85, %dma_start3A_90] : memref<2x25x80xi32, #tpu.memory_space<vmem>> -> memref<1x1x80xi32, #tpu.memory_space<vmem>>
      %dma_start3A_92 = tpu.memref_squeeze %dma_start3A_91 : memref<1x1x80xi32, #tpu.memory_space<vmem>> -> memref<80xi32, #tpu.memory_space<vmem>>
      %dma_start3A_93 = arith.constant 0 : i32
      %dma_start3A_94 = arith.constant 0 : i32
      %dma_start3A_95 = tpu.memref_slice %arg2[%dma_start3A_93, %dma_start3A_94] : memref<10000x128xf32, #tpu.memory_space<hbm>> -> memref<10000x128xf32, #tpu.memory_space<hbm>>
      tpu.enqueue_indirect_dma source(%dma_start3A_95 : memref<10000x128xf32, #tpu.memory_space<hbm>>) target(%dma_start3A_89 : memref<80x128xf32, #tpu.memory_space<vmem>>) offsets(%dma_start3A_92 : memref<80xi32, #tpu.memory_space<vmem>>) semaphore(%arg15 : memref<!tpu.dma_semaphore, #tpu.memory_space<semaphore_mem>>)
      %scan3A_96 = arith.constant 0 : i32
      %scan3A_97 = arith.constant 0 : i32
      %scan3A_98 = arith.constant 22 : i32
      %scan3A_99 = arith.addi %scan3A_97, %scan3A_98 : i32
      %scan3A_100 = arith.constant 1 : i32
      scf.for %scan3A_201 = %scan3A_97 to %scan3A_99 step %scan3A_100  : i32 {
        %dma_wait3A_202 = arith.constant 0 : i32
        %dma_wait3A_203 = arith.constant 0 : i32
        %dma_wait3A_204 = arith.constant 0 : i32
        %dma_wait3A_205 = tpu.memref_slice %arg11[%dma_wait3A_202, %dma_wait3A_203, %dma_wait3A_204] : memref<3x80x128xf32, #tpu.memory_space<vmem>> -> memref<1x80x128xf32, #tpu.memory_space<vmem>>
        %dma_wait3A_206 = tpu.memref_squeeze %dma_wait3A_205 : memref<1x80x128xf32, #tpu.memory_space<vmem>> -> memref<80x128xf32, #tpu.memory_space<vmem>>
        %dma_wait3A_207 = arith.constant 0 : i32
        %dma_wait3A_208 = arith.constant 0 : i32
        %dma_wait3A_209 = tpu.memref_slice %arg4[%dma_wait3A_207, %dma_wait3A_208] : memref<80x128xf32, #tpu.memory_space<hbm>> -> memref<80x128xf32, #tpu.memory_space<hbm>>
        %dma_wait3A_210 = arith.constant 0 : i32
        %dma_wait3A_211 = arith.constant 0 : i32
        %dma_wait3A_212 = tpu.memref_slice %arg11[%dma_wait3A_202, %dma_wait3A_210, %dma_wait3A_211] : memref<3x80x128xf32, #tpu.memory_space<vmem>> -> memref<1x80x128xf32, #tpu.memory_space<vmem>>
        %dma_wait3A_213 = tpu.memref_squeeze %dma_wait3A_212 : memref<1x80x128xf32, #tpu.memory_space<vmem>> -> memref<80x128xf32, #tpu.memory_space<vmem>>
        %dma_wait3A_214 = arith.constant 0 : i32
        %dma_wait3A_215 = arith.constant 0 : i32
        %dma_wait3A_216 = tpu.memref_slice %arg4[%dma_wait3A_214, %dma_wait3A_215] : memref<80x128xf32, #tpu.memory_space<hbm>> -> memref<80x128xf32, #tpu.memory_space<hbm>>
        tpu.wait_dma2 semaphore(%arg15 : memref<!tpu.dma_semaphore, #tpu.memory_space<semaphore_mem>>) src(%dma_wait3A_216 : memref<80x128xf32, #tpu.memory_space<hbm>>) dst(%dma_wait3A_213 : memref<80x128xf32, #tpu.memory_space<vmem>>)
        %dma_start3A_217 = arith.constant 0 : i32
        %dma_start3A_218 = tpu.memref_slice %arg10[%rem3A_49, %scan3A_201, %dma_start3A_217] : memref<2x25x80xi32, #tpu.memory_space<vmem>> -> memref<1x1x80xi32, #tpu.memory_space<vmem>>
        %dma_start3A_219 = tpu.memref_squeeze %dma_start3A_218 : memref<1x1x80xi32, #tpu.memory_space<vmem>> -> memref<80xi32, #tpu.memory_space<vmem>>
        %dma_start3A_220 = arith.constant 0 : i32
        %dma_start3A_221 = tpu.memref_slice %arg14[%dma_start3A_220] : memref<10240xf32, #tpu.memory_space<vmem_shared>> -> memref<10240xf32, #tpu.memory_space<vmem_shared>>
        tpu.enqueue_indirect_dma source(%arg12 : memref<80xf32, #tpu.memory_space<vmem>>) target(%dma_start3A_221 : memref<10240xf32, #tpu.memory_space<vmem_shared>>) offsets(%dma_start3A_219 : memref<80xi32, #tpu.memory_space<vmem>>) semaphore(%arg16 : memref<!tpu.dma_semaphore, #tpu.memory_space<semaphore_mem>>) {add = true}
        %rem3A_222 = arith.constant 3 : i32
        %rem3A_223 = arith.remsi %scan3A_201, %rem3A_222 : i32
        "tpu.region"() ({
          %run_scoped3A_243 = tpu.sem_alloc : memref<!tpu.dma_semaphore, #tpu.memory_space<semaphore_mem>>
          %dma_start3A_244 = arith.constant 0 : i32
          %dma_start3A_245 = arith.constant 0 : i32
          %dma_start3A_246 = tpu.memref_slice %arg11[%rem3A_223, %dma_start3A_244, %dma_start3A_245] : memref<3x80x128xf32, #tpu.memory_space<vmem>> -> memref<1x80x128xf32, #tpu.memory_space<vmem>>
          %dma_start3A_247 = tpu.memref_squeeze %dma_start3A_246 : memref<1x80x128xf32, #tpu.memory_space<vmem>> -> memref<80x128xf32, #tpu.memory_space<vmem>>
          %dma_start3A_248 = arith.constant 0 : i32
          %dma_start3A_249 = tpu.memref_slice %arg10[%rem3A_49, %scan3A_201, %dma_start3A_248] : memref<2x25x80xi32, #tpu.memory_space<vmem>> -> memref<1x1x80xi32, #tpu.memory_space<vmem>>
          %dma_start3A_250 = tpu.memref_squeeze %dma_start3A_249 : memref<1x1x80xi32, #tpu.memory_space<vmem>> -> memref<80xi32, #tpu.memory_space<vmem>>
          %dma_start3A_251 = arith.constant 0 : i32
          %dma_start3A_252 = arith.constant 0 : i32
          %dma_start3A_253 = tpu.memref_slice %arg13[%dma_start3A_251, %dma_start3A_252] : memref<10112x128xf32, #tpu.memory_space<vmem_shared>> -> memref<10112x128xf32, #tpu.memory_space<vmem_shared>>
          tpu.enqueue_indirect_dma source(%dma_start3A_247 : memref<80x128xf32, #tpu.memory_space<vmem>>) target(%dma_start3A_253 : memref<10112x128xf32, #tpu.memory_space<vmem_shared>>) offsets(%dma_start3A_250 : memref<80xi32, #tpu.memory_space<vmem>>) semaphore(%run_scoped3A_243 : memref<!tpu.dma_semaphore, #tpu.memory_space<semaphore_mem>>) {add = true}
          %dma_wait3A_254 = arith.constant 0 : i32
          %dma_wait3A_255 = arith.constant 0 : i32
          %dma_wait3A_256 = tpu.memref_slice %arg11[%rem3A_223, %dma_wait3A_254, %dma_wait3A_255] : memref<3x80x128xf32, #tpu.memory_space<vmem>> -> memref<1x80x128xf32, #tpu.memory_space<vmem>>
          %dma_wait3A_257 = tpu.memref_squeeze %dma_wait3A_256 : memref<1x80x128xf32, #tpu.memory_space<vmem>> -> memref<80x128xf32, #tpu.memory_space<vmem>>
          %dma_wait3A_258 = arith.constant 0 : i32
          %dma_wait3A_259 = tpu.memref_slice %arg10[%rem3A_49, %scan3A_201, %dma_wait3A_258] : memref<2x25x80xi32, #tpu.memory_space<vmem>> -> memref<1x1x80xi32, #tpu.memory_space<vmem>>
          %dma_wait3A_260 = tpu.memref_squeeze %dma_wait3A_259 : memref<1x1x80xi32, #tpu.memory_space<vmem>> -> memref<80xi32, #tpu.memory_space<vmem>>
          %dma_wait3A_261 = arith.constant 0 : i32
          %dma_wait3A_262 = arith.constant 0 : i32
          %dma_wait3A_263 = tpu.memref_slice %arg13[%dma_wait3A_261, %dma_wait3A_262] : memref<10112x128xf32, #tpu.memory_space<vmem_shared>> -> memref<10112x128xf32, #tpu.memory_space<vmem_shared>>
          tpu.wait_indirect_dma semaphore(%run_scoped3A_243 : memref<!tpu.dma_semaphore, #tpu.memory_space<semaphore_mem>>) src(%dma_wait3A_257 : memref<80x128xf32, #tpu.memory_space<vmem>>) dst(%dma_wait3A_263 : memref<10112x128xf32, #tpu.memory_space<vmem_shared>>)
          tpu.yield
        }) : () -> ()
        %dma_wait3A_224 = arith.constant 0 : i32
        %dma_wait3A_225 = tpu.memref_slice %arg10[%rem3A_49, %scan3A_201, %dma_wait3A_224] : memref<2x25x80xi32, #tpu.memory_space<vmem>> -> memref<1x1x80xi32, #tpu.memory_space<vmem>>
        %dma_wait3A_226 = tpu.memref_squeeze %dma_wait3A_225 : memref<1x1x80xi32, #tpu.memory_space<vmem>> -> memref<80xi32, #tpu.memory_space<vmem>>
        %dma_wait3A_227 = arith.constant 0 : i32
        %dma_wait3A_228 = tpu.memref_slice %arg14[%dma_wait3A_227] : memref<10240xf32, #tpu.memory_space<vmem_shared>> -> memref<10240xf32, #tpu.memory_space<vmem_shared>>
        tpu.wait_indirect_dma semaphore(%arg16 : memref<!tpu.dma_semaphore, #tpu.memory_space<semaphore_mem>>) src(%arg12 : memref<80xf32, #tpu.memory_space<vmem>>) dst(%dma_wait3A_228 : memref<10240xf32, #tpu.memory_space<vmem_shared>>)
        %add3A_229 = arith.constant 3 : i32
        %add3A_230 = arith.addi %scan3A_201, %add3A_229 : i32
        %rem3A_231 = arith.constant 3 : i32
        %rem3A_232 = arith.remsi %add3A_230, %rem3A_231 : i32
        %dma_start3A_233 = arith.constant 0 : i32
        %dma_start3A_234 = arith.constant 0 : i32
        %dma_start3A_235 = tpu.memref_slice %arg11[%rem3A_232, %dma_start3A_233, %dma_start3A_234] : memref<3x80x128xf32, #tpu.memory_space<vmem>> -> memref<1x80x128xf32, #tpu.memory_space<vmem>>
        %dma_start3A_236 = tpu.memref_squeeze %dma_start3A_235 : memref<1x80x128xf32, #tpu.memory_space<vmem>> -> memref<80x128xf32, #tpu.memory_space<vmem>>
        %dma_start3A_237 = arith.constant 0 : i32
        %dma_start3A_238 = tpu.memref_slice %arg9[%rem3A_49, %add3A_230, %dma_start3A_237] : memref<2x25x80xi32, #tpu.memory_space<vmem>> -> memref<1x1x80xi32, #tpu.memory_space<vmem>>
        %dma_start3A_239 = tpu.memref_squeeze %dma_start3A_238 : memref<1x1x80xi32, #tpu.memory_space<vmem>> -> memref<80xi32, #tpu.memory_space<vmem>>
        %dma_start3A_240 = arith.constant 0 : i32
        %dma_start3A_241 = arith.constant 0 : i32
        %dma_start3A_242 = tpu.memref_slice %arg2[%dma_start3A_240, %dma_start3A_241] : memref<10000x128xf32, #tpu.memory_space<hbm>> -> memref<10000x128xf32, #tpu.memory_space<hbm>>
        tpu.enqueue_indirect_dma source(%dma_start3A_242 : memref<10000x128xf32, #tpu.memory_space<hbm>>) target(%dma_start3A_236 : memref<80x128xf32, #tpu.memory_space<vmem>>) offsets(%dma_start3A_239 : memref<80xi32, #tpu.memory_space<vmem>>) semaphore(%arg15 : memref<!tpu.dma_semaphore, #tpu.memory_space<semaphore_mem>>)
      }
      %scan3A_101 = arith.constant 22 : i32
      %dma_wait3A = arith.constant 0 : i32
      %dma_wait3A_102 = arith.constant 0 : i32
      %dma_wait3A_103 = arith.constant 0 : i32
      %dma_wait3A_104 = tpu.memref_slice %arg11[%dma_wait3A, %dma_wait3A_102, %dma_wait3A_103] : memref<3x80x128xf32, #tpu.memory_space<vmem>> -> memref<1x80x128xf32, #tpu.memory_space<vmem>>
      %dma_wait3A_105 = tpu.memref_squeeze %dma_wait3A_104 : memref<1x80x128xf32, #tpu.memory_space<vmem>> -> memref<80x128xf32, #tpu.memory_space<vmem>>
      %dma_wait3A_106 = arith.constant 0 : i32
      %dma_wait3A_107 = arith.constant 0 : i32
      %dma_wait3A_108 = tpu.memref_slice %arg4[%dma_wait3A_106, %dma_wait3A_107] : memref<80x128xf32, #tpu.memory_space<hbm>> -> memref<80x128xf32, #tpu.memory_space<hbm>>
      %dma_wait3A_109 = arith.constant 0 : i32
      %dma_wait3A_110 = arith.constant 0 : i32
      %dma_wait3A_111 = tpu.memref_slice %arg11[%dma_wait3A, %dma_wait3A_109, %dma_wait3A_110] : memref<3x80x128xf32, #tpu.memory_space<vmem>> -> memref<1x80x128xf32, #tpu.memory_space<vmem>>
      %dma_wait3A_112 = tpu.memref_squeeze %dma_wait3A_111 : memref<1x80x128xf32, #tpu.memory_space<vmem>> -> memref<80x128xf32, #tpu.memory_space<vmem>>
      %dma_wait3A_113 = arith.constant 0 : i32
      %dma_wait3A_114 = arith.constant 0 : i32
      %dma_wait3A_115 = tpu.memref_slice %arg4[%dma_wait3A_113, %dma_wait3A_114] : memref<80x128xf32, #tpu.memory_space<hbm>> -> memref<80x128xf32, #tpu.memory_space<hbm>>
      tpu.wait_dma2 semaphore(%arg15 : memref<!tpu.dma_semaphore, #tpu.memory_space<semaphore_mem>>) src(%dma_wait3A_115 : memref<80x128xf32, #tpu.memory_space<hbm>>) dst(%dma_wait3A_112 : memref<80x128xf32, #tpu.memory_space<vmem>>)
      %dma_start3A_116 = arith.constant 22 : i32
      %dma_start3A_117 = arith.constant 0 : i32
      %dma_start3A_118 = tpu.memref_slice %arg10[%rem3A_49, %dma_start3A_116, %dma_start3A_117] : memref<2x25x80xi32, #tpu.memory_space<vmem>> -> memref<1x1x80xi32, #tpu.memory_space<vmem>>
      %dma_start3A_119 = tpu.memref_squeeze %dma_start3A_118 : memref<1x1x80xi32, #tpu.memory_space<vmem>> -> memref<80xi32, #tpu.memory_space<vmem>>
      %dma_start3A_120 = arith.constant 0 : i32
      %dma_start3A_121 = tpu.memref_slice %arg14[%dma_start3A_120] : memref<10240xf32, #tpu.memory_space<vmem_shared>> -> memref<10240xf32, #tpu.memory_space<vmem_shared>>
      tpu.enqueue_indirect_dma source(%arg12 : memref<80xf32, #tpu.memory_space<vmem>>) target(%dma_start3A_121 : memref<10240xf32, #tpu.memory_space<vmem_shared>>) offsets(%dma_start3A_119 : memref<80xi32, #tpu.memory_space<vmem>>) semaphore(%arg16 : memref<!tpu.dma_semaphore, #tpu.memory_space<semaphore_mem>>) {add = true}
      %rem3A_122 = arith.constant 22 : i32
      %rem3A_123 = arith.constant 3 : i32
      %rem3A_124 = arith.remsi %rem3A_122, %rem3A_123 : i32
      %run_scoped3A_125 = arith.constant 22 : i32
      "tpu.region"() ({
        %run_scoped3A_201 = tpu.sem_alloc : memref<!tpu.dma_semaphore, #tpu.memory_space<semaphore_mem>>
        %dma_start3A_202 = arith.constant 0 : i32
        %dma_start3A_203 = arith.constant 0 : i32
        %dma_start3A_204 = tpu.memref_slice %arg11[%rem3A_124, %dma_start3A_202, %dma_start3A_203] : memref<3x80x128xf32, #tpu.memory_space<vmem>> -> memref<1x80x128xf32, #tpu.memory_space<vmem>>
        %dma_start3A_205 = tpu.memref_squeeze %dma_start3A_204 : memref<1x80x128xf32, #tpu.memory_space<vmem>> -> memref<80x128xf32, #tpu.memory_space<vmem>>
        %dma_start3A_206 = arith.constant 0 : i32
        %dma_start3A_207 = tpu.memref_slice %arg10[%rem3A_49, %run_scoped3A_125, %dma_start3A_206] : memref<2x25x80xi32, #tpu.memory_space<vmem>> -> memref<1x1x80xi32, #tpu.memory_space<vmem>>
        %dma_start3A_208 = tpu.memref_squeeze %dma_start3A_207 : memref<1x1x80xi32, #tpu.memory_space<vmem>> -> memref<80xi32, #tpu.memory_space<vmem>>
        %dma_start3A_209 = arith.constant 0 : i32
        %dma_start3A_210 = arith.constant 0 : i32
        %dma_start3A_211 = tpu.memref_slice %arg13[%dma_start3A_209, %dma_start3A_210] : memref<10112x128xf32, #tpu.memory_space<vmem_shared>> -> memref<10112x128xf32, #tpu.memory_space<vmem_shared>>
        tpu.enqueue_indirect_dma source(%dma_start3A_205 : memref<80x128xf32, #tpu.memory_space<vmem>>) target(%dma_start3A_211 : memref<10112x128xf32, #tpu.memory_space<vmem_shared>>) offsets(%dma_start3A_208 : memref<80xi32, #tpu.memory_space<vmem>>) semaphore(%run_scoped3A_201 : memref<!tpu.dma_semaphore, #tpu.memory_space<semaphore_mem>>) {add = true}
        %dma_wait3A_212 = arith.constant 0 : i32
        %dma_wait3A_213 = arith.constant 0 : i32
        %dma_wait3A_214 = tpu.memref_slice %arg11[%rem3A_124, %dma_wait3A_212, %dma_wait3A_213] : memref<3x80x128xf32, #tpu.memory_space<vmem>> -> memref<1x80x128xf32, #tpu.memory_space<vmem>>
        %dma_wait3A_215 = tpu.memref_squeeze %dma_wait3A_214 : memref<1x80x128xf32, #tpu.memory_space<vmem>> -> memref<80x128xf32, #tpu.memory_space<vmem>>
        %dma_wait3A_216 = arith.constant 0 : i32
        %dma_wait3A_217 = tpu.memref_slice %arg10[%rem3A_49, %run_scoped3A_125, %dma_wait3A_216] : memref<2x25x80xi32, #tpu.memory_space<vmem>> -> memref<1x1x80xi32, #tpu.memory_space<vmem>>
        %dma_wait3A_218 = tpu.memref_squeeze %dma_wait3A_217 : memref<1x1x80xi32, #tpu.memory_space<vmem>> -> memref<80xi32, #tpu.memory_space<vmem>>
        %dma_wait3A_219 = arith.constant 0 : i32
        %dma_wait3A_220 = arith.constant 0 : i32
        %dma_wait3A_221 = tpu.memref_slice %arg13[%dma_wait3A_219, %dma_wait3A_220] : memref<10112x128xf32, #tpu.memory_space<vmem_shared>> -> memref<10112x128xf32, #tpu.memory_space<vmem_shared>>
        tpu.wait_indirect_dma semaphore(%run_scoped3A_201 : memref<!tpu.dma_semaphore, #tpu.memory_space<semaphore_mem>>) src(%dma_wait3A_215 : memref<80x128xf32, #tpu.memory_space<vmem>>) dst(%dma_wait3A_221 : memref<10112x128xf32, #tpu.memory_space<vmem_shared>>)
        tpu.yield
      }) : () -> ()
      %dma_wait3A_126 = arith.constant 22 : i32
      %dma_wait3A_127 = arith.constant 0 : i32
      %dma_wait3A_128 = tpu.memref_slice %arg10[%rem3A_49, %dma_wait3A_126, %dma_wait3A_127] : memref<2x25x80xi32, #tpu.memory_space<vmem>> -> memref<1x1x80xi32, #tpu.memory_space<vmem>>
      %dma_wait3A_129 = tpu.memref_squeeze %dma_wait3A_128 : memref<1x1x80xi32, #tpu.memory_space<vmem>> -> memref<80xi32, #tpu.memory_space<vmem>>
      %dma_wait3A_130 = arith.constant 0 : i32
      %dma_wait3A_131 = tpu.memref_slice %arg14[%dma_wait3A_130] : memref<10240xf32, #tpu.memory_space<vmem_shared>> -> memref<10240xf32, #tpu.memory_space<vmem_shared>>
      tpu.wait_indirect_dma semaphore(%arg16 : memref<!tpu.dma_semaphore, #tpu.memory_space<semaphore_mem>>) src(%arg12 : memref<80xf32, #tpu.memory_space<vmem>>) dst(%dma_wait3A_131 : memref<10240xf32, #tpu.memory_space<vmem_shared>>)
      %dma_wait3A_132 = arith.constant 0 : i32
      %dma_wait3A_133 = arith.constant 0 : i32
      %dma_wait3A_134 = arith.constant 0 : i32
      %dma_wait3A_135 = tpu.memref_slice %arg11[%dma_wait3A_132, %dma_wait3A_133, %dma_wait3A_134] : memref<3x80x128xf32, #tpu.memory_space<vmem>> -> memref<1x80x128xf32, #tpu.memory_space<vmem>>
      %dma_wait3A_136 = tpu.memref_squeeze %dma_wait3A_135 : memref<1x80x128xf32, #tpu.memory_space<vmem>> -> memref<80x128xf32, #tpu.memory_space<vmem>>
      %dma_wait3A_137 = arith.constant 0 : i32
      %dma_wait3A_138 = arith.constant 0 : i32
      %dma_wait3A_139 = tpu.memref_slice %arg4[%dma_wait3A_137, %dma_wait3A_138] : memref<80x128xf32, #tpu.memory_space<hbm>> -> memref<80x128xf32, #tpu.memory_space<hbm>>
      %dma_wait3A_140 = arith.constant 0 : i32
      %dma_wait3A_141 = arith.constant 0 : i32
      %dma_wait3A_142 = tpu.memref_slice %arg11[%dma_wait3A_132, %dma_wait3A_140, %dma_wait3A_141] : memref<3x80x128xf32, #tpu.memory_space<vmem>> -> memref<1x80x128xf32, #tpu.memory_space<vmem>>
      %dma_wait3A_143 = tpu.memref_squeeze %dma_wait3A_142 : memref<1x80x128xf32, #tpu.memory_space<vmem>> -> memref<80x128xf32, #tpu.memory_space<vmem>>
      %dma_wait3A_144 = arith.constant 0 : i32
      %dma_wait3A_145 = arith.constant 0 : i32
      %dma_wait3A_146 = tpu.memref_slice %arg4[%dma_wait3A_144, %dma_wait3A_145] : memref<80x128xf32, #tpu.memory_space<hbm>> -> memref<80x128xf32, #tpu.memory_space<hbm>>
      tpu.wait_dma2 semaphore(%arg15 : memref<!tpu.dma_semaphore, #tpu.memory_space<semaphore_mem>>) src(%dma_wait3A_146 : memref<80x128xf32, #tpu.memory_space<hbm>>) dst(%dma_wait3A_143 : memref<80x128xf32, #tpu.memory_space<vmem>>)
      %dma_start3A_147 = arith.constant 23 : i32
      %dma_start3A_148 = arith.constant 0 : i32
      %dma_start3A_149 = tpu.memref_slice %arg10[%rem3A_49, %dma_start3A_147, %dma_start3A_148] : memref<2x25x80xi32, #tpu.memory_space<vmem>> -> memref<1x1x80xi32, #tpu.memory_space<vmem>>
      %dma_start3A_150 = tpu.memref_squeeze %dma_start3A_149 : memref<1x1x80xi32, #tpu.memory_space<vmem>> -> memref<80xi32, #tpu.memory_space<vmem>>
      %dma_start3A_151 = arith.constant 0 : i32
      %dma_start3A_152 = tpu.memref_slice %arg14[%dma_start3A_151] : memref<10240xf32, #tpu.memory_space<vmem_shared>> -> memref<10240xf32, #tpu.memory_space<vmem_shared>>
      tpu.enqueue_indirect_dma source(%arg12 : memref<80xf32, #tpu.memory_space<vmem>>) target(%dma_start3A_152 : memref<10240xf32, #tpu.memory_space<vmem_shared>>) offsets(%dma_start3A_150 : memref<80xi32, #tpu.memory_space<vmem>>) semaphore(%arg16 : memref<!tpu.dma_semaphore, #tpu.memory_space<semaphore_mem>>) {add = true}
      %rem3A_153 = arith.constant 23 : i32
      %rem3A_154 = arith.constant 3 : i32
      %rem3A_155 = arith.remsi %rem3A_153, %rem3A_154 : i32
      %run_scoped3A_156 = arith.constant 23 : i32
      "tpu.region"() ({
        %run_scoped3A_201 = tpu.sem_alloc : memref<!tpu.dma_semaphore, #tpu.memory_space<semaphore_mem>>
        %dma_start3A_202 = arith.constant 0 : i32
        %dma_start3A_203 = arith.constant 0 : i32
        %dma_start3A_204 = tpu.memref_slice %arg11[%rem3A_155, %dma_start3A_202, %dma_start3A_203] : memref<3x80x128xf32, #tpu.memory_space<vmem>> -> memref<1x80x128xf32, #tpu.memory_space<vmem>>
        %dma_start3A_205 = tpu.memref_squeeze %dma_start3A_204 : memref<1x80x128xf32, #tpu.memory_space<vmem>> -> memref<80x128xf32, #tpu.memory_space<vmem>>
        %dma_start3A_206 = arith.constant 0 : i32
        %dma_start3A_207 = tpu.memref_slice %arg10[%rem3A_49, %run_scoped3A_156, %dma_start3A_206] : memref<2x25x80xi32, #tpu.memory_space<vmem>> -> memref<1x1x80xi32, #tpu.memory_space<vmem>>
        %dma_start3A_208 = tpu.memref_squeeze %dma_start3A_207 : memref<1x1x80xi32, #tpu.memory_space<vmem>> -> memref<80xi32, #tpu.memory_space<vmem>>
        %dma_start3A_209 = arith.constant 0 : i32
        %dma_start3A_210 = arith.constant 0 : i32
        %dma_start3A_211 = tpu.memref_slice %arg13[%dma_start3A_209, %dma_start3A_210] : memref<10112x128xf32, #tpu.memory_space<vmem_shared>> -> memref<10112x128xf32, #tpu.memory_space<vmem_shared>>
        tpu.enqueue_indirect_dma source(%dma_start3A_205 : memref<80x128xf32, #tpu.memory_space<vmem>>) target(%dma_start3A_211 : memref<10112x128xf32, #tpu.memory_space<vmem_shared>>) offsets(%dma_start3A_208 : memref<80xi32, #tpu.memory_space<vmem>>) semaphore(%run_scoped3A_201 : memref<!tpu.dma_semaphore, #tpu.memory_space<semaphore_mem>>) {add = true}
        %dma_wait3A_212 = arith.constant 0 : i32
        %dma_wait3A_213 = arith.constant 0 : i32
        %dma_wait3A_214 = tpu.memref_slice %arg11[%rem3A_155, %dma_wait3A_212, %dma_wait3A_213] : memref<3x80x128xf32, #tpu.memory_space<vmem>> -> memref<1x80x128xf32, #tpu.memory_space<vmem>>
        %dma_wait3A_215 = tpu.memref_squeeze %dma_wait3A_214 : memref<1x80x128xf32, #tpu.memory_space<vmem>> -> memref<80x128xf32, #tpu.memory_space<vmem>>
        %dma_wait3A_216 = arith.constant 0 : i32
        %dma_wait3A_217 = tpu.memref_slice %arg10[%rem3A_49, %run_scoped3A_156, %dma_wait3A_216] : memref<2x25x80xi32, #tpu.memory_space<vmem>> -> memref<1x1x80xi32, #tpu.memory_space<vmem>>
        %dma_wait3A_218 = tpu.memref_squeeze %dma_wait3A_217 : memref<1x1x80xi32, #tpu.memory_space<vmem>> -> memref<80xi32, #tpu.memory_space<vmem>>
        %dma_wait3A_219 = arith.constant 0 : i32
        %dma_wait3A_220 = arith.constant 0 : i32
        %dma_wait3A_221 = tpu.memref_slice %arg13[%dma_wait3A_219, %dma_wait3A_220] : memref<10112x128xf32, #tpu.memory_space<vmem_shared>> -> memref<10112x128xf32, #tpu.memory_space<vmem_shared>>
        tpu.wait_indirect_dma semaphore(%run_scoped3A_201 : memref<!tpu.dma_semaphore, #tpu.memory_space<semaphore_mem>>) src(%dma_wait3A_215 : memref<80x128xf32, #tpu.memory_space<vmem>>) dst(%dma_wait3A_221 : memref<10112x128xf32, #tpu.memory_space<vmem_shared>>)
        tpu.yield
      }) : () -> ()
      %dma_wait3A_157 = arith.constant 23 : i32
      %dma_wait3A_158 = arith.constant 0 : i32
      %dma_wait3A_159 = tpu.memref_slice %arg10[%rem3A_49, %dma_wait3A_157, %dma_wait3A_158] : memref<2x25x80xi32, #tpu.memory_space<vmem>> -> memref<1x1x80xi32, #tpu.memory_space<vmem>>
      %dma_wait3A_160 = tpu.memref_squeeze %dma_wait3A_159 : memref<1x1x80xi32, #tpu.memory_space<vmem>> -> memref<80xi32, #tpu.memory_space<vmem>>
      %dma_wait3A_161 = arith.constant 0 : i32
      %dma_wait3A_162 = tpu.memref_slice %arg14[%dma_wait3A_161] : memref<10240xf32, #tpu.memory_space<vmem_shared>> -> memref<10240xf32, #tpu.memory_space<vmem_shared>>
      tpu.wait_indirect_dma semaphore(%arg16 : memref<!tpu.dma_semaphore, #tpu.memory_space<semaphore_mem>>) src(%arg12 : memref<80xf32, #tpu.memory_space<vmem>>) dst(%dma_wait3A_162 : memref<10240xf32, #tpu.memory_space<vmem_shared>>)
      %dma_wait3A_163 = arith.constant 0 : i32
      %dma_wait3A_164 = arith.constant 0 : i32
      %dma_wait3A_165 = arith.constant 0 : i32
      %dma_wait3A_166 = tpu.memref_slice %arg11[%dma_wait3A_163, %dma_wait3A_164, %dma_wait3A_165] : memref<3x80x128xf32, #tpu.memory_space<vmem>> -> memref<1x80x128xf32, #tpu.memory_space<vmem>>
      %dma_wait3A_167 = tpu.memref_squeeze %dma_wait3A_166 : memref<1x80x128xf32, #tpu.memory_space<vmem>> -> memref<80x128xf32, #tpu.memory_space<vmem>>
      %dma_wait3A_168 = arith.constant 0 : i32
      %dma_wait3A_169 = arith.constant 0 : i32
      %dma_wait3A_170 = tpu.memref_slice %arg4[%dma_wait3A_168, %dma_wait3A_169] : memref<80x128xf32, #tpu.memory_space<hbm>> -> memref<80x128xf32, #tpu.memory_space<hbm>>
      %dma_wait3A_171 = arith.constant 0 : i32
      %dma_wait3A_172 = arith.constant 0 : i32
      %dma_wait3A_173 = tpu.memref_slice %arg11[%dma_wait3A_163, %dma_wait3A_171, %dma_wait3A_172] : memref<3x80x128xf32, #tpu.memory_space<vmem>> -> memref<1x80x128xf32, #tpu.memory_space<vmem>>
      %dma_wait3A_174 = tpu.memref_squeeze %dma_wait3A_173 : memref<1x80x128xf32, #tpu.memory_space<vmem>> -> memref<80x128xf32, #tpu.memory_space<vmem>>
      %dma_wait3A_175 = arith.constant 0 : i32
      %dma_wait3A_176 = arith.constant 0 : i32
      %dma_wait3A_177 = tpu.memref_slice %arg4[%dma_wait3A_175, %dma_wait3A_176] : memref<80x128xf32, #tpu.memory_space<hbm>> -> memref<80x128xf32, #tpu.memory_space<hbm>>
      tpu.wait_dma2 semaphore(%arg15 : memref<!tpu.dma_semaphore, #tpu.memory_space<semaphore_mem>>) src(%dma_wait3A_177 : memref<80x128xf32, #tpu.memory_space<hbm>>) dst(%dma_wait3A_174 : memref<80x128xf32, #tpu.memory_space<vmem>>)
      %dma_start3A_178 = arith.constant 24 : i32
      %dma_start3A_179 = arith.constant 0 : i32
      %dma_start3A_180 = tpu.memref_slice %arg10[%rem3A_49, %dma_start3A_178, %dma_start3A_179] : memref<2x25x80xi32, #tpu.memory_space<vmem>> -> memref<1x1x80xi32, #tpu.memory_space<vmem>>
      %dma_start3A_181 = tpu.memref_squeeze %dma_start3A_180 : memref<1x1x80xi32, #tpu.memory_space<vmem>> -> memref<80xi32, #tpu.memory_space<vmem>>
      %dma_start3A_182 = arith.constant 0 : i32
      %dma_start3A_183 = tpu.memref_slice %arg14[%dma_start3A_182] : memref<10240xf32, #tpu.memory_space<vmem_shared>> -> memref<10240xf32, #tpu.memory_space<vmem_shared>>
      tpu.enqueue_indirect_dma source(%arg12 : memref<80xf32, #tpu.memory_space<vmem>>) target(%dma_start3A_183 : memref<10240xf32, #tpu.memory_space<vmem_shared>>) offsets(%dma_start3A_181 : memref<80xi32, #tpu.memory_space<vmem>>) semaphore(%arg16 : memref<!tpu.dma_semaphore, #tpu.memory_space<semaphore_mem>>) {add = true}
      %rem3A_184 = arith.constant 24 : i32
      %rem3A_185 = arith.constant 3 : i32
      %rem3A_186 = arith.remsi %rem3A_184, %rem3A_185 : i32
      %run_scoped3A_187 = arith.constant 24 : i32
      "tpu.region"() ({
        %run_scoped3A_201 = tpu.sem_alloc : memref<!tpu.dma_semaphore, #tpu.memory_space<semaphore_mem>>
        %dma_start3A_202 = arith.constant 0 : i32
        %dma_start3A_203 = arith.constant 0 : i32
        %dma_start3A_204 = tpu.memref_slice %arg11[%rem3A_186, %dma_start3A_202, %dma_start3A_203] : memref<3x80x128xf32, #tpu.memory_space<vmem>> -> memref<1x80x128xf32, #tpu.memory_space<vmem>>
        %dma_start3A_205 = tpu.memref_squeeze %dma_start3A_204 : memref<1x80x128xf32, #tpu.memory_space<vmem>> -> memref<80x128xf32, #tpu.memory_space<vmem>>
        %dma_start3A_206 = arith.constant 0 : i32
        %dma_start3A_207 = tpu.memref_slice %arg10[%rem3A_49, %run_scoped3A_187, %dma_start3A_206] : memref<2x25x80xi32, #tpu.memory_space<vmem>> -> memref<1x1x80xi32, #tpu.memory_space<vmem>>
        %dma_start3A_208 = tpu.memref_squeeze %dma_start3A_207 : memref<1x1x80xi32, #tpu.memory_space<vmem>> -> memref<80xi32, #tpu.memory_space<vmem>>
        %dma_start3A_209 = arith.constant 0 : i32
        %dma_start3A_210 = arith.constant 0 : i32
        %dma_start3A_211 = tpu.memref_slice %arg13[%dma_start3A_209, %dma_start3A_210] : memref<10112x128xf32, #tpu.memory_space<vmem_shared>> -> memref<10112x128xf32, #tpu.memory_space<vmem_shared>>
        tpu.enqueue_indirect_dma source(%dma_start3A_205 : memref<80x128xf32, #tpu.memory_space<vmem>>) target(%dma_start3A_211 : memref<10112x128xf32, #tpu.memory_space<vmem_shared>>) offsets(%dma_start3A_208 : memref<80xi32, #tpu.memory_space<vmem>>) semaphore(%run_scoped3A_201 : memref<!tpu.dma_semaphore, #tpu.memory_space<semaphore_mem>>) {add = true}
        %dma_wait3A_212 = arith.constant 0 : i32
        %dma_wait3A_213 = arith.constant 0 : i32
        %dma_wait3A_214 = tpu.memref_slice %arg11[%rem3A_186, %dma_wait3A_212, %dma_wait3A_213] : memref<3x80x128xf32, #tpu.memory_space<vmem>> -> memref<1x80x128xf32, #tpu.memory_space<vmem>>
        %dma_wait3A_215 = tpu.memref_squeeze %dma_wait3A_214 : memref<1x80x128xf32, #tpu.memory_space<vmem>> -> memref<80x128xf32, #tpu.memory_space<vmem>>
        %dma_wait3A_216 = arith.constant 0 : i32
        %dma_wait3A_217 = tpu.memref_slice %arg10[%rem3A_49, %run_scoped3A_187, %dma_wait3A_216] : memref<2x25x80xi32, #tpu.memory_space<vmem>> -> memref<1x1x80xi32, #tpu.memory_space<vmem>>
        %dma_wait3A_218 = tpu.memref_squeeze %dma_wait3A_217 : memref<1x1x80xi32, #tpu.memory_space<vmem>> -> memref<80xi32, #tpu.memory_space<vmem>>
        %dma_wait3A_219 = arith.constant 0 : i32
        %dma_wait3A_220 = arith.constant 0 : i32
        %dma_wait3A_221 = tpu.memref_slice %arg13[%dma_wait3A_219, %dma_wait3A_220] : memref<10112x128xf32, #tpu.memory_space<vmem_shared>> -> memref<10112x128xf32, #tpu.memory_space<vmem_shared>>
        tpu.wait_indirect_dma semaphore(%run_scoped3A_201 : memref<!tpu.dma_semaphore, #tpu.memory_space<semaphore_mem>>) src(%dma_wait3A_215 : memref<80x128xf32, #tpu.memory_space<vmem>>) dst(%dma_wait3A_221 : memref<10112x128xf32, #tpu.memory_space<vmem_shared>>)
        tpu.yield
      }) : () -> ()
      %dma_wait3A_188 = arith.constant 24 : i32
      %dma_wait3A_189 = arith.constant 0 : i32
      %dma_wait3A_190 = tpu.memref_slice %arg10[%rem3A_49, %dma_wait3A_188, %dma_wait3A_189] : memref<2x25x80xi32, #tpu.memory_space<vmem>> -> memref<1x1x80xi32, #tpu.memory_space<vmem>>
      %dma_wait3A_191 = tpu.memref_squeeze %dma_wait3A_190 : memref<1x1x80xi32, #tpu.memory_space<vmem>> -> memref<80xi32, #tpu.memory_space<vmem>>
      %dma_wait3A_192 = arith.constant 0 : i32
      %dma_wait3A_193 = tpu.memref_slice %arg14[%dma_wait3A_192] : memref<10240xf32, #tpu.memory_space<vmem_shared>> -> memref<10240xf32, #tpu.memory_space<vmem_shared>>
      tpu.wait_indirect_dma semaphore(%arg16 : memref<!tpu.dma_semaphore, #tpu.memory_space<semaphore_mem>>) src(%arg12 : memref<80xf32, #tpu.memory_space<vmem>>) dst(%dma_wait3A_193 : memref<10240xf32, #tpu.memory_space<vmem_shared>>)
      %add3A_194 = arith.constant 1 : i32
      %add3A_195 = arith.addi %scan3A_48, %add3A_194 : i32
      %lt3A_196 = arith.constant 5 : i32
      %lt3A_197 = arith.cmpi slt, %add3A_195, %lt3A_196 : i32
      %convert_element_type3A_198 = arith.extui %lt3A_197 : i1 to i32
      %cond3A_199 = arith.constant 0 : i32
      %cond3A_200 = arith.cmpi ne, %convert_element_type3A_198, %cond3A_199 : i32
      scf.if %cond3A_200 {
        %dma_wait3A_201 = arith.constant 0 : i32
        %dma_wait3A_202 = arith.constant 0 : i32
        %dma_wait3A_203 = arith.constant 0 : i32
        %dma_wait3A_204 = arith.constant 0 : i32
        %dma_wait3A_205 = arith.constant 0 : i32
        %dma_wait3A_206 = tpu.memref_slice %arg9[%dma_wait3A_203, %dma_wait3A_204, %dma_wait3A_205] : memref<2x25x80xi32, #tpu.memory_space<vmem>> -> memref<1x25x80xi32, #tpu.memory_space<vmem>>
        %dma_wait3A_207 = tpu.memref_squeeze %dma_wait3A_206 : memref<1x25x80xi32, #tpu.memory_space<vmem>> -> memref<25x80xi32, #tpu.memory_space<vmem>>
        %dma_wait3A_208 = arith.constant 0 : i32
        %dma_wait3A_209 = arith.constant 0 : i32
        %dma_wait3A_210 = tpu.memref_slice %arg3[%dma_wait3A_201, %add3A, %dma_wait3A_202, %dma_wait3A_208, %dma_wait3A_209] : memref<2x32x5x25x80xi32, #tpu.memory_space<hbm>> -> memref<1x1x1x25x80xi32, #tpu.memory_space<hbm>>
        %dma_wait3A_211 = tpu.memref_squeeze %dma_wait3A_210 : memref<1x1x1x25x80xi32, #tpu.memory_space<hbm>> -> memref<25x80xi32, #tpu.memory_space<hbm>>
        %dma_wait3A_212 = arith.constant 0 : i32
        %dma_wait3A_213 = arith.constant 0 : i32
        %dma_wait3A_214 = tpu.memref_slice %arg9[%dma_wait3A_203, %dma_wait3A_212, %dma_wait3A_213] : memref<2x25x80xi32, #tpu.memory_space<vmem>> -> memref<1x25x80xi32, #tpu.memory_space<vmem>>
        %dma_wait3A_215 = tpu.memref_squeeze %dma_wait3A_214 : memref<1x25x80xi32, #tpu.memory_space<vmem>> -> memref<25x80xi32, #tpu.memory_space<vmem>>
        %dma_wait3A_216 = arith.constant 0 : i32
        %dma_wait3A_217 = arith.constant 0 : i32
        %dma_wait3A_218 = tpu.memref_slice %arg3[%dma_wait3A_201, %add3A, %dma_wait3A_202, %dma_wait3A_216, %dma_wait3A_217] : memref<2x32x5x25x80xi32, #tpu.memory_space<hbm>> -> memref<1x1x1x25x80xi32, #tpu.memory_space<hbm>>
        %dma_wait3A_219 = tpu.memref_squeeze %dma_wait3A_218 : memref<1x1x1x25x80xi32, #tpu.memory_space<hbm>> -> memref<25x80xi32, #tpu.memory_space<hbm>>
        tpu.wait_dma2 semaphore(%arg17 : memref<!tpu.dma_semaphore, #tpu.memory_space<semaphore_mem>>) src(%dma_wait3A_219 : memref<25x80xi32, #tpu.memory_space<hbm>>) dst(%dma_wait3A_215 : memref<25x80xi32, #tpu.memory_space<vmem>>)
        %dma_wait3A_220 = arith.constant 1 : i32
        %dma_wait3A_221 = arith.constant 0 : i32
        %dma_wait3A_222 = arith.constant 0 : i32
        %dma_wait3A_223 = arith.constant 0 : i32
        %dma_wait3A_224 = arith.constant 0 : i32
        %dma_wait3A_225 = tpu.memref_slice %arg10[%dma_wait3A_222, %dma_wait3A_223, %dma_wait3A_224] : memref<2x25x80xi32, #tpu.memory_space<vmem>> -> memref<1x25x80xi32, #tpu.memory_space<vmem>>
        %dma_wait3A_226 = tpu.memref_squeeze %dma_wait3A_225 : memref<1x25x80xi32, #tpu.memory_space<vmem>> -> memref<25x80xi32, #tpu.memory_space<vmem>>
        %dma_wait3A_227 = arith.constant 0 : i32
        %dma_wait3A_228 = arith.constant 0 : i32
        %dma_wait3A_229 = tpu.memref_slice %arg3[%dma_wait3A_220, %add3A, %dma_wait3A_221, %dma_wait3A_227, %dma_wait3A_228] : memref<2x32x5x25x80xi32, #tpu.memory_space<hbm>> -> memref<1x1x1x25x80xi32, #tpu.memory_space<hbm>>
        %dma_wait3A_230 = tpu.memref_squeeze %dma_wait3A_229 : memref<1x1x1x25x80xi32, #tpu.memory_space<hbm>> -> memref<25x80xi32, #tpu.memory_space<hbm>>
        %dma_wait3A_231 = arith.constant 0 : i32
        %dma_wait3A_232 = arith.constant 0 : i32
        %dma_wait3A_233 = tpu.memref_slice %arg10[%dma_wait3A_222, %dma_wait3A_231, %dma_wait3A_232] : memref<2x25x80xi32, #tpu.memory_space<vmem>> -> memref<1x25x80xi32, #tpu.memory_space<vmem>>
        %dma_wait3A_234 = tpu.memref_squeeze %dma_wait3A_233 : memref<1x25x80xi32, #tpu.memory_space<vmem>> -> memref<25x80xi32, #tpu.memory_space<vmem>>
        %dma_wait3A_235 = arith.constant 0 : i32
        %dma_wait3A_236 = arith.constant 0 : i32
        %dma_wait3A_237 = tpu.memref_slice %arg3[%dma_wait3A_220, %add3A, %dma_wait3A_221, %dma_wait3A_235, %dma_wait3A_236] : memref<2x32x5x25x80xi32, #tpu.memory_space<hbm>> -> memref<1x1x1x25x80xi32, #tpu.memory_space<hbm>>
        %dma_wait3A_238 = tpu.memref_squeeze %dma_wait3A_237 : memref<1x1x1x25x80xi32, #tpu.memory_space<hbm>> -> memref<25x80xi32, #tpu.memory_space<hbm>>
        tpu.wait_dma2 semaphore(%arg17 : memref<!tpu.dma_semaphore, #tpu.memory_space<semaphore_mem>>) src(%dma_wait3A_238 : memref<25x80xi32, #tpu.memory_space<hbm>>) dst(%dma_wait3A_234 : memref<25x80xi32, #tpu.memory_space<vmem>>)
      } else {
      }
    }
    %scan3A_39 = arith.constant 5 : i32
    %barrier3A_40 = arith.constant 0 : index
    tpu.barrier barrier_id(%barrier3A_40)
    "tpu.region"() ({
      %run_scoped3A_48 = tpu.sem_alloc : memref<!tpu.dma_semaphore, #tpu.memory_space<semaphore_mem>>
      %dma_start3A = arith.constant 0 : i32
      %dma_start3A_49 = tpu.memref_slice %arg7[%arg0, %mul3A_2, %dma_start3A] : memref<2x10112x128xf32, #tpu.memory_space<hbm>> -> memref<1x632x128xf32, #tpu.memory_space<hbm>>
      %dma_start3A_50 = tpu.memref_squeeze %dma_start3A_49 : memref<1x632x128xf32, #tpu.memory_space<hbm>> -> memref<632x128xf32, #tpu.memory_space<hbm>>
      %dma_start3A_51 = arith.constant 0 : i32
      %dma_start3A_52 = tpu.memref_slice %arg13[%mul3A_2, %dma_start3A_51] : memref<10112x128xf32, #tpu.memory_space<vmem_shared>> -> memref<632x128xf32, #tpu.memory_space<vmem_shared>>
      tpu.enqueue_dma source(%dma_start3A_52 : memref<632x128xf32, #tpu.memory_space<vmem_shared>>) target(%dma_start3A_50 : memref<632x128xf32, #tpu.memory_space<hbm>>) target_semaphore(%run_scoped3A_48 : memref<!tpu.dma_semaphore, #tpu.memory_space<semaphore_mem>>)
      %dma_wait3A = arith.constant 0 : i32
      %dma_wait3A_53 = tpu.memref_slice %arg7[%arg0, %mul3A_2, %dma_wait3A] : memref<2x10112x128xf32, #tpu.memory_space<hbm>> -> memref<1x632x128xf32, #tpu.memory_space<hbm>>
      %dma_wait3A_54 = tpu.memref_squeeze %dma_wait3A_53 : memref<1x632x128xf32, #tpu.memory_space<hbm>> -> memref<632x128xf32, #tpu.memory_space<hbm>>
      %dma_wait3A_55 = arith.constant 0 : i32
      %dma_wait3A_56 = tpu.memref_slice %arg13[%mul3A_2, %dma_wait3A_55] : memref<10112x128xf32, #tpu.memory_space<vmem_shared>> -> memref<632x128xf32, #tpu.memory_space<vmem_shared>>
      tpu.wait_dma2 semaphore(%run_scoped3A_48 : memref<!tpu.dma_semaphore, #tpu.memory_space<semaphore_mem>>) src(%dma_wait3A_56 : memref<632x128xf32, #tpu.memory_space<vmem_shared>>) dst(%dma_wait3A_54 : memref<632x128xf32, #tpu.memory_space<hbm>>)
      tpu.yield
    }) : () -> ()
    %mul3A_41 = arith.constant 640 : i32
    %mul3A_42 = arith.muli %arg1, %mul3A_41 : i32
    %mul3A_43 = arith.constant 10240 : i32
    %mul3A_44 = arith.muli %arg0, %mul3A_43 : i32
    %mul3A_45 = arith.constant 640 : i32
    %mul3A_46 = arith.muli %arg1, %mul3A_45 : i32
    %add3A_47 = arith.addi %mul3A_44, %mul3A_46 : i32
    "tpu.region"() ({
      %run_scoped3A_48 = tpu.sem_alloc : memref<!tpu.dma_semaphore, #tpu.memory_space<semaphore_mem>>
      %dma_start3A = tpu.memref_slice %arg8[%add3A_47] : memref<20480xf32, #tpu.memory_space<hbm>> -> memref<640xf32, #tpu.memory_space<hbm>>
      %dma_start3A_49 = tpu.memref_slice %arg14[%mul3A_42] : memref<10240xf32, #tpu.memory_space<vmem_shared>> -> memref<640xf32, #tpu.memory_space<vmem_shared>>
      tpu.enqueue_dma source(%dma_start3A_49 : memref<640xf32, #tpu.memory_space<vmem_shared>>) target(%dma_start3A : memref<640xf32, #tpu.memory_space<hbm>>) target_semaphore(%run_scoped3A_48 : memref<!tpu.dma_semaphore, #tpu.memory_space<semaphore_mem>>)
      %dma_wait3A = tpu.memref_slice %arg8[%add3A_47] : memref<20480xf32, #tpu.memory_space<hbm>> -> memref<640xf32, #tpu.memory_space<hbm>>
      %dma_wait3A_50 = tpu.memref_slice %arg14[%mul3A_42] : memref<10240xf32, #tpu.memory_space<vmem_shared>> -> memref<640xf32, #tpu.memory_space<vmem_shared>>
      tpu.wait_dma2 semaphore(%run_scoped3A_48 : memref<!tpu.dma_semaphore, #tpu.memory_space<semaphore_mem>>) src(%dma_wait3A_50 : memref<640xf32, #tpu.memory_space<vmem_shared>>) dst(%dma_wait3A : memref<640xf32, #tpu.memory_space<hbm>>)
      tpu.yield
    }) : () -> ()
    return
  }
}

#map = affine_map<(d0, d1) -> (0, 0)>
#map1 = affine_map<(d0, d1) -> (0, 0, 0, 0, 0)>
#map2 = affine_map<(d0, d1) -> (0)>
#map3 = affine_map<(d0, d1) -> (0, 0, 0)>
module attributes {stable_mosaic.version = 14 : i64} {
  func.func @seg_sum(%arg0: i32, %arg1: i32, %arg2: memref<10000x128xf32, #tpu.memory_space<hbm>>, %arg3: memref<2x32x5x25x80xi32, #tpu.memory_space<hbm>>, %arg4: memref<80x128xf32, #tpu.memory_space<hbm>>, %arg5: memref<640xf32, #tpu.memory_space<hbm>>, %arg6: memref<80xf32, #tpu.memory_space<hbm>>, %arg7: memref<2x10112x128xf32, #tpu.memory_space<hbm>>, %arg8: memref<2x25x80xi32, #tpu.memory_space<vmem>>, %arg9: memref<2x25x80xi32, #tpu.memory_space<vmem>>, %arg10: memref<3x80x128xf32, #tpu.memory_space<vmem>>, %arg11: memref<80xf32, #tpu.memory_space<vmem>>, %arg12: memref<10112x128xf32, #tpu.memory_space<vmem_shared>>, %arg13: memref<10240xf32, #tpu.memory_space<vmem_shared>>, %arg14: memref<!tpu.dma_semaphore, #tpu.memory_space<semaphore_mem>>, %arg15: memref<!tpu.dma_semaphore, #tpu.memory_space<semaphore_mem>>, %arg16: memref<!tpu.dma_semaphore, #tpu.memory_space<semaphore_mem>>) attributes {dimension_semantics = [#tpu.dimension_semantics<core_parallel>, #tpu.dimension_semantics<subcore_parallel>], iteration_bounds = array<i64: 2, 16>, scalar_prefetch = 0 : i64, scratch_operands = 9 : i64, tpu.core_type = #tpu.core_type<sc_vector_subcore>, window_params = [{transform_indices = #map}, {transform_indices = #map1}, {transform_indices = #map}, {transform_indices = #map2}, {transform_indices = #map2}, {transform_indices = #map3}]} {
    %mul3A = arith.constant 2 : i32
    %mul3A_0 = arith.muli %arg1, %mul3A : i32
    %add3A = arith.addi %mul3A_0, %arg0 : i32
    %mul3A_1 = arith.constant 632 : i32
    %mul3A_2 = arith.muli %arg1, %mul3A_1 : i32
    %run_scoped3A = arith.constant 0 : i32
    "tpu.region"() ({
      %run_scoped3A_39 = tpu.sem_alloc : memref<!tpu.dma_semaphore, #tpu.memory_space<semaphore_mem>>
      %dma_start3A = arith.constant 0 : i32
      %dma_start3A_40 = arith.constant 0 : i32
      %dma_start3A_41 = tpu.memref_slice %arg10[%run_scoped3A, %dma_start3A, %dma_start3A_40] : memref<3x80x128xf32, #tpu.memory_space<vmem>> -> memref<1x80x128xf32, #tpu.memory_space<vmem>>
      %dma_start3A_42 = tpu.memref_squeeze %dma_start3A_41 : memref<1x80x128xf32, #tpu.memory_space<vmem>> -> memref<80x128xf32, #tpu.memory_space<vmem>>
      %dma_start3A_43 = arith.constant 0 : i32
      %dma_start3A_44 = arith.constant 0 : i32
      %dma_start3A_45 = tpu.memref_slice %arg10[%run_scoped3A, %dma_start3A_43, %dma_start3A_44] : memref<3x80x128xf32, #tpu.memory_space<vmem>> -> memref<1x80x128xf32, #tpu.memory_space<vmem>>
      %dma_start3A_46 = tpu.memref_squeeze %dma_start3A_45 : memref<1x80x128xf32, #tpu.memory_space<vmem>> -> memref<80x128xf32, #tpu.memory_space<vmem>>
      tpu.enqueue_dma source(%arg4 : memref<80x128xf32, #tpu.memory_space<hbm>>) target(%dma_start3A_46 : memref<80x128xf32, #tpu.memory_space<vmem>>) target_semaphore(%run_scoped3A_39 : memref<!tpu.dma_semaphore, #tpu.memory_space<semaphore_mem>>)
      %dma_wait3A = arith.constant 0 : i32
      %dma_wait3A_47 = arith.constant 0 : i32
      %dma_wait3A_48 = tpu.memref_slice %arg10[%run_scoped3A, %dma_wait3A, %dma_wait3A_47] : memref<3x80x128xf32, #tpu.memory_space<vmem>> -> memref<1x80x128xf32, #tpu.memory_space<vmem>>
      %dma_wait3A_49 = tpu.memref_squeeze %dma_wait3A_48 : memref<1x80x128xf32, #tpu.memory_space<vmem>> -> memref<80x128xf32, #tpu.memory_space<vmem>>
      %dma_wait3A_50 = arith.constant 0 : i32
      %dma_wait3A_51 = arith.constant 0 : i32
      %dma_wait3A_52 = tpu.memref_slice %arg10[%run_scoped3A, %dma_wait3A_50, %dma_wait3A_51] : memref<3x80x128xf32, #tpu.memory_space<vmem>> -> memref<1x80x128xf32, #tpu.memory_space<vmem>>
      %dma_wait3A_53 = tpu.memref_squeeze %dma_wait3A_52 : memref<1x80x128xf32, #tpu.memory_space<vmem>> -> memref<80x128xf32, #tpu.memory_space<vmem>>
      tpu.wait_dma2 semaphore(%run_scoped3A_39 : memref<!tpu.dma_semaphore, #tpu.memory_space<semaphore_mem>>) src(%arg4 : memref<80x128xf32, #tpu.memory_space<hbm>>) dst(%dma_wait3A_53 : memref<80x128xf32, #tpu.memory_space<vmem>>)
      tpu.yield
    }) : () -> ()
    %add3A_3 = arith.constant 0 : i32
    %add3A_4 = arith.addi %mul3A_2, %add3A_3 : i32
    %run_scoped3A_5 = arith.constant 0 : i32
    "tpu.region"() ({
      %run_scoped3A_39 = tpu.sem_alloc : memref<!tpu.dma_semaphore, #tpu.memory_space<semaphore_mem>>
      %dma_start3A = arith.constant 0 : i32
      %dma_start3A_40 = arith.constant 0 : i32
      %dma_start3A_41 = tpu.memref_slice %arg10[%run_scoped3A_5, %dma_start3A, %dma_start3A_40] : memref<3x80x128xf32, #tpu.memory_space<vmem>> -> memref<1x80x128xf32, #tpu.memory_space<vmem>>
      %dma_start3A_42 = tpu.memref_squeeze %dma_start3A_41 : memref<1x80x128xf32, #tpu.memory_space<vmem>> -> memref<80x128xf32, #tpu.memory_space<vmem>>
      %dma_start3A_43 = arith.constant 0 : i32
      %dma_start3A_44 = tpu.memref_slice %arg12[%add3A_4, %dma_start3A_43] : memref<10112x128xf32, #tpu.memory_space<vmem_shared>> -> memref<80x128xf32, #tpu.memory_space<vmem_shared>>
      %dma_start3A_45 = arith.constant 0 : i32
      %dma_start3A_46 = tpu.memref_slice %arg12[%add3A_4, %dma_start3A_45] : memref<10112x128xf32, #tpu.memory_space<vmem_shared>> -> memref<80x128xf32, #tpu.memory_space<vmem_shared>>
      %dma_start3A_47 = arith.constant 0 : i32
      %dma_start3A_48 = arith.constant 0 : i32
      %dma_start3A_49 = tpu.memref_slice %arg10[%run_scoped3A_5, %dma_start3A_47, %dma_start3A_48] : memref<3x80x128xf32, #tpu.memory_space<vmem>> -> memref<1x80x128xf32, #tpu.memory_space<vmem>>
      %dma_start3A_50 = tpu.memref_squeeze %dma_start3A_49 : memref<1x80x128xf32, #tpu.memory_space<vmem>> -> memref<80x128xf32, #tpu.memory_space<vmem>>
      tpu.enqueue_dma source(%dma_start3A_50 : memref<80x128xf32, #tpu.memory_space<vmem>>) target(%dma_start3A_46 : memref<80x128xf32, #tpu.memory_space<vmem_shared>>) target_semaphore(%run_scoped3A_39 : memref<!tpu.dma_semaphore, #tpu.memory_space<semaphore_mem>>)
      %dma_wait3A = arith.constant 0 : i32
      %dma_wait3A_51 = arith.constant 0 : i32
      %dma_wait3A_52 = tpu.memref_slice %arg10[%run_scoped3A_5, %dma_wait3A, %dma_wait3A_51] : memref<3x80x128xf32, #tpu.memory_space<vmem>> -> memref<1x80x128xf32, #tpu.memory_space<vmem>>
      %dma_wait3A_53 = tpu.memref_squeeze %dma_wait3A_52 : memref<1x80x128xf32, #tpu.memory_space<vmem>> -> memref<80x128xf32, #tpu.memory_space<vmem>>
      %dma_wait3A_54 = arith.constant 0 : i32
      %dma_wait3A_55 = tpu.memref_slice %arg12[%add3A_4, %dma_wait3A_54] : memref<10112x128xf32, #tpu.memory_space<vmem_shared>> -> memref<80x128xf32, #tpu.memory_space<vmem_shared>>
      %dma_wait3A_56 = arith.constant 0 : i32
      %dma_wait3A_57 = tpu.memref_slice %arg12[%add3A_4, %dma_wait3A_56] : memref<10112x128xf32, #tpu.memory_space<vmem_shared>> -> memref<80x128xf32, #tpu.memory_space<vmem_shared>>
      %dma_wait3A_58 = arith.constant 0 : i32
      %dma_wait3A_59 = arith.constant 0 : i32
      %dma_wait3A_60 = tpu.memref_slice %arg10[%run_scoped3A_5, %dma_wait3A_58, %dma_wait3A_59] : memref<3x80x128xf32, #tpu.memory_space<vmem>> -> memref<1x80x128xf32, #tpu.memory_space<vmem>>
      %dma_wait3A_61 = tpu.memref_squeeze %dma_wait3A_60 : memref<1x80x128xf32, #tpu.memory_space<vmem>> -> memref<80x128xf32, #tpu.memory_space<vmem>>
      tpu.wait_dma2 semaphore(%run_scoped3A_39 : memref<!tpu.dma_semaphore, #tpu.memory_space<semaphore_mem>>) src(%dma_wait3A_61 : memref<80x128xf32, #tpu.memory_space<vmem>>) dst(%dma_wait3A_57 : memref<80x128xf32, #tpu.memory_space<vmem_shared>>)
      tpu.yield
    }) : () -> ()
    %add3A_6 = arith.constant 80 : i32
    %add3A_7 = arith.addi %mul3A_2, %add3A_6 : i32
    %run_scoped3A_8 = arith.constant 0 : i32
    "tpu.region"() ({
      %run_scoped3A_39 = tpu.sem_alloc : memref<!tpu.dma_semaphore, #tpu.memory_space<semaphore_mem>>
      %dma_start3A = arith.constant 0 : i32
      %dma_start3A_40 = arith.constant 0 : i32
      %dma_start3A_41 = tpu.memref_slice %arg10[%run_scoped3A_8, %dma_start3A, %dma_start3A_40] : memref<3x80x128xf32, #tpu.memory_space<vmem>> -> memref<1x80x128xf32, #tpu.memory_space<vmem>>
      %dma_start3A_42 = tpu.memref_squeeze %dma_start3A_41 : memref<1x80x128xf32, #tpu.memory_space<vmem>> -> memref<80x128xf32, #tpu.memory_space<vmem>>
      %dma_start3A_43 = arith.constant 0 : i32
      %dma_start3A_44 = tpu.memref_slice %arg12[%add3A_7, %dma_start3A_43] : memref<10112x128xf32, #tpu.memory_space<vmem_shared>> -> memref<80x128xf32, #tpu.memory_space<vmem_shared>>
      %dma_start3A_45 = arith.constant 0 : i32
      %dma_start3A_46 = tpu.memref_slice %arg12[%add3A_7, %dma_start3A_45] : memref<10112x128xf32, #tpu.memory_space<vmem_shared>> -> memref<80x128xf32, #tpu.memory_space<vmem_shared>>
      %dma_start3A_47 = arith.constant 0 : i32
      %dma_start3A_48 = arith.constant 0 : i32
      %dma_start3A_49 = tpu.memref_slice %arg10[%run_scoped3A_8, %dma_start3A_47, %dma_start3A_48] : memref<3x80x128xf32, #tpu.memory_space<vmem>> -> memref<1x80x128xf32, #tpu.memory_space<vmem>>
      %dma_start3A_50 = tpu.memref_squeeze %dma_start3A_49 : memref<1x80x128xf32, #tpu.memory_space<vmem>> -> memref<80x128xf32, #tpu.memory_space<vmem>>
      tpu.enqueue_dma source(%dma_start3A_50 : memref<80x128xf32, #tpu.memory_space<vmem>>) target(%dma_start3A_46 : memref<80x128xf32, #tpu.memory_space<vmem_shared>>) target_semaphore(%run_scoped3A_39 : memref<!tpu.dma_semaphore, #tpu.memory_space<semaphore_mem>>)
      %dma_wait3A = arith.constant 0 : i32
      %dma_wait3A_51 = arith.constant 0 : i32
      %dma_wait3A_52 = tpu.memref_slice %arg10[%run_scoped3A_8, %dma_wait3A, %dma_wait3A_51] : memref<3x80x128xf32, #tpu.memory_space<vmem>> -> memref<1x80x128xf32, #tpu.memory_space<vmem>>
      %dma_wait3A_53 = tpu.memref_squeeze %dma_wait3A_52 : memref<1x80x128xf32, #tpu.memory_space<vmem>> -> memref<80x128xf32, #tpu.memory_space<vmem>>
      %dma_wait3A_54 = arith.constant 0 : i32
      %dma_wait3A_55 = tpu.memref_slice %arg12[%add3A_7, %dma_wait3A_54] : memref<10112x128xf32, #tpu.memory_space<vmem_shared>> -> memref<80x128xf32, #tpu.memory_space<vmem_shared>>
      %dma_wait3A_56 = arith.constant 0 : i32
      %dma_wait3A_57 = tpu.memref_slice %arg12[%add3A_7, %dma_wait3A_56] : memref<10112x128xf32, #tpu.memory_space<vmem_shared>> -> memref<80x128xf32, #tpu.memory_space<vmem_shared>>
      %dma_wait3A_58 = arith.constant 0 : i32
      %dma_wait3A_59 = arith.constant 0 : i32
      %dma_wait3A_60 = tpu.memref_slice %arg10[%run_scoped3A_8, %dma_wait3A_58, %dma_wait3A_59] : memref<3x80x128xf32, #tpu.memory_space<vmem>> -> memref<1x80x128xf32, #tpu.memory_space<vmem>>
      %dma_wait3A_61 = tpu.memref_squeeze %dma_wait3A_60 : memref<1x80x128xf32, #tpu.memory_space<vmem>> -> memref<80x128xf32, #tpu.memory_space<vmem>>
      tpu.wait_dma2 semaphore(%run_scoped3A_39 : memref<!tpu.dma_semaphore, #tpu.memory_space<semaphore_mem>>) src(%dma_wait3A_61 : memref<80x128xf32, #tpu.memory_space<vmem>>) dst(%dma_wait3A_57 : memref<80x128xf32, #tpu.memory_space<vmem_shared>>)
      tpu.yield
    }) : () -> ()
    %add3A_9 = arith.constant 160 : i32
    %add3A_10 = arith.addi %mul3A_2, %add3A_9 : i32
    %run_scoped3A_11 = arith.constant 0 : i32
    "tpu.region"() ({
      %run_scoped3A_39 = tpu.sem_alloc : memref<!tpu.dma_semaphore, #tpu.memory_space<semaphore_mem>>
      %dma_start3A = arith.constant 0 : i32
      %dma_start3A_40 = arith.constant 0 : i32
      %dma_start3A_41 = tpu.memref_slice %arg10[%run_scoped3A_11, %dma_start3A, %dma_start3A_40] : memref<3x80x128xf32, #tpu.memory_space<vmem>> -> memref<1x80x128xf32, #tpu.memory_space<vmem>>
      %dma_start3A_42 = tpu.memref_squeeze %dma_start3A_41 : memref<1x80x128xf32, #tpu.memory_space<vmem>> -> memref<80x128xf32, #tpu.memory_space<vmem>>
      %dma_start3A_43 = arith.constant 0 : i32
      %dma_start3A_44 = tpu.memref_slice %arg12[%add3A_10, %dma_start3A_43] : memref<10112x128xf32, #tpu.memory_space<vmem_shared>> -> memref<80x128xf32, #tpu.memory_space<vmem_shared>>
      %dma_start3A_45 = arith.constant 0 : i32
      %dma_start3A_46 = tpu.memref_slice %arg12[%add3A_10, %dma_start3A_45] : memref<10112x128xf32, #tpu.memory_space<vmem_shared>> -> memref<80x128xf32, #tpu.memory_space<vmem_shared>>
      %dma_start3A_47 = arith.constant 0 : i32
      %dma_start3A_48 = arith.constant 0 : i32
      %dma_start3A_49 = tpu.memref_slice %arg10[%run_scoped3A_11, %dma_start3A_47, %dma_start3A_48] : memref<3x80x128xf32, #tpu.memory_space<vmem>> -> memref<1x80x128xf32, #tpu.memory_space<vmem>>
      %dma_start3A_50 = tpu.memref_squeeze %dma_start3A_49 : memref<1x80x128xf32, #tpu.memory_space<vmem>> -> memref<80x128xf32, #tpu.memory_space<vmem>>
      tpu.enqueue_dma source(%dma_start3A_50 : memref<80x128xf32, #tpu.memory_space<vmem>>) target(%dma_start3A_46 : memref<80x128xf32, #tpu.memory_space<vmem_shared>>) target_semaphore(%run_scoped3A_39 : memref<!tpu.dma_semaphore, #tpu.memory_space<semaphore_mem>>)
      %dma_wait3A = arith.constant 0 : i32
      %dma_wait3A_51 = arith.constant 0 : i32
      %dma_wait3A_52 = tpu.memref_slice %arg10[%run_scoped3A_11, %dma_wait3A, %dma_wait3A_51] : memref<3x80x128xf32, #tpu.memory_space<vmem>> -> memref<1x80x128xf32, #tpu.memory_space<vmem>>
      %dma_wait3A_53 = tpu.memref_squeeze %dma_wait3A_52 : memref<1x80x128xf32, #tpu.memory_space<vmem>> -> memref<80x128xf32, #tpu.memory_space<vmem>>
      %dma_wait3A_54 = arith.constant 0 : i32
      %dma_wait3A_55 = tpu.memref_slice %arg12[%add3A_10, %dma_wait3A_54] : memref<10112x128xf32, #tpu.memory_space<vmem_shared>> -> memref<80x128xf32, #tpu.memory_space<vmem_shared>>
      %dma_wait3A_56 = arith.constant 0 : i32
      %dma_wait3A_57 = tpu.memref_slice %arg12[%add3A_10, %dma_wait3A_56] : memref<10112x128xf32, #tpu.memory_space<vmem_shared>> -> memref<80x128xf32, #tpu.memory_space<vmem_shared>>
      %dma_wait3A_58 = arith.constant 0 : i32
      %dma_wait3A_59 = arith.constant 0 : i32
      %dma_wait3A_60 = tpu.memref_slice %arg10[%run_scoped3A_11, %dma_wait3A_58, %dma_wait3A_59] : memref<3x80x128xf32, #tpu.memory_space<vmem>> -> memref<1x80x128xf32, #tpu.memory_space<vmem>>
      %dma_wait3A_61 = tpu.memref_squeeze %dma_wait3A_60 : memref<1x80x128xf32, #tpu.memory_space<vmem>> -> memref<80x128xf32, #tpu.memory_space<vmem>>
      tpu.wait_dma2 semaphore(%run_scoped3A_39 : memref<!tpu.dma_semaphore, #tpu.memory_space<semaphore_mem>>) src(%dma_wait3A_61 : memref<80x128xf32, #tpu.memory_space<vmem>>) dst(%dma_wait3A_57 : memref<80x128xf32, #tpu.memory_space<vmem_shared>>)
      tpu.yield
    }) : () -> ()
    %add3A_12 = arith.constant 240 : i32
    %add3A_13 = arith.addi %mul3A_2, %add3A_12 : i32
    %run_scoped3A_14 = arith.constant 0 : i32
    "tpu.region"() ({
      %run_scoped3A_39 = tpu.sem_alloc : memref<!tpu.dma_semaphore, #tpu.memory_space<semaphore_mem>>
      %dma_start3A = arith.constant 0 : i32
      %dma_start3A_40 = arith.constant 0 : i32
      %dma_start3A_41 = tpu.memref_slice %arg10[%run_scoped3A_14, %dma_start3A, %dma_start3A_40] : memref<3x80x128xf32, #tpu.memory_space<vmem>> -> memref<1x80x128xf32, #tpu.memory_space<vmem>>
      %dma_start3A_42 = tpu.memref_squeeze %dma_start3A_41 : memref<1x80x128xf32, #tpu.memory_space<vmem>> -> memref<80x128xf32, #tpu.memory_space<vmem>>
      %dma_start3A_43 = arith.constant 0 : i32
      %dma_start3A_44 = tpu.memref_slice %arg12[%add3A_13, %dma_start3A_43] : memref<10112x128xf32, #tpu.memory_space<vmem_shared>> -> memref<80x128xf32, #tpu.memory_space<vmem_shared>>
      %dma_start3A_45 = arith.constant 0 : i32
      %dma_start3A_46 = tpu.memref_slice %arg12[%add3A_13, %dma_start3A_45] : memref<10112x128xf32, #tpu.memory_space<vmem_shared>> -> memref<80x128xf32, #tpu.memory_space<vmem_shared>>
      %dma_start3A_47 = arith.constant 0 : i32
      %dma_start3A_48 = arith.constant 0 : i32
      %dma_start3A_49 = tpu.memref_slice %arg10[%run_scoped3A_14, %dma_start3A_47, %dma_start3A_48] : memref<3x80x128xf32, #tpu.memory_space<vmem>> -> memref<1x80x128xf32, #tpu.memory_space<vmem>>
      %dma_start3A_50 = tpu.memref_squeeze %dma_start3A_49 : memref<1x80x128xf32, #tpu.memory_space<vmem>> -> memref<80x128xf32, #tpu.memory_space<vmem>>
      tpu.enqueue_dma source(%dma_start3A_50 : memref<80x128xf32, #tpu.memory_space<vmem>>) target(%dma_start3A_46 : memref<80x128xf32, #tpu.memory_space<vmem_shared>>) target_semaphore(%run_scoped3A_39 : memref<!tpu.dma_semaphore, #tpu.memory_space<semaphore_mem>>)
      %dma_wait3A = arith.constant 0 : i32
      %dma_wait3A_51 = arith.constant 0 : i32
      %dma_wait3A_52 = tpu.memref_slice %arg10[%run_scoped3A_14, %dma_wait3A, %dma_wait3A_51] : memref<3x80x128xf32, #tpu.memory_space<vmem>> -> memref<1x80x128xf32, #tpu.memory_space<vmem>>
      %dma_wait3A_53 = tpu.memref_squeeze %dma_wait3A_52 : memref<1x80x128xf32, #tpu.memory_space<vmem>> -> memref<80x128xf32, #tpu.memory_space<vmem>>
      %dma_wait3A_54 = arith.constant 0 : i32
      %dma_wait3A_55 = tpu.memref_slice %arg12[%add3A_13, %dma_wait3A_54] : memref<10112x128xf32, #tpu.memory_space<vmem_shared>> -> memref<80x128xf32, #tpu.memory_space<vmem_shared>>
      %dma_wait3A_56 = arith.constant 0 : i32
      %dma_wait3A_57 = tpu.memref_slice %arg12[%add3A_13, %dma_wait3A_56] : memref<10112x128xf32, #tpu.memory_space<vmem_shared>> -> memref<80x128xf32, #tpu.memory_space<vmem_shared>>
      %dma_wait3A_58 = arith.constant 0 : i32
      %dma_wait3A_59 = arith.constant 0 : i32
      %dma_wait3A_60 = tpu.memref_slice %arg10[%run_scoped3A_14, %dma_wait3A_58, %dma_wait3A_59] : memref<3x80x128xf32, #tpu.memory_space<vmem>> -> memref<1x80x128xf32, #tpu.memory_space<vmem>>
      %dma_wait3A_61 = tpu.memref_squeeze %dma_wait3A_60 : memref<1x80x128xf32, #tpu.memory_space<vmem>> -> memref<80x128xf32, #tpu.memory_space<vmem>>
      tpu.wait_dma2 semaphore(%run_scoped3A_39 : memref<!tpu.dma_semaphore, #tpu.memory_space<semaphore_mem>>) src(%dma_wait3A_61 : memref<80x128xf32, #tpu.memory_space<vmem>>) dst(%dma_wait3A_57 : memref<80x128xf32, #tpu.memory_space<vmem_shared>>)
      tpu.yield
    }) : () -> ()
    %add3A_15 = arith.constant 320 : i32
    %add3A_16 = arith.addi %mul3A_2, %add3A_15 : i32
    %run_scoped3A_17 = arith.constant 0 : i32
    "tpu.region"() ({
      %run_scoped3A_39 = tpu.sem_alloc : memref<!tpu.dma_semaphore, #tpu.memory_space<semaphore_mem>>
      %dma_start3A = arith.constant 0 : i32
      %dma_start3A_40 = arith.constant 0 : i32
      %dma_start3A_41 = tpu.memref_slice %arg10[%run_scoped3A_17, %dma_start3A, %dma_start3A_40] : memref<3x80x128xf32, #tpu.memory_space<vmem>> -> memref<1x80x128xf32, #tpu.memory_space<vmem>>
      %dma_start3A_42 = tpu.memref_squeeze %dma_start3A_41 : memref<1x80x128xf32, #tpu.memory_space<vmem>> -> memref<80x128xf32, #tpu.memory_space<vmem>>
      %dma_start3A_43 = arith.constant 0 : i32
      %dma_start3A_44 = tpu.memref_slice %arg12[%add3A_16, %dma_start3A_43] : memref<10112x128xf32, #tpu.memory_space<vmem_shared>> -> memref<80x128xf32, #tpu.memory_space<vmem_shared>>
      %dma_start3A_45 = arith.constant 0 : i32
      %dma_start3A_46 = tpu.memref_slice %arg12[%add3A_16, %dma_start3A_45] : memref<10112x128xf32, #tpu.memory_space<vmem_shared>> -> memref<80x128xf32, #tpu.memory_space<vmem_shared>>
      %dma_start3A_47 = arith.constant 0 : i32
      %dma_start3A_48 = arith.constant 0 : i32
      %dma_start3A_49 = tpu.memref_slice %arg10[%run_scoped3A_17, %dma_start3A_47, %dma_start3A_48] : memref<3x80x128xf32, #tpu.memory_space<vmem>> -> memref<1x80x128xf32, #tpu.memory_space<vmem>>
      %dma_start3A_50 = tpu.memref_squeeze %dma_start3A_49 : memref<1x80x128xf32, #tpu.memory_space<vmem>> -> memref<80x128xf32, #tpu.memory_space<vmem>>
      tpu.enqueue_dma source(%dma_start3A_50 : memref<80x128xf32, #tpu.memory_space<vmem>>) target(%dma_start3A_46 : memref<80x128xf32, #tpu.memory_space<vmem_shared>>) target_semaphore(%run_scoped3A_39 : memref<!tpu.dma_semaphore, #tpu.memory_space<semaphore_mem>>)
      %dma_wait3A = arith.constant 0 : i32
      %dma_wait3A_51 = arith.constant 0 : i32
      %dma_wait3A_52 = tpu.memref_slice %arg10[%run_scoped3A_17, %dma_wait3A, %dma_wait3A_51] : memref<3x80x128xf32, #tpu.memory_space<vmem>> -> memref<1x80x128xf32, #tpu.memory_space<vmem>>
      %dma_wait3A_53 = tpu.memref_squeeze %dma_wait3A_52 : memref<1x80x128xf32, #tpu.memory_space<vmem>> -> memref<80x128xf32, #tpu.memory_space<vmem>>
      %dma_wait3A_54 = arith.constant 0 : i32
      %dma_wait3A_55 = tpu.memref_slice %arg12[%add3A_16, %dma_wait3A_54] : memref<10112x128xf32, #tpu.memory_space<vmem_shared>> -> memref<80x128xf32, #tpu.memory_space<vmem_shared>>
      %dma_wait3A_56 = arith.constant 0 : i32
      %dma_wait3A_57 = tpu.memref_slice %arg12[%add3A_16, %dma_wait3A_56] : memref<10112x128xf32, #tpu.memory_space<vmem_shared>> -> memref<80x128xf32, #tpu.memory_space<vmem_shared>>
      %dma_wait3A_58 = arith.constant 0 : i32
      %dma_wait3A_59 = arith.constant 0 : i32
      %dma_wait3A_60 = tpu.memref_slice %arg10[%run_scoped3A_17, %dma_wait3A_58, %dma_wait3A_59] : memref<3x80x128xf32, #tpu.memory_space<vmem>> -> memref<1x80x128xf32, #tpu.memory_space<vmem>>
      %dma_wait3A_61 = tpu.memref_squeeze %dma_wait3A_60 : memref<1x80x128xf32, #tpu.memory_space<vmem>> -> memref<80x128xf32, #tpu.memory_space<vmem>>
      tpu.wait_dma2 semaphore(%run_scoped3A_39 : memref<!tpu.dma_semaphore, #tpu.memory_space<semaphore_mem>>) src(%dma_wait3A_61 : memref<80x128xf32, #tpu.memory_space<vmem>>) dst(%dma_wait3A_57 : memref<80x128xf32, #tpu.memory_space<vmem_shared>>)
      tpu.yield
    }) : () -> ()
    %add3A_18 = arith.constant 400 : i32
    %add3A_19 = arith.addi %mul3A_2, %add3A_18 : i32
    %run_scoped3A_20 = arith.constant 0 : i32
    "tpu.region"() ({
      %run_scoped3A_39 = tpu.sem_alloc : memref<!tpu.dma_semaphore, #tpu.memory_space<semaphore_mem>>
      %dma_start3A = arith.constant 0 : i32
      %dma_start3A_40 = arith.constant 0 : i32
      %dma_start3A_41 = tpu.memref_slice %arg10[%run_scoped3A_20, %dma_start3A, %dma_start3A_40] : memref<3x80x128xf32, #tpu.memory_space<vmem>> -> memref<1x80x128xf32, #tpu.memory_space<vmem>>
      %dma_start3A_42 = tpu.memref_squeeze %dma_start3A_41 : memref<1x80x128xf32, #tpu.memory_space<vmem>> -> memref<80x128xf32, #tpu.memory_space<vmem>>
      %dma_start3A_43 = arith.constant 0 : i32
      %dma_start3A_44 = tpu.memref_slice %arg12[%add3A_19, %dma_start3A_43] : memref<10112x128xf32, #tpu.memory_space<vmem_shared>> -> memref<80x128xf32, #tpu.memory_space<vmem_shared>>
      %dma_start3A_45 = arith.constant 0 : i32
      %dma_start3A_46 = tpu.memref_slice %arg12[%add3A_19, %dma_start3A_45] : memref<10112x128xf32, #tpu.memory_space<vmem_shared>> -> memref<80x128xf32, #tpu.memory_space<vmem_shared>>
      %dma_start3A_47 = arith.constant 0 : i32
      %dma_start3A_48 = arith.constant 0 : i32
      %dma_start3A_49 = tpu.memref_slice %arg10[%run_scoped3A_20, %dma_start3A_47, %dma_start3A_48] : memref<3x80x128xf32, #tpu.memory_space<vmem>> -> memref<1x80x128xf32, #tpu.memory_space<vmem>>
      %dma_start3A_50 = tpu.memref_squeeze %dma_start3A_49 : memref<1x80x128xf32, #tpu.memory_space<vmem>> -> memref<80x128xf32, #tpu.memory_space<vmem>>
      tpu.enqueue_dma source(%dma_start3A_50 : memref<80x128xf32, #tpu.memory_space<vmem>>) target(%dma_start3A_46 : memref<80x128xf32, #tpu.memory_space<vmem_shared>>) target_semaphore(%run_scoped3A_39 : memref<!tpu.dma_semaphore, #tpu.memory_space<semaphore_mem>>)
      %dma_wait3A = arith.constant 0 : i32
      %dma_wait3A_51 = arith.constant 0 : i32
      %dma_wait3A_52 = tpu.memref_slice %arg10[%run_scoped3A_20, %dma_wait3A, %dma_wait3A_51] : memref<3x80x128xf32, #tpu.memory_space<vmem>> -> memref<1x80x128xf32, #tpu.memory_space<vmem>>
      %dma_wait3A_53 = tpu.memref_squeeze %dma_wait3A_52 : memref<1x80x128xf32, #tpu.memory_space<vmem>> -> memref<80x128xf32, #tpu.memory_space<vmem>>
      %dma_wait3A_54 = arith.constant 0 : i32
      %dma_wait3A_55 = tpu.memref_slice %arg12[%add3A_19, %dma_wait3A_54] : memref<10112x128xf32, #tpu.memory_space<vmem_shared>> -> memref<80x128xf32, #tpu.memory_space<vmem_shared>>
      %dma_wait3A_56 = arith.constant 0 : i32
      %dma_wait3A_57 = tpu.memref_slice %arg12[%add3A_19, %dma_wait3A_56] : memref<10112x128xf32, #tpu.memory_space<vmem_shared>> -> memref<80x128xf32, #tpu.memory_space<vmem_shared>>
      %dma_wait3A_58 = arith.constant 0 : i32
      %dma_wait3A_59 = arith.constant 0 : i32
      %dma_wait3A_60 = tpu.memref_slice %arg10[%run_scoped3A_20, %dma_wait3A_58, %dma_wait3A_59] : memref<3x80x128xf32, #tpu.memory_space<vmem>> -> memref<1x80x128xf32, #tpu.memory_space<vmem>>
      %dma_wait3A_61 = tpu.memref_squeeze %dma_wait3A_60 : memref<1x80x128xf32, #tpu.memory_space<vmem>> -> memref<80x128xf32, #tpu.memory_space<vmem>>
      tpu.wait_dma2 semaphore(%run_scoped3A_39 : memref<!tpu.dma_semaphore, #tpu.memory_space<semaphore_mem>>) src(%dma_wait3A_61 : memref<80x128xf32, #tpu.memory_space<vmem>>) dst(%dma_wait3A_57 : memref<80x128xf32, #tpu.memory_space<vmem_shared>>)
      tpu.yield
    }) : () -> ()
    %add3A_21 = arith.constant 480 : i32
    %add3A_22 = arith.addi %mul3A_2, %add3A_21 : i32
    %run_scoped3A_23 = arith.constant 0 : i32
    "tpu.region"() ({
      %run_scoped3A_39 = tpu.sem_alloc : memref<!tpu.dma_semaphore, #tpu.memory_space<semaphore_mem>>
      %dma_start3A = arith.constant 0 : i32
      %dma_start3A_40 = arith.constant 0 : i32
      %dma_start3A_41 = tpu.memref_slice %arg10[%run_scoped3A_23, %dma_start3A, %dma_start3A_40] : memref<3x80x128xf32, #tpu.memory_space<vmem>> -> memref<1x80x128xf32, #tpu.memory_space<vmem>>
      %dma_start3A_42 = tpu.memref_squeeze %dma_start3A_41 : memref<1x80x128xf32, #tpu.memory_space<vmem>> -> memref<80x128xf32, #tpu.memory_space<vmem>>
      %dma_start3A_43 = arith.constant 0 : i32
      %dma_start3A_44 = tpu.memref_slice %arg12[%add3A_22, %dma_start3A_43] : memref<10112x128xf32, #tpu.memory_space<vmem_shared>> -> memref<80x128xf32, #tpu.memory_space<vmem_shared>>
      %dma_start3A_45 = arith.constant 0 : i32
      %dma_start3A_46 = tpu.memref_slice %arg12[%add3A_22, %dma_start3A_45] : memref<10112x128xf32, #tpu.memory_space<vmem_shared>> -> memref<80x128xf32, #tpu.memory_space<vmem_shared>>
      %dma_start3A_47 = arith.constant 0 : i32
      %dma_start3A_48 = arith.constant 0 : i32
      %dma_start3A_49 = tpu.memref_slice %arg10[%run_scoped3A_23, %dma_start3A_47, %dma_start3A_48] : memref<3x80x128xf32, #tpu.memory_space<vmem>> -> memref<1x80x128xf32, #tpu.memory_space<vmem>>
      %dma_start3A_50 = tpu.memref_squeeze %dma_start3A_49 : memref<1x80x128xf32, #tpu.memory_space<vmem>> -> memref<80x128xf32, #tpu.memory_space<vmem>>
      tpu.enqueue_dma source(%dma_start3A_50 : memref<80x128xf32, #tpu.memory_space<vmem>>) target(%dma_start3A_46 : memref<80x128xf32, #tpu.memory_space<vmem_shared>>) target_semaphore(%run_scoped3A_39 : memref<!tpu.dma_semaphore, #tpu.memory_space<semaphore_mem>>)
      %dma_wait3A = arith.constant 0 : i32
      %dma_wait3A_51 = arith.constant 0 : i32
      %dma_wait3A_52 = tpu.memref_slice %arg10[%run_scoped3A_23, %dma_wait3A, %dma_wait3A_51] : memref<3x80x128xf32, #tpu.memory_space<vmem>> -> memref<1x80x128xf32, #tpu.memory_space<vmem>>
      %dma_wait3A_53 = tpu.memref_squeeze %dma_wait3A_52 : memref<1x80x128xf32, #tpu.memory_space<vmem>> -> memref<80x128xf32, #tpu.memory_space<vmem>>
      %dma_wait3A_54 = arith.constant 0 : i32
      %dma_wait3A_55 = tpu.memref_slice %arg12[%add3A_22, %dma_wait3A_54] : memref<10112x128xf32, #tpu.memory_space<vmem_shared>> -> memref<80x128xf32, #tpu.memory_space<vmem_shared>>
      %dma_wait3A_56 = arith.constant 0 : i32
      %dma_wait3A_57 = tpu.memref_slice %arg12[%add3A_22, %dma_wait3A_56] : memref<10112x128xf32, #tpu.memory_space<vmem_shared>> -> memref<80x128xf32, #tpu.memory_space<vmem_shared>>
      %dma_wait3A_58 = arith.constant 0 : i32
      %dma_wait3A_59 = arith.constant 0 : i32
      %dma_wait3A_60 = tpu.memref_slice %arg10[%run_scoped3A_23, %dma_wait3A_58, %dma_wait3A_59] : memref<3x80x128xf32, #tpu.memory_space<vmem>> -> memref<1x80x128xf32, #tpu.memory_space<vmem>>
      %dma_wait3A_61 = tpu.memref_squeeze %dma_wait3A_60 : memref<1x80x128xf32, #tpu.memory_space<vmem>> -> memref<80x128xf32, #tpu.memory_space<vmem>>
      tpu.wait_dma2 semaphore(%run_scoped3A_39 : memref<!tpu.dma_semaphore, #tpu.memory_space<semaphore_mem>>) src(%dma_wait3A_61 : memref<80x128xf32, #tpu.memory_space<vmem>>) dst(%dma_wait3A_57 : memref<80x128xf32, #tpu.memory_space<vmem_shared>>)
      tpu.yield
    }) : () -> ()
    %add3A_24 = arith.constant 560 : i32
    %add3A_25 = arith.addi %mul3A_2, %add3A_24 : i32
    %run_scoped3A_26 = arith.constant 0 : i32
    "tpu.region"() ({
      %run_scoped3A_39 = tpu.sem_alloc : memref<!tpu.dma_semaphore, #tpu.memory_space<semaphore_mem>>
      %dma_start3A = arith.constant 0 : i32
      %dma_start3A_40 = arith.constant 0 : i32
      %dma_start3A_41 = tpu.memref_slice %arg10[%run_scoped3A_26, %dma_start3A, %dma_start3A_40] : memref<3x80x128xf32, #tpu.memory_space<vmem>> -> memref<1x72x128xf32, #tpu.memory_space<vmem>>
      %dma_start3A_42 = tpu.memref_squeeze %dma_start3A_41 : memref<1x72x128xf32, #tpu.memory_space<vmem>> -> memref<72x128xf32, #tpu.memory_space<vmem>>
      %dma_start3A_43 = arith.constant 0 : i32
      %dma_start3A_44 = tpu.memref_slice %arg12[%add3A_25, %dma_start3A_43] : memref<10112x128xf32, #tpu.memory_space<vmem_shared>> -> memref<72x128xf32, #tpu.memory_space<vmem_shared>>
      %dma_start3A_45 = arith.constant 0 : i32
      %dma_start3A_46 = tpu.memref_slice %arg12[%add3A_25, %dma_start3A_45] : memref<10112x128xf32, #tpu.memory_space<vmem_shared>> -> memref<72x128xf32, #tpu.memory_space<vmem_shared>>
      %dma_start3A_47 = arith.constant 0 : i32
      %dma_start3A_48 = arith.constant 0 : i32
      %dma_start3A_49 = tpu.memref_slice %arg10[%run_scoped3A_26, %dma_start3A_47, %dma_start3A_48] : memref<3x80x128xf32, #tpu.memory_space<vmem>> -> memref<1x72x128xf32, #tpu.memory_space<vmem>>
      %dma_start3A_50 = tpu.memref_squeeze %dma_start3A_49 : memref<1x72x128xf32, #tpu.memory_space<vmem>> -> memref<72x128xf32, #tpu.memory_space<vmem>>
      tpu.enqueue_dma source(%dma_start3A_50 : memref<72x128xf32, #tpu.memory_space<vmem>>) target(%dma_start3A_46 : memref<72x128xf32, #tpu.memory_space<vmem_shared>>) target_semaphore(%run_scoped3A_39 : memref<!tpu.dma_semaphore, #tpu.memory_space<semaphore_mem>>)
      %dma_wait3A = arith.constant 0 : i32
      %dma_wait3A_51 = arith.constant 0 : i32
      %dma_wait3A_52 = tpu.memref_slice %arg10[%run_scoped3A_26, %dma_wait3A, %dma_wait3A_51] : memref<3x80x128xf32, #tpu.memory_space<vmem>> -> memref<1x72x128xf32, #tpu.memory_space<vmem>>
      %dma_wait3A_53 = tpu.memref_squeeze %dma_wait3A_52 : memref<1x72x128xf32, #tpu.memory_space<vmem>> -> memref<72x128xf32, #tpu.memory_space<vmem>>
      %dma_wait3A_54 = arith.constant 0 : i32
      %dma_wait3A_55 = tpu.memref_slice %arg12[%add3A_25, %dma_wait3A_54] : memref<10112x128xf32, #tpu.memory_space<vmem_shared>> -> memref<72x128xf32, #tpu.memory_space<vmem_shared>>
      %dma_wait3A_56 = arith.constant 0 : i32
      %dma_wait3A_57 = tpu.memref_slice %arg12[%add3A_25, %dma_wait3A_56] : memref<10112x128xf32, #tpu.memory_space<vmem_shared>> -> memref<72x128xf32, #tpu.memory_space<vmem_shared>>
      %dma_wait3A_58 = arith.constant 0 : i32
      %dma_wait3A_59 = arith.constant 0 : i32
      %dma_wait3A_60 = tpu.memref_slice %arg10[%run_scoped3A_26, %dma_wait3A_58, %dma_wait3A_59] : memref<3x80x128xf32, #tpu.memory_space<vmem>> -> memref<1x72x128xf32, #tpu.memory_space<vmem>>
      %dma_wait3A_61 = tpu.memref_squeeze %dma_wait3A_60 : memref<1x72x128xf32, #tpu.memory_space<vmem>> -> memref<72x128xf32, #tpu.memory_space<vmem>>
      tpu.wait_dma2 semaphore(%run_scoped3A_39 : memref<!tpu.dma_semaphore, #tpu.memory_space<semaphore_mem>>) src(%dma_wait3A_61 : memref<72x128xf32, #tpu.memory_space<vmem>>) dst(%dma_wait3A_57 : memref<72x128xf32, #tpu.memory_space<vmem_shared>>)
      tpu.yield
    }) : () -> ()
    %barrier3A = arith.constant 0 : index
    tpu.barrier barrier_id(%barrier3A)
    %run_scoped3A_27 = arith.constant 0 : i32
    %run_scoped3A_28 = arith.constant 0 : i32
    %run_scoped3A_29 = arith.constant 0 : i32
    "tpu.region"() ({
      %run_scoped3A_39 = tpu.sem_alloc : memref<!tpu.dma_semaphore, #tpu.memory_space<semaphore_mem>>
      %dma_start3A = arith.constant 0 : i32
      %dma_start3A_40 = arith.constant 0 : i32
      %dma_start3A_41 = tpu.memref_slice %arg8[%run_scoped3A_29, %dma_start3A, %dma_start3A_40] : memref<2x25x80xi32, #tpu.memory_space<vmem>> -> memref<1x25x80xi32, #tpu.memory_space<vmem>>
      %dma_start3A_42 = tpu.memref_squeeze %dma_start3A_41 : memref<1x25x80xi32, #tpu.memory_space<vmem>> -> memref<25x80xi32, #tpu.memory_space<vmem>>
      %dma_start3A_43 = arith.constant 0 : i32
      %dma_start3A_44 = arith.constant 0 : i32
      %dma_start3A_45 = tpu.memref_slice %arg3[%run_scoped3A_27, %add3A, %run_scoped3A_28, %dma_start3A_43, %dma_start3A_44] : memref<2x32x5x25x80xi32, #tpu.memory_space<hbm>> -> memref<1x1x1x25x80xi32, #tpu.memory_space<hbm>>
      %dma_start3A_46 = tpu.memref_squeeze %dma_start3A_45 : memref<1x1x1x25x80xi32, #tpu.memory_space<hbm>> -> memref<25x80xi32, #tpu.memory_space<hbm>>
      %dma_start3A_47 = arith.constant 0 : i32
      %dma_start3A_48 = arith.constant 0 : i32
      %dma_start3A_49 = tpu.memref_slice %arg8[%run_scoped3A_29, %dma_start3A_47, %dma_start3A_48] : memref<2x25x80xi32, #tpu.memory_space<vmem>> -> memref<1x25x80xi32, #tpu.memory_space<vmem>>
      %dma_start3A_50 = tpu.memref_squeeze %dma_start3A_49 : memref<1x25x80xi32, #tpu.memory_space<vmem>> -> memref<25x80xi32, #tpu.memory_space<vmem>>
      %dma_start3A_51 = arith.constant 0 : i32
      %dma_start3A_52 = arith.constant 0 : i32
      %dma_start3A_53 = tpu.memref_slice %arg3[%run_scoped3A_27, %add3A, %run_scoped3A_28, %dma_start3A_51, %dma_start3A_52] : memref<2x32x5x25x80xi32, #tpu.memory_space<hbm>> -> memref<1x1x1x25x80xi32, #tpu.memory_space<hbm>>
      %dma_start3A_54 = tpu.memref_squeeze %dma_start3A_53 : memref<1x1x1x25x80xi32, #tpu.memory_space<hbm>> -> memref<25x80xi32, #tpu.memory_space<hbm>>
      tpu.enqueue_dma source(%dma_start3A_54 : memref<25x80xi32, #tpu.memory_space<hbm>>) target(%dma_start3A_50 : memref<25x80xi32, #tpu.memory_space<vmem>>) target_semaphore(%run_scoped3A_39 : memref<!tpu.dma_semaphore, #tpu.memory_space<semaphore_mem>>)
      %dma_wait3A = arith.constant 0 : i32
      %dma_wait3A_55 = arith.constant 0 : i32
      %dma_wait3A_56 = tpu.memref_slice %arg8[%run_scoped3A_29, %dma_wait3A, %dma_wait3A_55] : memref<2x25x80xi32, #tpu.memory_space<vmem>> -> memref<1x25x80xi32, #tpu.memory_space<vmem>>
      %dma_wait3A_57 = tpu.memref_squeeze %dma_wait3A_56 : memref<1x25x80xi32, #tpu.memory_space<vmem>> -> memref<25x80xi32, #tpu.memory_space<vmem>>
      %dma_wait3A_58 = arith.constant 0 : i32
      %dma_wait3A_59 = arith.constant 0 : i32
      %dma_wait3A_60 = tpu.memref_slice %arg3[%run_scoped3A_27, %add3A, %run_scoped3A_28, %dma_wait3A_58, %dma_wait3A_59] : memref<2x32x5x25x80xi32, #tpu.memory_space<hbm>> -> memref<1x1x1x25x80xi32, #tpu.memory_space<hbm>>
      %dma_wait3A_61 = tpu.memref_squeeze %dma_wait3A_60 : memref<1x1x1x25x80xi32, #tpu.memory_space<hbm>> -> memref<25x80xi32, #tpu.memory_space<hbm>>
      %dma_wait3A_62 = arith.constant 0 : i32
      %dma_wait3A_63 = arith.constant 0 : i32
      %dma_wait3A_64 = tpu.memref_slice %arg8[%run_scoped3A_29, %dma_wait3A_62, %dma_wait3A_63] : memref<2x25x80xi32, #tpu.memory_space<vmem>> -> memref<1x25x80xi32, #tpu.memory_space<vmem>>
      %dma_wait3A_65 = tpu.memref_squeeze %dma_wait3A_64 : memref<1x25x80xi32, #tpu.memory_space<vmem>> -> memref<25x80xi32, #tpu.memory_space<vmem>>
      %dma_wait3A_66 = arith.constant 0 : i32
      %dma_wait3A_67 = arith.constant 0 : i32
      %dma_wait3A_68 = tpu.memref_slice %arg3[%run_scoped3A_27, %add3A, %run_scoped3A_28, %dma_wait3A_66, %dma_wait3A_67] : memref<2x32x5x25x80xi32, #tpu.memory_space<hbm>> -> memref<1x1x1x25x80xi32, #tpu.memory_space<hbm>>
      %dma_wait3A_69 = tpu.memref_squeeze %dma_wait3A_68 : memref<1x1x1x25x80xi32, #tpu.memory_space<hbm>> -> memref<25x80xi32, #tpu.memory_space<hbm>>
      tpu.wait_dma2 semaphore(%run_scoped3A_39 : memref<!tpu.dma_semaphore, #tpu.memory_space<semaphore_mem>>) src(%dma_wait3A_69 : memref<25x80xi32, #tpu.memory_space<hbm>>) dst(%dma_wait3A_65 : memref<25x80xi32, #tpu.memory_space<vmem>>)
      tpu.yield
    }) : () -> ()
    %run_scoped3A_30 = arith.constant 1 : i32
    %run_scoped3A_31 = arith.constant 0 : i32
    %run_scoped3A_32 = arith.constant 0 : i32
    "tpu.region"() ({
      %run_scoped3A_39 = tpu.sem_alloc : memref<!tpu.dma_semaphore, #tpu.memory_space<semaphore_mem>>
      %dma_start3A = arith.constant 0 : i32
      %dma_start3A_40 = arith.constant 0 : i32
      %dma_start3A_41 = tpu.memref_slice %arg9[%run_scoped3A_32, %dma_start3A, %dma_start3A_40] : memref<2x25x80xi32, #tpu.memory_space<vmem>> -> memref<1x25x80xi32, #tpu.memory_space<vmem>>
      %dma_start3A_42 = tpu.memref_squeeze %dma_start3A_41 : memref<1x25x80xi32, #tpu.memory_space<vmem>> -> memref<25x80xi32, #tpu.memory_space<vmem>>
      %dma_start3A_43 = arith.constant 0 : i32
      %dma_start3A_44 = arith.constant 0 : i32
      %dma_start3A_45 = tpu.memref_slice %arg3[%run_scoped3A_30, %add3A, %run_scoped3A_31, %dma_start3A_43, %dma_start3A_44] : memref<2x32x5x25x80xi32, #tpu.memory_space<hbm>> -> memref<1x1x1x25x80xi32, #tpu.memory_space<hbm>>
      %dma_start3A_46 = tpu.memref_squeeze %dma_start3A_45 : memref<1x1x1x25x80xi32, #tpu.memory_space<hbm>> -> memref<25x80xi32, #tpu.memory_space<hbm>>
      %dma_start3A_47 = arith.constant 0 : i32
      %dma_start3A_48 = arith.constant 0 : i32
      %dma_start3A_49 = tpu.memref_slice %arg9[%run_scoped3A_32, %dma_start3A_47, %dma_start3A_48] : memref<2x25x80xi32, #tpu.memory_space<vmem>> -> memref<1x25x80xi32, #tpu.memory_space<vmem>>
      %dma_start3A_50 = tpu.memref_squeeze %dma_start3A_49 : memref<1x25x80xi32, #tpu.memory_space<vmem>> -> memref<25x80xi32, #tpu.memory_space<vmem>>
      %dma_start3A_51 = arith.constant 0 : i32
      %dma_start3A_52 = arith.constant 0 : i32
      %dma_start3A_53 = tpu.memref_slice %arg3[%run_scoped3A_30, %add3A, %run_scoped3A_31, %dma_start3A_51, %dma_start3A_52] : memref<2x32x5x25x80xi32, #tpu.memory_space<hbm>> -> memref<1x1x1x25x80xi32, #tpu.memory_space<hbm>>
      %dma_start3A_54 = tpu.memref_squeeze %dma_start3A_53 : memref<1x1x1x25x80xi32, #tpu.memory_space<hbm>> -> memref<25x80xi32, #tpu.memory_space<hbm>>
      tpu.enqueue_dma source(%dma_start3A_54 : memref<25x80xi32, #tpu.memory_space<hbm>>) target(%dma_start3A_50 : memref<25x80xi32, #tpu.memory_space<vmem>>) target_semaphore(%run_scoped3A_39 : memref<!tpu.dma_semaphore, #tpu.memory_space<semaphore_mem>>)
      %dma_wait3A = arith.constant 0 : i32
      %dma_wait3A_55 = arith.constant 0 : i32
      %dma_wait3A_56 = tpu.memref_slice %arg9[%run_scoped3A_32, %dma_wait3A, %dma_wait3A_55] : memref<2x25x80xi32, #tpu.memory_space<vmem>> -> memref<1x25x80xi32, #tpu.memory_space<vmem>>
      %dma_wait3A_57 = tpu.memref_squeeze %dma_wait3A_56 : memref<1x25x80xi32, #tpu.memory_space<vmem>> -> memref<25x80xi32, #tpu.memory_space<vmem>>
      %dma_wait3A_58 = arith.constant 0 : i32
      %dma_wait3A_59 = arith.constant 0 : i32
      %dma_wait3A_60 = tpu.memref_slice %arg3[%run_scoped3A_30, %add3A, %run_scoped3A_31, %dma_wait3A_58, %dma_wait3A_59] : memref<2x32x5x25x80xi32, #tpu.memory_space<hbm>> -> memref<1x1x1x25x80xi32, #tpu.memory_space<hbm>>
      %dma_wait3A_61 = tpu.memref_squeeze %dma_wait3A_60 : memref<1x1x1x25x80xi32, #tpu.memory_space<hbm>> -> memref<25x80xi32, #tpu.memory_space<hbm>>
      %dma_wait3A_62 = arith.constant 0 : i32
      %dma_wait3A_63 = arith.constant 0 : i32
      %dma_wait3A_64 = tpu.memref_slice %arg9[%run_scoped3A_32, %dma_wait3A_62, %dma_wait3A_63] : memref<2x25x80xi32, #tpu.memory_space<vmem>> -> memref<1x25x80xi32, #tpu.memory_space<vmem>>
      %dma_wait3A_65 = tpu.memref_squeeze %dma_wait3A_64 : memref<1x25x80xi32, #tpu.memory_space<vmem>> -> memref<25x80xi32, #tpu.memory_space<vmem>>
      %dma_wait3A_66 = arith.constant 0 : i32
      %dma_wait3A_67 = arith.constant 0 : i32
      %dma_wait3A_68 = tpu.memref_slice %arg3[%run_scoped3A_30, %add3A, %run_scoped3A_31, %dma_wait3A_66, %dma_wait3A_67] : memref<2x32x5x25x80xi32, #tpu.memory_space<hbm>> -> memref<1x1x1x25x80xi32, #tpu.memory_space<hbm>>
      %dma_wait3A_69 = tpu.memref_squeeze %dma_wait3A_68 : memref<1x1x1x25x80xi32, #tpu.memory_space<hbm>> -> memref<25x80xi32, #tpu.memory_space<hbm>>
      tpu.wait_dma2 semaphore(%run_scoped3A_39 : memref<!tpu.dma_semaphore, #tpu.memory_space<semaphore_mem>>) src(%dma_wait3A_69 : memref<25x80xi32, #tpu.memory_space<hbm>>) dst(%dma_wait3A_65 : memref<25x80xi32, #tpu.memory_space<vmem>>)
      tpu.yield
    }) : () -> ()
    %scan3A = arith.constant 0 : i32
    %scan3A_33 = arith.constant 0 : i32
    %scan3A_34 = arith.constant 5 : i32
    %scan3A_35 = arith.addi %scan3A_33, %scan3A_34 : i32
    %scan3A_36 = arith.constant 1 : i32
    scf.for %scan3A_39 = %scan3A_33 to %scan3A_35 step %scan3A_36  : i32 {
      %rem3A = arith.constant 2 : i32
      %rem3A_40 = arith.remsi %scan3A_39, %rem3A : i32
      %sub3A = arith.constant 1 : i32
      %sub3A_41 = arith.subi %sub3A, %rem3A_40 : i32
      %add3A_42 = arith.constant 1 : i32
      %add3A_43 = arith.addi %scan3A_39, %add3A_42 : i32
      %lt3A = arith.constant 5 : i32
      %lt3A_44 = arith.cmpi slt, %add3A_43, %lt3A : i32
      %convert_element_type3A = arith.extui %lt3A_44 : i1 to i32
      %cond3A = arith.constant 0 : i32
      %cond3A_45 = arith.cmpi ne, %convert_element_type3A, %cond3A : i32
      scf.if %cond3A_45 {
        %add3A_156 = arith.constant 1 : i32
        %add3A_157 = arith.addi %scan3A_39, %add3A_156 : i32
        %dma_start3A_158 = arith.constant 0 : i32
        %dma_start3A_159 = arith.constant 0 : i32
        %dma_start3A_160 = arith.constant 0 : i32
        %dma_start3A_161 = tpu.memref_slice %arg8[%sub3A_41, %dma_start3A_159, %dma_start3A_160] : memref<2x25x80xi32, #tpu.memory_space<vmem>> -> memref<1x25x80xi32, #tpu.memory_space<vmem>>
        %dma_start3A_162 = tpu.memref_squeeze %dma_start3A_161 : memref<1x25x80xi32, #tpu.memory_space<vmem>> -> memref<25x80xi32, #tpu.memory_space<vmem>>
        %dma_start3A_163 = arith.constant 0 : i32
        %dma_start3A_164 = arith.constant 0 : i32
        %dma_start3A_165 = tpu.memref_slice %arg3[%dma_start3A_158, %add3A, %add3A_157, %dma_start3A_163, %dma_start3A_164] : memref<2x32x5x25x80xi32, #tpu.memory_space<hbm>> -> memref<1x1x1x25x80xi32, #tpu.memory_space<hbm>>
        %dma_start3A_166 = tpu.memref_squeeze %dma_start3A_165 : memref<1x1x1x25x80xi32, #tpu.memory_space<hbm>> -> memref<25x80xi32, #tpu.memory_space<hbm>>
        %dma_start3A_167 = arith.constant 0 : i32
        %dma_start3A_168 = arith.constant 0 : i32
        %dma_start3A_169 = tpu.memref_slice %arg8[%sub3A_41, %dma_start3A_167, %dma_start3A_168] : memref<2x25x80xi32, #tpu.memory_space<vmem>> -> memref<1x25x80xi32, #tpu.memory_space<vmem>>
        %dma_start3A_170 = tpu.memref_squeeze %dma_start3A_169 : memref<1x25x80xi32, #tpu.memory_space<vmem>> -> memref<25x80xi32, #tpu.memory_space<vmem>>
        %dma_start3A_171 = arith.constant 0 : i32
        %dma_start3A_172 = arith.constant 0 : i32
        %dma_start3A_173 = tpu.memref_slice %arg3[%dma_start3A_158, %add3A, %add3A_157, %dma_start3A_171, %dma_start3A_172] : memref<2x32x5x25x80xi32, #tpu.memory_space<hbm>> -> memref<1x1x1x25x80xi32, #tpu.memory_space<hbm>>
        %dma_start3A_174 = tpu.memref_squeeze %dma_start3A_173 : memref<1x1x1x25x80xi32, #tpu.memory_space<hbm>> -> memref<25x80xi32, #tpu.memory_space<hbm>>
        tpu.enqueue_dma source(%dma_start3A_174 : memref<25x80xi32, #tpu.memory_space<hbm>>) target(%dma_start3A_170 : memref<25x80xi32, #tpu.memory_space<vmem>>) target_semaphore(%arg16 : memref<!tpu.dma_semaphore, #tpu.memory_space<semaphore_mem>>)
        %add3A_175 = arith.constant 1 : i32
        %add3A_176 = arith.addi %scan3A_39, %add3A_175 : i32
        %dma_start3A_177 = arith.constant 1 : i32
        %dma_start3A_178 = arith.constant 0 : i32
        %dma_start3A_179 = arith.constant 0 : i32
        %dma_start3A_180 = tpu.memref_slice %arg9[%sub3A_41, %dma_start3A_178, %dma_start3A_179] : memref<2x25x80xi32, #tpu.memory_space<vmem>> -> memref<1x25x80xi32, #tpu.memory_space<vmem>>
        %dma_start3A_181 = tpu.memref_squeeze %dma_start3A_180 : memref<1x25x80xi32, #tpu.memory_space<vmem>> -> memref<25x80xi32, #tpu.memory_space<vmem>>
        %dma_start3A_182 = arith.constant 0 : i32
        %dma_start3A_183 = arith.constant 0 : i32
        %dma_start3A_184 = tpu.memref_slice %arg3[%dma_start3A_177, %add3A, %add3A_176, %dma_start3A_182, %dma_start3A_183] : memref<2x32x5x25x80xi32, #tpu.memory_space<hbm>> -> memref<1x1x1x25x80xi32, #tpu.memory_space<hbm>>
        %dma_start3A_185 = tpu.memref_squeeze %dma_start3A_184 : memref<1x1x1x25x80xi32, #tpu.memory_space<hbm>> -> memref<25x80xi32, #tpu.memory_space<hbm>>
        %dma_start3A_186 = arith.constant 0 : i32
        %dma_start3A_187 = arith.constant 0 : i32
        %dma_start3A_188 = tpu.memref_slice %arg9[%sub3A_41, %dma_start3A_186, %dma_start3A_187] : memref<2x25x80xi32, #tpu.memory_space<vmem>> -> memref<1x25x80xi32, #tpu.memory_space<vmem>>
        %dma_start3A_189 = tpu.memref_squeeze %dma_start3A_188 : memref<1x25x80xi32, #tpu.memory_space<vmem>> -> memref<25x80xi32, #tpu.memory_space<vmem>>
        %dma_start3A_190 = arith.constant 0 : i32
        %dma_start3A_191 = arith.constant 0 : i32
        %dma_start3A_192 = tpu.memref_slice %arg3[%dma_start3A_177, %add3A, %add3A_176, %dma_start3A_190, %dma_start3A_191] : memref<2x32x5x25x80xi32, #tpu.memory_space<hbm>> -> memref<1x1x1x25x80xi32, #tpu.memory_space<hbm>>
        %dma_start3A_193 = tpu.memref_squeeze %dma_start3A_192 : memref<1x1x1x25x80xi32, #tpu.memory_space<hbm>> -> memref<25x80xi32, #tpu.memory_space<hbm>>
        tpu.enqueue_dma source(%dma_start3A_193 : memref<25x80xi32, #tpu.memory_space<hbm>>) target(%dma_start3A_189 : memref<25x80xi32, #tpu.memory_space<vmem>>) target_semaphore(%arg16 : memref<!tpu.dma_semaphore, #tpu.memory_space<semaphore_mem>>)
      } else {
      }
      %rem3A_46 = arith.constant 0 : i32
      %rem3A_47 = arith.constant 3 : i32
      %rem3A_48 = arith.remsi %rem3A_46, %rem3A_47 : i32
      %dma_start3A = arith.constant 0 : i32
      %dma_start3A_49 = arith.constant 0 : i32
      %dma_start3A_50 = arith.constant 0 : i32
      %dma_start3A_51 = tpu.memref_slice %arg10[%rem3A_48, %dma_start3A_49, %dma_start3A_50] : memref<3x80x128xf32, #tpu.memory_space<vmem>> -> memref<1x80x128xf32, #tpu.memory_space<vmem>>
      %dma_start3A_52 = tpu.memref_squeeze %dma_start3A_51 : memref<1x80x128xf32, #tpu.memory_space<vmem>> -> memref<80x128xf32, #tpu.memory_space<vmem>>
      %dma_start3A_53 = arith.constant 0 : i32
      %dma_start3A_54 = tpu.memref_slice %arg8[%rem3A_40, %dma_start3A, %dma_start3A_53] : memref<2x25x80xi32, #tpu.memory_space<vmem>> -> memref<1x1x80xi32, #tpu.memory_space<vmem>>
      %dma_start3A_55 = tpu.memref_squeeze %dma_start3A_54 : memref<1x1x80xi32, #tpu.memory_space<vmem>> -> memref<80xi32, #tpu.memory_space<vmem>>
      %dma_start3A_56 = arith.constant 0 : i32
      %dma_start3A_57 = arith.constant 0 : i32
      %dma_start3A_58 = tpu.memref_slice %arg2[%dma_start3A_56, %dma_start3A_57] : memref<10000x128xf32, #tpu.memory_space<hbm>> -> memref<10000x128xf32, #tpu.memory_space<hbm>>
      tpu.enqueue_indirect_dma source(%dma_start3A_58 : memref<10000x128xf32, #tpu.memory_space<hbm>>) target(%dma_start3A_52 : memref<80x128xf32, #tpu.memory_space<vmem>>) offsets(%dma_start3A_55 : memref<80xi32, #tpu.memory_space<vmem>>) semaphore(%arg14 : memref<!tpu.dma_semaphore, #tpu.memory_space<semaphore_mem>>)
      %rem3A_59 = arith.constant 1 : i32
      %rem3A_60 = arith.constant 3 : i32
      %rem3A_61 = arith.remsi %rem3A_59, %rem3A_60 : i32
      %dma_start3A_62 = arith.constant 1 : i32
      %dma_start3A_63 = arith.constant 0 : i32
      %dma_start3A_64 = arith.constant 0 : i32
      %dma_start3A_65 = tpu.memref_slice %arg10[%rem3A_61, %dma_start3A_63, %dma_start3A_64] : memref<3x80x128xf32, #tpu.memory_space<vmem>> -> memref<1x80x128xf32, #tpu.memory_space<vmem>>
      %dma_start3A_66 = tpu.memref_squeeze %dma_start3A_65 : memref<1x80x128xf32, #tpu.memory_space<vmem>> -> memref<80x128xf32, #tpu.memory_space<vmem>>
      %dma_start3A_67 = arith.constant 0 : i32
      %dma_start3A_68 = tpu.memref_slice %arg8[%rem3A_40, %dma_start3A_62, %dma_start3A_67] : memref<2x25x80xi32, #tpu.memory_space<vmem>> -> memref<1x1x80xi32, #tpu.memory_space<vmem>>
      %dma_start3A_69 = tpu.memref_squeeze %dma_start3A_68 : memref<1x1x80xi32, #tpu.memory_space<vmem>> -> memref<80xi32, #tpu.memory_space<vmem>>
      %dma_start3A_70 = arith.constant 0 : i32
      %dma_start3A_71 = arith.constant 0 : i32
      %dma_start3A_72 = tpu.memref_slice %arg2[%dma_start3A_70, %dma_start3A_71] : memref<10000x128xf32, #tpu.memory_space<hbm>> -> memref<10000x128xf32, #tpu.memory_space<hbm>>
      tpu.enqueue_indirect_dma source(%dma_start3A_72 : memref<10000x128xf32, #tpu.memory_space<hbm>>) target(%dma_start3A_66 : memref<80x128xf32, #tpu.memory_space<vmem>>) offsets(%dma_start3A_69 : memref<80xi32, #tpu.memory_space<vmem>>) semaphore(%arg14 : memref<!tpu.dma_semaphore, #tpu.memory_space<semaphore_mem>>)
      %rem3A_73 = arith.constant 2 : i32
      %rem3A_74 = arith.constant 3 : i32
      %rem3A_75 = arith.remsi %rem3A_73, %rem3A_74 : i32
      %dma_start3A_76 = arith.constant 2 : i32
      %dma_start3A_77 = arith.constant 0 : i32
      %dma_start3A_78 = arith.constant 0 : i32
      %dma_start3A_79 = tpu.memref_slice %arg10[%rem3A_75, %dma_start3A_77, %dma_start3A_78] : memref<3x80x128xf32, #tpu.memory_space<vmem>> -> memref<1x80x128xf32, #tpu.memory_space<vmem>>
      %dma_start3A_80 = tpu.memref_squeeze %dma_start3A_79 : memref<1x80x128xf32, #tpu.memory_space<vmem>> -> memref<80x128xf32, #tpu.memory_space<vmem>>
      %dma_start3A_81 = arith.constant 0 : i32
      %dma_start3A_82 = tpu.memref_slice %arg8[%rem3A_40, %dma_start3A_76, %dma_start3A_81] : memref<2x25x80xi32, #tpu.memory_space<vmem>> -> memref<1x1x80xi32, #tpu.memory_space<vmem>>
      %dma_start3A_83 = tpu.memref_squeeze %dma_start3A_82 : memref<1x1x80xi32, #tpu.memory_space<vmem>> -> memref<80xi32, #tpu.memory_space<vmem>>
      %dma_start3A_84 = arith.constant 0 : i32
      %dma_start3A_85 = arith.constant 0 : i32
      %dma_start3A_86 = tpu.memref_slice %arg2[%dma_start3A_84, %dma_start3A_85] : memref<10000x128xf32, #tpu.memory_space<hbm>> -> memref<10000x128xf32, #tpu.memory_space<hbm>>
      tpu.enqueue_indirect_dma source(%dma_start3A_86 : memref<10000x128xf32, #tpu.memory_space<hbm>>) target(%dma_start3A_80 : memref<80x128xf32, #tpu.memory_space<vmem>>) offsets(%dma_start3A_83 : memref<80xi32, #tpu.memory_space<vmem>>) semaphore(%arg14 : memref<!tpu.dma_semaphore, #tpu.memory_space<semaphore_mem>>)
      %scan3A_87 = arith.constant 0 : i32
      %scan3A_88 = arith.constant 0 : i32
      %scan3A_89 = arith.constant 22 : i32
      %scan3A_90 = arith.addi %scan3A_88, %scan3A_89 : i32
      %scan3A_91 = arith.constant 1 : i32
      scf.for %scan3A_156 = %scan3A_88 to %scan3A_90 step %scan3A_91  : i32 {
        %dma_wait3A_157 = arith.constant 0 : i32
        %dma_wait3A_158 = arith.constant 0 : i32
        %dma_wait3A_159 = arith.constant 0 : i32
        %dma_wait3A_160 = tpu.memref_slice %arg10[%dma_wait3A_157, %dma_wait3A_158, %dma_wait3A_159] : memref<3x80x128xf32, #tpu.memory_space<vmem>> -> memref<1x80x128xf32, #tpu.memory_space<vmem>>
        %dma_wait3A_161 = tpu.memref_squeeze %dma_wait3A_160 : memref<1x80x128xf32, #tpu.memory_space<vmem>> -> memref<80x128xf32, #tpu.memory_space<vmem>>
        %dma_wait3A_162 = arith.constant 0 : i32
        %dma_wait3A_163 = arith.constant 0 : i32
        %dma_wait3A_164 = tpu.memref_slice %arg4[%dma_wait3A_162, %dma_wait3A_163] : memref<80x128xf32, #tpu.memory_space<hbm>> -> memref<80x128xf32, #tpu.memory_space<hbm>>
        %dma_wait3A_165 = arith.constant 0 : i32
        %dma_wait3A_166 = arith.constant 0 : i32
        %dma_wait3A_167 = tpu.memref_slice %arg10[%dma_wait3A_157, %dma_wait3A_165, %dma_wait3A_166] : memref<3x80x128xf32, #tpu.memory_space<vmem>> -> memref<1x80x128xf32, #tpu.memory_space<vmem>>
        %dma_wait3A_168 = tpu.memref_squeeze %dma_wait3A_167 : memref<1x80x128xf32, #tpu.memory_space<vmem>> -> memref<80x128xf32, #tpu.memory_space<vmem>>
        %dma_wait3A_169 = arith.constant 0 : i32
        %dma_wait3A_170 = arith.constant 0 : i32
        %dma_wait3A_171 = tpu.memref_slice %arg4[%dma_wait3A_169, %dma_wait3A_170] : memref<80x128xf32, #tpu.memory_space<hbm>> -> memref<80x128xf32, #tpu.memory_space<hbm>>
        tpu.wait_dma2 semaphore(%arg14 : memref<!tpu.dma_semaphore, #tpu.memory_space<semaphore_mem>>) src(%dma_wait3A_171 : memref<80x128xf32, #tpu.memory_space<hbm>>) dst(%dma_wait3A_168 : memref<80x128xf32, #tpu.memory_space<vmem>>)
        %rem3A_172 = arith.constant 3 : i32
        %rem3A_173 = arith.remsi %scan3A_156, %rem3A_172 : i32
        "tpu.region"() ({
          %run_scoped3A_188 = tpu.sem_alloc : memref<!tpu.dma_semaphore, #tpu.memory_space<semaphore_mem>>
          %dma_start3A_189 = arith.constant 0 : i32
          %dma_start3A_190 = arith.constant 0 : i32
          %dma_start3A_191 = tpu.memref_slice %arg10[%rem3A_173, %dma_start3A_189, %dma_start3A_190] : memref<3x80x128xf32, #tpu.memory_space<vmem>> -> memref<1x80x128xf32, #tpu.memory_space<vmem>>
          %dma_start3A_192 = tpu.memref_squeeze %dma_start3A_191 : memref<1x80x128xf32, #tpu.memory_space<vmem>> -> memref<80x128xf32, #tpu.memory_space<vmem>>
          %dma_start3A_193 = arith.constant 0 : i32
          %dma_start3A_194 = tpu.memref_slice %arg9[%rem3A_40, %scan3A_156, %dma_start3A_193] : memref<2x25x80xi32, #tpu.memory_space<vmem>> -> memref<1x1x80xi32, #tpu.memory_space<vmem>>
          %dma_start3A_195 = tpu.memref_squeeze %dma_start3A_194 : memref<1x1x80xi32, #tpu.memory_space<vmem>> -> memref<80xi32, #tpu.memory_space<vmem>>
          %dma_start3A_196 = arith.constant 0 : i32
          %dma_start3A_197 = arith.constant 0 : i32
          %dma_start3A_198 = tpu.memref_slice %arg12[%dma_start3A_196, %dma_start3A_197] : memref<10112x128xf32, #tpu.memory_space<vmem_shared>> -> memref<10112x128xf32, #tpu.memory_space<vmem_shared>>
          tpu.enqueue_indirect_dma source(%dma_start3A_192 : memref<80x128xf32, #tpu.memory_space<vmem>>) target(%dma_start3A_198 : memref<10112x128xf32, #tpu.memory_space<vmem_shared>>) offsets(%dma_start3A_195 : memref<80xi32, #tpu.memory_space<vmem>>) semaphore(%run_scoped3A_188 : memref<!tpu.dma_semaphore, #tpu.memory_space<semaphore_mem>>) {add = true}
          %dma_wait3A_199 = arith.constant 0 : i32
          %dma_wait3A_200 = arith.constant 0 : i32
          %dma_wait3A_201 = tpu.memref_slice %arg10[%rem3A_173, %dma_wait3A_199, %dma_wait3A_200] : memref<3x80x128xf32, #tpu.memory_space<vmem>> -> memref<1x80x128xf32, #tpu.memory_space<vmem>>
          %dma_wait3A_202 = tpu.memref_squeeze %dma_wait3A_201 : memref<1x80x128xf32, #tpu.memory_space<vmem>> -> memref<80x128xf32, #tpu.memory_space<vmem>>
          %dma_wait3A_203 = arith.constant 0 : i32
          %dma_wait3A_204 = tpu.memref_slice %arg9[%rem3A_40, %scan3A_156, %dma_wait3A_203] : memref<2x25x80xi32, #tpu.memory_space<vmem>> -> memref<1x1x80xi32, #tpu.memory_space<vmem>>
          %dma_wait3A_205 = tpu.memref_squeeze %dma_wait3A_204 : memref<1x1x80xi32, #tpu.memory_space<vmem>> -> memref<80xi32, #tpu.memory_space<vmem>>
          %dma_wait3A_206 = arith.constant 0 : i32
          %dma_wait3A_207 = arith.constant 0 : i32
          %dma_wait3A_208 = tpu.memref_slice %arg12[%dma_wait3A_206, %dma_wait3A_207] : memref<10112x128xf32, #tpu.memory_space<vmem_shared>> -> memref<10112x128xf32, #tpu.memory_space<vmem_shared>>
          tpu.wait_indirect_dma semaphore(%run_scoped3A_188 : memref<!tpu.dma_semaphore, #tpu.memory_space<semaphore_mem>>) src(%dma_wait3A_202 : memref<80x128xf32, #tpu.memory_space<vmem>>) dst(%dma_wait3A_208 : memref<10112x128xf32, #tpu.memory_space<vmem_shared>>)
          tpu.yield
        }) : () -> ()
        %add3A_174 = arith.constant 3 : i32
        %add3A_175 = arith.addi %scan3A_156, %add3A_174 : i32
        %rem3A_176 = arith.constant 3 : i32
        %rem3A_177 = arith.remsi %add3A_175, %rem3A_176 : i32
        %dma_start3A_178 = arith.constant 0 : i32
        %dma_start3A_179 = arith.constant 0 : i32
        %dma_start3A_180 = tpu.memref_slice %arg10[%rem3A_177, %dma_start3A_178, %dma_start3A_179] : memref<3x80x128xf32, #tpu.memory_space<vmem>> -> memref<1x80x128xf32, #tpu.memory_space<vmem>>
        %dma_start3A_181 = tpu.memref_squeeze %dma_start3A_180 : memref<1x80x128xf32, #tpu.memory_space<vmem>> -> memref<80x128xf32, #tpu.memory_space<vmem>>
        %dma_start3A_182 = arith.constant 0 : i32
        %dma_start3A_183 = tpu.memref_slice %arg8[%rem3A_40, %add3A_175, %dma_start3A_182] : memref<2x25x80xi32, #tpu.memory_space<vmem>> -> memref<1x1x80xi32, #tpu.memory_space<vmem>>
        %dma_start3A_184 = tpu.memref_squeeze %dma_start3A_183 : memref<1x1x80xi32, #tpu.memory_space<vmem>> -> memref<80xi32, #tpu.memory_space<vmem>>
        %dma_start3A_185 = arith.constant 0 : i32
        %dma_start3A_186 = arith.constant 0 : i32
        %dma_start3A_187 = tpu.memref_slice %arg2[%dma_start3A_185, %dma_start3A_186] : memref<10000x128xf32, #tpu.memory_space<hbm>> -> memref<10000x128xf32, #tpu.memory_space<hbm>>
        tpu.enqueue_indirect_dma source(%dma_start3A_187 : memref<10000x128xf32, #tpu.memory_space<hbm>>) target(%dma_start3A_181 : memref<80x128xf32, #tpu.memory_space<vmem>>) offsets(%dma_start3A_184 : memref<80xi32, #tpu.memory_space<vmem>>) semaphore(%arg14 : memref<!tpu.dma_semaphore, #tpu.memory_space<semaphore_mem>>)
      }
      %scan3A_92 = arith.constant 22 : i32
      %dma_wait3A = arith.constant 0 : i32
      %dma_wait3A_93 = arith.constant 0 : i32
      %dma_wait3A_94 = arith.constant 0 : i32
      %dma_wait3A_95 = tpu.memref_slice %arg10[%dma_wait3A, %dma_wait3A_93, %dma_wait3A_94] : memref<3x80x128xf32, #tpu.memory_space<vmem>> -> memref<1x80x128xf32, #tpu.memory_space<vmem>>
      %dma_wait3A_96 = tpu.memref_squeeze %dma_wait3A_95 : memref<1x80x128xf32, #tpu.memory_space<vmem>> -> memref<80x128xf32, #tpu.memory_space<vmem>>
      %dma_wait3A_97 = arith.constant 0 : i32
      %dma_wait3A_98 = arith.constant 0 : i32
      %dma_wait3A_99 = tpu.memref_slice %arg4[%dma_wait3A_97, %dma_wait3A_98] : memref<80x128xf32, #tpu.memory_space<hbm>> -> memref<80x128xf32, #tpu.memory_space<hbm>>
      %dma_wait3A_100 = arith.constant 0 : i32
      %dma_wait3A_101 = arith.constant 0 : i32
      %dma_wait3A_102 = tpu.memref_slice %arg10[%dma_wait3A, %dma_wait3A_100, %dma_wait3A_101] : memref<3x80x128xf32, #tpu.memory_space<vmem>> -> memref<1x80x128xf32, #tpu.memory_space<vmem>>
      %dma_wait3A_103 = tpu.memref_squeeze %dma_wait3A_102 : memref<1x80x128xf32, #tpu.memory_space<vmem>> -> memref<80x128xf32, #tpu.memory_space<vmem>>
      %dma_wait3A_104 = arith.constant 0 : i32
      %dma_wait3A_105 = arith.constant 0 : i32
      %dma_wait3A_106 = tpu.memref_slice %arg4[%dma_wait3A_104, %dma_wait3A_105] : memref<80x128xf32, #tpu.memory_space<hbm>> -> memref<80x128xf32, #tpu.memory_space<hbm>>
      tpu.wait_dma2 semaphore(%arg14 : memref<!tpu.dma_semaphore, #tpu.memory_space<semaphore_mem>>) src(%dma_wait3A_106 : memref<80x128xf32, #tpu.memory_space<hbm>>) dst(%dma_wait3A_103 : memref<80x128xf32, #tpu.memory_space<vmem>>)
      %rem3A_107 = arith.constant 22 : i32
      %rem3A_108 = arith.constant 3 : i32
      %rem3A_109 = arith.remsi %rem3A_107, %rem3A_108 : i32
      %run_scoped3A_110 = arith.constant 22 : i32
      "tpu.region"() ({
        %run_scoped3A_156 = tpu.sem_alloc : memref<!tpu.dma_semaphore, #tpu.memory_space<semaphore_mem>>
        %dma_start3A_157 = arith.constant 0 : i32
        %dma_start3A_158 = arith.constant 0 : i32
        %dma_start3A_159 = tpu.memref_slice %arg10[%rem3A_109, %dma_start3A_157, %dma_start3A_158] : memref<3x80x128xf32, #tpu.memory_space<vmem>> -> memref<1x80x128xf32, #tpu.memory_space<vmem>>
        %dma_start3A_160 = tpu.memref_squeeze %dma_start3A_159 : memref<1x80x128xf32, #tpu.memory_space<vmem>> -> memref<80x128xf32, #tpu.memory_space<vmem>>
        %dma_start3A_161 = arith.constant 0 : i32
        %dma_start3A_162 = tpu.memref_slice %arg9[%rem3A_40, %run_scoped3A_110, %dma_start3A_161] : memref<2x25x80xi32, #tpu.memory_space<vmem>> -> memref<1x1x80xi32, #tpu.memory_space<vmem>>
        %dma_start3A_163 = tpu.memref_squeeze %dma_start3A_162 : memref<1x1x80xi32, #tpu.memory_space<vmem>> -> memref<80xi32, #tpu.memory_space<vmem>>
        %dma_start3A_164 = arith.constant 0 : i32
        %dma_start3A_165 = arith.constant 0 : i32
        %dma_start3A_166 = tpu.memref_slice %arg12[%dma_start3A_164, %dma_start3A_165] : memref<10112x128xf32, #tpu.memory_space<vmem_shared>> -> memref<10112x128xf32, #tpu.memory_space<vmem_shared>>
        tpu.enqueue_indirect_dma source(%dma_start3A_160 : memref<80x128xf32, #tpu.memory_space<vmem>>) target(%dma_start3A_166 : memref<10112x128xf32, #tpu.memory_space<vmem_shared>>) offsets(%dma_start3A_163 : memref<80xi32, #tpu.memory_space<vmem>>) semaphore(%run_scoped3A_156 : memref<!tpu.dma_semaphore, #tpu.memory_space<semaphore_mem>>) {add = true}
        %dma_wait3A_167 = arith.constant 0 : i32
        %dma_wait3A_168 = arith.constant 0 : i32
        %dma_wait3A_169 = tpu.memref_slice %arg10[%rem3A_109, %dma_wait3A_167, %dma_wait3A_168] : memref<3x80x128xf32, #tpu.memory_space<vmem>> -> memref<1x80x128xf32, #tpu.memory_space<vmem>>
        %dma_wait3A_170 = tpu.memref_squeeze %dma_wait3A_169 : memref<1x80x128xf32, #tpu.memory_space<vmem>> -> memref<80x128xf32, #tpu.memory_space<vmem>>
        %dma_wait3A_171 = arith.constant 0 : i32
        %dma_wait3A_172 = tpu.memref_slice %arg9[%rem3A_40, %run_scoped3A_110, %dma_wait3A_171] : memref<2x25x80xi32, #tpu.memory_space<vmem>> -> memref<1x1x80xi32, #tpu.memory_space<vmem>>
        %dma_wait3A_173 = tpu.memref_squeeze %dma_wait3A_172 : memref<1x1x80xi32, #tpu.memory_space<vmem>> -> memref<80xi32, #tpu.memory_space<vmem>>
        %dma_wait3A_174 = arith.constant 0 : i32
        %dma_wait3A_175 = arith.constant 0 : i32
        %dma_wait3A_176 = tpu.memref_slice %arg12[%dma_wait3A_174, %dma_wait3A_175] : memref<10112x128xf32, #tpu.memory_space<vmem_shared>> -> memref<10112x128xf32, #tpu.memory_space<vmem_shared>>
        tpu.wait_indirect_dma semaphore(%run_scoped3A_156 : memref<!tpu.dma_semaphore, #tpu.memory_space<semaphore_mem>>) src(%dma_wait3A_170 : memref<80x128xf32, #tpu.memory_space<vmem>>) dst(%dma_wait3A_176 : memref<10112x128xf32, #tpu.memory_space<vmem_shared>>)
        tpu.yield
      }) : () -> ()
      %dma_wait3A_111 = arith.constant 0 : i32
      %dma_wait3A_112 = arith.constant 0 : i32
      %dma_wait3A_113 = arith.constant 0 : i32
      %dma_wait3A_114 = tpu.memref_slice %arg10[%dma_wait3A_111, %dma_wait3A_112, %dma_wait3A_113] : memref<3x80x128xf32, #tpu.memory_space<vmem>> -> memref<1x80x128xf32, #tpu.memory_space<vmem>>
      %dma_wait3A_115 = tpu.memref_squeeze %dma_wait3A_114 : memref<1x80x128xf32, #tpu.memory_space<vmem>> -> memref<80x128xf32, #tpu.memory_space<vmem>>
      %dma_wait3A_116 = arith.constant 0 : i32
      %dma_wait3A_117 = arith.constant 0 : i32
      %dma_wait3A_118 = tpu.memref_slice %arg4[%dma_wait3A_116, %dma_wait3A_117] : memref<80x128xf32, #tpu.memory_space<hbm>> -> memref<80x128xf32, #tpu.memory_space<hbm>>
      %dma_wait3A_119 = arith.constant 0 : i32
      %dma_wait3A_120 = arith.constant 0 : i32
      %dma_wait3A_121 = tpu.memref_slice %arg10[%dma_wait3A_111, %dma_wait3A_119, %dma_wait3A_120] : memref<3x80x128xf32, #tpu.memory_space<vmem>> -> memref<1x80x128xf32, #tpu.memory_space<vmem>>
      %dma_wait3A_122 = tpu.memref_squeeze %dma_wait3A_121 : memref<1x80x128xf32, #tpu.memory_space<vmem>> -> memref<80x128xf32, #tpu.memory_space<vmem>>
      %dma_wait3A_123 = arith.constant 0 : i32
      %dma_wait3A_124 = arith.constant 0 : i32
      %dma_wait3A_125 = tpu.memref_slice %arg4[%dma_wait3A_123, %dma_wait3A_124] : memref<80x128xf32, #tpu.memory_space<hbm>> -> memref<80x128xf32, #tpu.memory_space<hbm>>
      tpu.wait_dma2 semaphore(%arg14 : memref<!tpu.dma_semaphore, #tpu.memory_space<semaphore_mem>>) src(%dma_wait3A_125 : memref<80x128xf32, #tpu.memory_space<hbm>>) dst(%dma_wait3A_122 : memref<80x128xf32, #tpu.memory_space<vmem>>)
      %rem3A_126 = arith.constant 23 : i32
      %rem3A_127 = arith.constant 3 : i32
      %rem3A_128 = arith.remsi %rem3A_126, %rem3A_127 : i32
      %run_scoped3A_129 = arith.constant 23 : i32
      "tpu.region"() ({
        %run_scoped3A_156 = tpu.sem_alloc : memref<!tpu.dma_semaphore, #tpu.memory_space<semaphore_mem>>
        %dma_start3A_157 = arith.constant 0 : i32
        %dma_start3A_158 = arith.constant 0 : i32
        %dma_start3A_159 = tpu.memref_slice %arg10[%rem3A_128, %dma_start3A_157, %dma_start3A_158] : memref<3x80x128xf32, #tpu.memory_space<vmem>> -> memref<1x80x128xf32, #tpu.memory_space<vmem>>
        %dma_start3A_160 = tpu.memref_squeeze %dma_start3A_159 : memref<1x80x128xf32, #tpu.memory_space<vmem>> -> memref<80x128xf32, #tpu.memory_space<vmem>>
        %dma_start3A_161 = arith.constant 0 : i32
        %dma_start3A_162 = tpu.memref_slice %arg9[%rem3A_40, %run_scoped3A_129, %dma_start3A_161] : memref<2x25x80xi32, #tpu.memory_space<vmem>> -> memref<1x1x80xi32, #tpu.memory_space<vmem>>
        %dma_start3A_163 = tpu.memref_squeeze %dma_start3A_162 : memref<1x1x80xi32, #tpu.memory_space<vmem>> -> memref<80xi32, #tpu.memory_space<vmem>>
        %dma_start3A_164 = arith.constant 0 : i32
        %dma_start3A_165 = arith.constant 0 : i32
        %dma_start3A_166 = tpu.memref_slice %arg12[%dma_start3A_164, %dma_start3A_165] : memref<10112x128xf32, #tpu.memory_space<vmem_shared>> -> memref<10112x128xf32, #tpu.memory_space<vmem_shared>>
        tpu.enqueue_indirect_dma source(%dma_start3A_160 : memref<80x128xf32, #tpu.memory_space<vmem>>) target(%dma_start3A_166 : memref<10112x128xf32, #tpu.memory_space<vmem_shared>>) offsets(%dma_start3A_163 : memref<80xi32, #tpu.memory_space<vmem>>) semaphore(%run_scoped3A_156 : memref<!tpu.dma_semaphore, #tpu.memory_space<semaphore_mem>>) {add = true}
        %dma_wait3A_167 = arith.constant 0 : i32
        %dma_wait3A_168 = arith.constant 0 : i32
        %dma_wait3A_169 = tpu.memref_slice %arg10[%rem3A_128, %dma_wait3A_167, %dma_wait3A_168] : memref<3x80x128xf32, #tpu.memory_space<vmem>> -> memref<1x80x128xf32, #tpu.memory_space<vmem>>
        %dma_wait3A_170 = tpu.memref_squeeze %dma_wait3A_169 : memref<1x80x128xf32, #tpu.memory_space<vmem>> -> memref<80x128xf32, #tpu.memory_space<vmem>>
        %dma_wait3A_171 = arith.constant 0 : i32
        %dma_wait3A_172 = tpu.memref_slice %arg9[%rem3A_40, %run_scoped3A_129, %dma_wait3A_171] : memref<2x25x80xi32, #tpu.memory_space<vmem>> -> memref<1x1x80xi32, #tpu.memory_space<vmem>>
        %dma_wait3A_173 = tpu.memref_squeeze %dma_wait3A_172 : memref<1x1x80xi32, #tpu.memory_space<vmem>> -> memref<80xi32, #tpu.memory_space<vmem>>
        %dma_wait3A_174 = arith.constant 0 : i32
        %dma_wait3A_175 = arith.constant 0 : i32
        %dma_wait3A_176 = tpu.memref_slice %arg12[%dma_wait3A_174, %dma_wait3A_175] : memref<10112x128xf32, #tpu.memory_space<vmem_shared>> -> memref<10112x128xf32, #tpu.memory_space<vmem_shared>>
        tpu.wait_indirect_dma semaphore(%run_scoped3A_156 : memref<!tpu.dma_semaphore, #tpu.memory_space<semaphore_mem>>) src(%dma_wait3A_170 : memref<80x128xf32, #tpu.memory_space<vmem>>) dst(%dma_wait3A_176 : memref<10112x128xf32, #tpu.memory_space<vmem_shared>>)
        tpu.yield
      }) : () -> ()
      %dma_wait3A_130 = arith.constant 0 : i32
      %dma_wait3A_131 = arith.constant 0 : i32
      %dma_wait3A_132 = arith.constant 0 : i32
      %dma_wait3A_133 = tpu.memref_slice %arg10[%dma_wait3A_130, %dma_wait3A_131, %dma_wait3A_132] : memref<3x80x128xf32, #tpu.memory_space<vmem>> -> memref<1x80x128xf32, #tpu.memory_space<vmem>>
      %dma_wait3A_134 = tpu.memref_squeeze %dma_wait3A_133 : memref<1x80x128xf32, #tpu.memory_space<vmem>> -> memref<80x128xf32, #tpu.memory_space<vmem>>
      %dma_wait3A_135 = arith.constant 0 : i32
      %dma_wait3A_136 = arith.constant 0 : i32
      %dma_wait3A_137 = tpu.memref_slice %arg4[%dma_wait3A_135, %dma_wait3A_136] : memref<80x128xf32, #tpu.memory_space<hbm>> -> memref<80x128xf32, #tpu.memory_space<hbm>>
      %dma_wait3A_138 = arith.constant 0 : i32
      %dma_wait3A_139 = arith.constant 0 : i32
      %dma_wait3A_140 = tpu.memref_slice %arg10[%dma_wait3A_130, %dma_wait3A_138, %dma_wait3A_139] : memref<3x80x128xf32, #tpu.memory_space<vmem>> -> memref<1x80x128xf32, #tpu.memory_space<vmem>>
      %dma_wait3A_141 = tpu.memref_squeeze %dma_wait3A_140 : memref<1x80x128xf32, #tpu.memory_space<vmem>> -> memref<80x128xf32, #tpu.memory_space<vmem>>
      %dma_wait3A_142 = arith.constant 0 : i32
      %dma_wait3A_143 = arith.constant 0 : i32
      %dma_wait3A_144 = tpu.memref_slice %arg4[%dma_wait3A_142, %dma_wait3A_143] : memref<80x128xf32, #tpu.memory_space<hbm>> -> memref<80x128xf32, #tpu.memory_space<hbm>>
      tpu.wait_dma2 semaphore(%arg14 : memref<!tpu.dma_semaphore, #tpu.memory_space<semaphore_mem>>) src(%dma_wait3A_144 : memref<80x128xf32, #tpu.memory_space<hbm>>) dst(%dma_wait3A_141 : memref<80x128xf32, #tpu.memory_space<vmem>>)
      %rem3A_145 = arith.constant 24 : i32
      %rem3A_146 = arith.constant 3 : i32
      %rem3A_147 = arith.remsi %rem3A_145, %rem3A_146 : i32
      %run_scoped3A_148 = arith.constant 24 : i32
      "tpu.region"() ({
        %run_scoped3A_156 = tpu.sem_alloc : memref<!tpu.dma_semaphore, #tpu.memory_space<semaphore_mem>>
        %dma_start3A_157 = arith.constant 0 : i32
        %dma_start3A_158 = arith.constant 0 : i32
        %dma_start3A_159 = tpu.memref_slice %arg10[%rem3A_147, %dma_start3A_157, %dma_start3A_158] : memref<3x80x128xf32, #tpu.memory_space<vmem>> -> memref<1x80x128xf32, #tpu.memory_space<vmem>>
        %dma_start3A_160 = tpu.memref_squeeze %dma_start3A_159 : memref<1x80x128xf32, #tpu.memory_space<vmem>> -> memref<80x128xf32, #tpu.memory_space<vmem>>
        %dma_start3A_161 = arith.constant 0 : i32
        %dma_start3A_162 = tpu.memref_slice %arg9[%rem3A_40, %run_scoped3A_148, %dma_start3A_161] : memref<2x25x80xi32, #tpu.memory_space<vmem>> -> memref<1x1x80xi32, #tpu.memory_space<vmem>>
        %dma_start3A_163 = tpu.memref_squeeze %dma_start3A_162 : memref<1x1x80xi32, #tpu.memory_space<vmem>> -> memref<80xi32, #tpu.memory_space<vmem>>
        %dma_start3A_164 = arith.constant 0 : i32
        %dma_start3A_165 = arith.constant 0 : i32
        %dma_start3A_166 = tpu.memref_slice %arg12[%dma_start3A_164, %dma_start3A_165] : memref<10112x128xf32, #tpu.memory_space<vmem_shared>> -> memref<10112x128xf32, #tpu.memory_space<vmem_shared>>
        tpu.enqueue_indirect_dma source(%dma_start3A_160 : memref<80x128xf32, #tpu.memory_space<vmem>>) target(%dma_start3A_166 : memref<10112x128xf32, #tpu.memory_space<vmem_shared>>) offsets(%dma_start3A_163 : memref<80xi32, #tpu.memory_space<vmem>>) semaphore(%run_scoped3A_156 : memref<!tpu.dma_semaphore, #tpu.memory_space<semaphore_mem>>) {add = true}
        %dma_wait3A_167 = arith.constant 0 : i32
        %dma_wait3A_168 = arith.constant 0 : i32
        %dma_wait3A_169 = tpu.memref_slice %arg10[%rem3A_147, %dma_wait3A_167, %dma_wait3A_168] : memref<3x80x128xf32, #tpu.memory_space<vmem>> -> memref<1x80x128xf32, #tpu.memory_space<vmem>>
        %dma_wait3A_170 = tpu.memref_squeeze %dma_wait3A_169 : memref<1x80x128xf32, #tpu.memory_space<vmem>> -> memref<80x128xf32, #tpu.memory_space<vmem>>
        %dma_wait3A_171 = arith.constant 0 : i32
        %dma_wait3A_172 = tpu.memref_slice %arg9[%rem3A_40, %run_scoped3A_148, %dma_wait3A_171] : memref<2x25x80xi32, #tpu.memory_space<vmem>> -> memref<1x1x80xi32, #tpu.memory_space<vmem>>
        %dma_wait3A_173 = tpu.memref_squeeze %dma_wait3A_172 : memref<1x1x80xi32, #tpu.memory_space<vmem>> -> memref<80xi32, #tpu.memory_space<vmem>>
        %dma_wait3A_174 = arith.constant 0 : i32
        %dma_wait3A_175 = arith.constant 0 : i32
        %dma_wait3A_176 = tpu.memref_slice %arg12[%dma_wait3A_174, %dma_wait3A_175] : memref<10112x128xf32, #tpu.memory_space<vmem_shared>> -> memref<10112x128xf32, #tpu.memory_space<vmem_shared>>
        tpu.wait_indirect_dma semaphore(%run_scoped3A_156 : memref<!tpu.dma_semaphore, #tpu.memory_space<semaphore_mem>>) src(%dma_wait3A_170 : memref<80x128xf32, #tpu.memory_space<vmem>>) dst(%dma_wait3A_176 : memref<10112x128xf32, #tpu.memory_space<vmem_shared>>)
        tpu.yield
      }) : () -> ()
      %add3A_149 = arith.constant 1 : i32
      %add3A_150 = arith.addi %scan3A_39, %add3A_149 : i32
      %lt3A_151 = arith.constant 5 : i32
      %lt3A_152 = arith.cmpi slt, %add3A_150, %lt3A_151 : i32
      %convert_element_type3A_153 = arith.extui %lt3A_152 : i1 to i32
      %cond3A_154 = arith.constant 0 : i32
      %cond3A_155 = arith.cmpi ne, %convert_element_type3A_153, %cond3A_154 : i32
      scf.if %cond3A_155 {
        %dma_wait3A_156 = arith.constant 0 : i32
        %dma_wait3A_157 = arith.constant 0 : i32
        %dma_wait3A_158 = arith.constant 0 : i32
        %dma_wait3A_159 = arith.constant 0 : i32
        %dma_wait3A_160 = arith.constant 0 : i32
        %dma_wait3A_161 = tpu.memref_slice %arg8[%dma_wait3A_158, %dma_wait3A_159, %dma_wait3A_160] : memref<2x25x80xi32, #tpu.memory_space<vmem>> -> memref<1x25x80xi32, #tpu.memory_space<vmem>>
        %dma_wait3A_162 = tpu.memref_squeeze %dma_wait3A_161 : memref<1x25x80xi32, #tpu.memory_space<vmem>> -> memref<25x80xi32, #tpu.memory_space<vmem>>
        %dma_wait3A_163 = arith.constant 0 : i32
        %dma_wait3A_164 = arith.constant 0 : i32
        %dma_wait3A_165 = tpu.memref_slice %arg3[%dma_wait3A_156, %add3A, %dma_wait3A_157, %dma_wait3A_163, %dma_wait3A_164] : memref<2x32x5x25x80xi32, #tpu.memory_space<hbm>> -> memref<1x1x1x25x80xi32, #tpu.memory_space<hbm>>
        %dma_wait3A_166 = tpu.memref_squeeze %dma_wait3A_165 : memref<1x1x1x25x80xi32, #tpu.memory_space<hbm>> -> memref<25x80xi32, #tpu.memory_space<hbm>>
        %dma_wait3A_167 = arith.constant 0 : i32
        %dma_wait3A_168 = arith.constant 0 : i32
        %dma_wait3A_169 = tpu.memref_slice %arg8[%dma_wait3A_158, %dma_wait3A_167, %dma_wait3A_168] : memref<2x25x80xi32, #tpu.memory_space<vmem>> -> memref<1x25x80xi32, #tpu.memory_space<vmem>>
        %dma_wait3A_170 = tpu.memref_squeeze %dma_wait3A_169 : memref<1x25x80xi32, #tpu.memory_space<vmem>> -> memref<25x80xi32, #tpu.memory_space<vmem>>
        %dma_wait3A_171 = arith.constant 0 : i32
        %dma_wait3A_172 = arith.constant 0 : i32
        %dma_wait3A_173 = tpu.memref_slice %arg3[%dma_wait3A_156, %add3A, %dma_wait3A_157, %dma_wait3A_171, %dma_wait3A_172] : memref<2x32x5x25x80xi32, #tpu.memory_space<hbm>> -> memref<1x1x1x25x80xi32, #tpu.memory_space<hbm>>
        %dma_wait3A_174 = tpu.memref_squeeze %dma_wait3A_173 : memref<1x1x1x25x80xi32, #tpu.memory_space<hbm>> -> memref<25x80xi32, #tpu.memory_space<hbm>>
        tpu.wait_dma2 semaphore(%arg16 : memref<!tpu.dma_semaphore, #tpu.memory_space<semaphore_mem>>) src(%dma_wait3A_174 : memref<25x80xi32, #tpu.memory_space<hbm>>) dst(%dma_wait3A_170 : memref<25x80xi32, #tpu.memory_space<vmem>>)
        %dma_wait3A_175 = arith.constant 1 : i32
        %dma_wait3A_176 = arith.constant 0 : i32
        %dma_wait3A_177 = arith.constant 0 : i32
        %dma_wait3A_178 = arith.constant 0 : i32
        %dma_wait3A_179 = arith.constant 0 : i32
        %dma_wait3A_180 = tpu.memref_slice %arg9[%dma_wait3A_177, %dma_wait3A_178, %dma_wait3A_179] : memref<2x25x80xi32, #tpu.memory_space<vmem>> -> memref<1x25x80xi32, #tpu.memory_space<vmem>>
        %dma_wait3A_181 = tpu.memref_squeeze %dma_wait3A_180 : memref<1x25x80xi32, #tpu.memory_space<vmem>> -> memref<25x80xi32, #tpu.memory_space<vmem>>
        %dma_wait3A_182 = arith.constant 0 : i32
        %dma_wait3A_183 = arith.constant 0 : i32
        %dma_wait3A_184 = tpu.memref_slice %arg3[%dma_wait3A_175, %add3A, %dma_wait3A_176, %dma_wait3A_182, %dma_wait3A_183] : memref<2x32x5x25x80xi32, #tpu.memory_space<hbm>> -> memref<1x1x1x25x80xi32, #tpu.memory_space<hbm>>
        %dma_wait3A_185 = tpu.memref_squeeze %dma_wait3A_184 : memref<1x1x1x25x80xi32, #tpu.memory_space<hbm>> -> memref<25x80xi32, #tpu.memory_space<hbm>>
        %dma_wait3A_186 = arith.constant 0 : i32
        %dma_wait3A_187 = arith.constant 0 : i32
        %dma_wait3A_188 = tpu.memref_slice %arg9[%dma_wait3A_177, %dma_wait3A_186, %dma_wait3A_187] : memref<2x25x80xi32, #tpu.memory_space<vmem>> -> memref<1x25x80xi32, #tpu.memory_space<vmem>>
        %dma_wait3A_189 = tpu.memref_squeeze %dma_wait3A_188 : memref<1x25x80xi32, #tpu.memory_space<vmem>> -> memref<25x80xi32, #tpu.memory_space<vmem>>
        %dma_wait3A_190 = arith.constant 0 : i32
        %dma_wait3A_191 = arith.constant 0 : i32
        %dma_wait3A_192 = tpu.memref_slice %arg3[%dma_wait3A_175, %add3A, %dma_wait3A_176, %dma_wait3A_190, %dma_wait3A_191] : memref<2x32x5x25x80xi32, #tpu.memory_space<hbm>> -> memref<1x1x1x25x80xi32, #tpu.memory_space<hbm>>
        %dma_wait3A_193 = tpu.memref_squeeze %dma_wait3A_192 : memref<1x1x1x25x80xi32, #tpu.memory_space<hbm>> -> memref<25x80xi32, #tpu.memory_space<hbm>>
        tpu.wait_dma2 semaphore(%arg16 : memref<!tpu.dma_semaphore, #tpu.memory_space<semaphore_mem>>) src(%dma_wait3A_193 : memref<25x80xi32, #tpu.memory_space<hbm>>) dst(%dma_wait3A_189 : memref<25x80xi32, #tpu.memory_space<vmem>>)
      } else {
      }
    }
    %scan3A_37 = arith.constant 5 : i32
    %barrier3A_38 = arith.constant 0 : index
    tpu.barrier barrier_id(%barrier3A_38)
    "tpu.region"() ({
      %run_scoped3A_39 = tpu.sem_alloc : memref<!tpu.dma_semaphore, #tpu.memory_space<semaphore_mem>>
      %dma_start3A = arith.constant 0 : i32
      %dma_start3A_40 = tpu.memref_slice %arg7[%arg0, %mul3A_2, %dma_start3A] : memref<2x10112x128xf32, #tpu.memory_space<hbm>> -> memref<1x632x128xf32, #tpu.memory_space<hbm>>
      %dma_start3A_41 = tpu.memref_squeeze %dma_start3A_40 : memref<1x632x128xf32, #tpu.memory_space<hbm>> -> memref<632x128xf32, #tpu.memory_space<hbm>>
      %dma_start3A_42 = arith.constant 0 : i32
      %dma_start3A_43 = tpu.memref_slice %arg12[%mul3A_2, %dma_start3A_42] : memref<10112x128xf32, #tpu.memory_space<vmem_shared>> -> memref<632x128xf32, #tpu.memory_space<vmem_shared>>
      tpu.enqueue_dma source(%dma_start3A_43 : memref<632x128xf32, #tpu.memory_space<vmem_shared>>) target(%dma_start3A_41 : memref<632x128xf32, #tpu.memory_space<hbm>>) target_semaphore(%run_scoped3A_39 : memref<!tpu.dma_semaphore, #tpu.memory_space<semaphore_mem>>)
      %dma_wait3A = arith.constant 0 : i32
      %dma_wait3A_44 = tpu.memref_slice %arg7[%arg0, %mul3A_2, %dma_wait3A] : memref<2x10112x128xf32, #tpu.memory_space<hbm>> -> memref<1x632x128xf32, #tpu.memory_space<hbm>>
      %dma_wait3A_45 = tpu.memref_squeeze %dma_wait3A_44 : memref<1x632x128xf32, #tpu.memory_space<hbm>> -> memref<632x128xf32, #tpu.memory_space<hbm>>
      %dma_wait3A_46 = arith.constant 0 : i32
      %dma_wait3A_47 = tpu.memref_slice %arg12[%mul3A_2, %dma_wait3A_46] : memref<10112x128xf32, #tpu.memory_space<vmem_shared>> -> memref<632x128xf32, #tpu.memory_space<vmem_shared>>
      tpu.wait_dma2 semaphore(%run_scoped3A_39 : memref<!tpu.dma_semaphore, #tpu.memory_space<semaphore_mem>>) src(%dma_wait3A_47 : memref<632x128xf32, #tpu.memory_space<vmem_shared>>) dst(%dma_wait3A_45 : memref<632x128xf32, #tpu.memory_space<hbm>>)
      tpu.yield
    }) : () -> ()
    return
  }
}

module attributes {stable_mosaic.version = 14 : i64} {
  func.func @_tc_body(%arg0: memref<2x10112x128xf32, #tpu.memory_space<vmem>>, %arg1: memref<10000x128xf32, #tpu.memory_space<vmem>>, %arg2: memref<2x80x128xf32, #tpu.memory_space<vmem>>, %arg3: memref<128x128xf32, #tpu.memory_space<vmem>>, %arg4: memref<1x128xf32, #tpu.memory_space<vmem>>, %arg5: memref<128x128xf32, #tpu.memory_space<vmem>>, %arg6: memref<1x128xf32, #tpu.memory_space<vmem>>, %arg7: memref<1x128xf32, #tpu.memory_space<vmem>>, %arg8: memref<10000x128xf32, #tpu.memory_space<vmem>>) attributes {dimension_semantics = [], scalar_prefetch = 0 : i64, scratch_operands = 0 : i64, tpu.core_type = #tpu.core_type<tc>} {
    %get3A = arith.constant 0 : index
    %get3A_0 = arith.constant 0 : index
    %get3A_1 = arith.constant 0 : index
    %get3A_2 = vector.load %arg2[%get3A, %get3A_0, %get3A_1] : memref<2x80x128xf32, #tpu.memory_space<vmem>>, vector<1x80x128xf32>
    %get3A_3 = vector.shape_cast %get3A_2 : vector<1x80x128xf32> to vector<80x128xf32>
    %get3A_4 = arith.constant 1 : index
    %get3A_5 = arith.constant 0 : index
    %get3A_6 = arith.constant 0 : index
    %get3A_7 = vector.load %arg2[%get3A_4, %get3A_5, %get3A_6] : memref<2x80x128xf32, #tpu.memory_space<vmem>>, vector<1x80x128xf32>
    %get3A_8 = vector.shape_cast %get3A_7 : vector<1x80x128xf32> to vector<80x128xf32>
    %add3A = arith.addf %get3A_3, %get3A_8 : vector<80x128xf32>
    %slice3A = vector.extract_strided_slice %add3A {offsets = [0, 0], sizes = [79, 128], strides = [1, 1]} : vector<80x128xf32> to vector<79x128xf32>
    %max3A = arith.constant 1.000000e+00 : f32
    %max3A_9 = vector.broadcast %max3A : f32 to vector<79x128xf32>
    %max3A_10 = arith.maximumf %slice3A, %max3A_9 : vector<79x128xf32>
    %div3A = arith.constant 1.000000e+00 : f32
    %div3A_11 = vector.broadcast %div3A : f32 to vector<79x128xf32>
    %div3A_12 = arith.divf %div3A_11, %max3A_10 : vector<79x128xf32>
    %get3A_13 = arith.constant 0 : index
    %get3A_14 = arith.constant 0 : index
    %get3A_15 = arith.constant 0 : index
    %get3A_16 = vector.load %arg0[%get3A_13, %get3A_14, %get3A_15] : memref<2x10112x128xf32, #tpu.memory_space<vmem>>, vector<1x10112x128xf32>
    %get3A_17 = vector.shape_cast %get3A_16 : vector<1x10112x128xf32> to vector<10112x128xf32>
    %get3A_18 = arith.constant 1 : index
    %get3A_19 = arith.constant 0 : index
    %get3A_20 = arith.constant 0 : index
    %get3A_21 = vector.load %arg0[%get3A_18, %get3A_19, %get3A_20] : memref<2x10112x128xf32, #tpu.memory_space<vmem>>, vector<1x10112x128xf32>
    %get3A_22 = vector.shape_cast %get3A_21 : vector<1x10112x128xf32> to vector<10112x128xf32>
    %add3A_23 = arith.addf %get3A_17, %get3A_22 : vector<10112x128xf32>
    %reshape3A = vector.shape_cast %add3A_23 : vector<10112x128xf32> to vector<79x128x128xf32>
    %broadcast_in_dim3A = vector.shape_cast %div3A_12 : vector<79x128xf32> to vector<79x128x1xf32>
    %mul3A = vector.broadcast %broadcast_in_dim3A : vector<79x128x1xf32> to vector<79x128x128xf32>
    %mul3A_24 = arith.mulf %reshape3A, %mul3A : vector<79x128x128xf32>
    %reshape3A_25 = vector.shape_cast %mul3A_24 : vector<79x128x128xf32> to vector<10112x128xf32>
    %slice3A_26 = vector.extract_strided_slice %reshape3A_25 {offsets = [0, 0], sizes = [10000, 128], strides = [1, 1]} : vector<10112x128xf32> to vector<10000x128xf32>
    %get3A_27 = arith.constant 0 : index
    %get3A_28 = arith.constant 0 : index
    %get3A_29 = vector.load %arg3[%get3A_27, %get3A_28] : memref<128x128xf32, #tpu.memory_space<vmem>>, vector<128x128xf32>
    %dot_general3A = arith.constant dense<0.000000e+00> : vector<10000x128xf32>
    %dot_general3A_30 = tpu.matmul %slice3A_26, %get3A_29, %dot_general3A {dimension_numbers = #tpu.dot_dimension_numbers<[1], [0], [0], [1], [0, 0, 1, 1], [], []>, transpose_lhs_hint = false} : vector<10000x128xf32>, vector<128x128xf32>, vector<10000x128xf32> -> vector<10000x128xf32>
    %get3A_31 = arith.constant 0 : index
    %get3A_32 = arith.constant 0 : index
    %get3A_33 = vector.load %arg4[%get3A_31, %get3A_32] : memref<1x128xf32, #tpu.memory_space<vmem>>, vector<1x128xf32>
    %add3A_34 = vector.broadcast %get3A_33 : vector<1x128xf32> to vector<10000x128xf32>
    %add3A_35 = arith.addf %dot_general3A_30, %add3A_34 : vector<10000x128xf32>
    %get3A_36 = arith.constant 0 : index
    %get3A_37 = arith.constant 0 : index
    %get3A_38 = vector.load %arg1[%get3A_36, %get3A_37] : memref<10000x128xf32, #tpu.memory_space<vmem>>, vector<10000x128xf32>
    %get3A_39 = arith.constant 0 : index
    %get3A_40 = arith.constant 0 : index
    %get3A_41 = vector.load %arg5[%get3A_39, %get3A_40] : memref<128x128xf32, #tpu.memory_space<vmem>>, vector<128x128xf32>
    %dot_general3A_42 = arith.constant dense<0.000000e+00> : vector<10000x128xf32>
    %dot_general3A_43 = tpu.matmul %get3A_38, %get3A_41, %dot_general3A_42 {dimension_numbers = #tpu.dot_dimension_numbers<[1], [0], [0], [1], [0, 0, 1, 1], [], []>, transpose_lhs_hint = false} : vector<10000x128xf32>, vector<128x128xf32>, vector<10000x128xf32> -> vector<10000x128xf32>
    %add3A_44 = arith.addf %add3A_35, %dot_general3A_43 : vector<10000x128xf32>
    %get3A_45 = arith.constant 0 : index
    %get3A_46 = arith.constant 0 : index
    %get3A_47 = vector.load %arg6[%get3A_45, %get3A_46] : memref<1x128xf32, #tpu.memory_space<vmem>>, vector<1x128xf32>
    %get3A_48 = arith.constant 0 : index
    %get3A_49 = arith.constant 0 : index
    %get3A_50 = vector.load %arg7[%get3A_48, %get3A_49] : memref<1x128xf32, #tpu.memory_space<vmem>>, vector<1x128xf32>
    %reduce_sum3A = arith.constant dense<0.000000e+00> : vector<128xf32>
    %reduce_sum3A_51 = vector.multi_reduction <add>, %add3A_44, %reduce_sum3A [0] : vector<10000x128xf32> to vector<128xf32>
    %broadcast_in_dim3A_52 = vector.shape_cast %reduce_sum3A_51 : vector<128xf32> to vector<1x128xf32>
    %div3A_53 = arith.constant 1.000000e+04 : f32
    %div3A_54 = vector.broadcast %div3A_53 : f32 to vector<1x128xf32>
    %div3A_55 = arith.divf %broadcast_in_dim3A_52, %div3A_54 : vector<1x128xf32>
    %sub3A = vector.broadcast %div3A_55 : vector<1x128xf32> to vector<10000x128xf32>
    %sub3A_56 = arith.subf %add3A_44, %sub3A : vector<10000x128xf32>
    %mul3A_57 = arith.mulf %sub3A_56, %sub3A_56 : vector<10000x128xf32>
    %reduce_sum3A_58 = arith.constant dense<0.000000e+00> : vector<128xf32>
    %reduce_sum3A_59 = vector.multi_reduction <add>, %mul3A_57, %reduce_sum3A_58 [0] : vector<10000x128xf32> to vector<128xf32>
    %broadcast_in_dim3A_60 = vector.shape_cast %reduce_sum3A_59 : vector<128xf32> to vector<1x128xf32>
    %div3A_61 = arith.constant 1.000000e+04 : f32
    %div3A_62 = vector.broadcast %div3A_61 : f32 to vector<1x128xf32>
    %div3A_63 = arith.divf %broadcast_in_dim3A_60, %div3A_62 : vector<1x128xf32>
    %mul3A_64 = vector.broadcast %get3A_47 : vector<1x128xf32> to vector<10000x128xf32>
    %mul3A_65 = arith.mulf %mul3A_64, %sub3A_56 : vector<10000x128xf32>
    %add3A_66 = arith.constant 9.99999974E-6 : f32
    %add3A_67 = vector.broadcast %add3A_66 : f32 to vector<1x128xf32>
    %add3A_68 = arith.addf %div3A_63, %add3A_67 : vector<1x128xf32>
    %rsqrt3A = math.rsqrt %add3A_68 : vector<1x128xf32>
    %mul3A_69 = vector.broadcast %rsqrt3A : vector<1x128xf32> to vector<10000x128xf32>
    %mul3A_70 = arith.mulf %mul3A_65, %mul3A_69 : vector<10000x128xf32>
    %add3A_71 = vector.broadcast %get3A_50 : vector<1x128xf32> to vector<10000x128xf32>
    %add3A_72 = arith.addf %mul3A_70, %add3A_71 : vector<10000x128xf32>
    %max3A_73 = arith.constant 0.000000e+00 : f32
    %max3A_74 = vector.broadcast %max3A_73 : f32 to vector<10000x128xf32>
    %max3A_75 = arith.maximumf %add3A_72, %max3A_74 : vector<10000x128xf32>
    %swap3A = arith.constant 0 : index
    %swap3A_76 = arith.constant 0 : index
    %swap3A_77 = vector.load %arg8[%swap3A, %swap3A_76] : memref<10000x128xf32, #tpu.memory_space<vmem>>, vector<10000x128xf32>
    tpu.vector_store %arg8[%swap3A, %swap3A_76], %max3A_75 {strides = array<i32>} : memref<10000x128xf32, #tpu.memory_space<vmem>>, vector<10000x128xf32>,
    return
  }
}

module attributes {stable_mosaic.version = 14 : i64} {
  func.func @_tc_body(%arg0: memref<2x10112x128xf32, #tpu.memory_space<vmem>>, %arg1: memref<10000x128xf32, #tpu.memory_space<vmem>>, %arg2: memref<2x80x128xf32, #tpu.memory_space<vmem>>, %arg3: memref<128x128xf32, #tpu.memory_space<vmem>>, %arg4: memref<1x128xf32, #tpu.memory_space<vmem>>, %arg5: memref<128x128xf32, #tpu.memory_space<vmem>>, %arg6: memref<1x128xf32, #tpu.memory_space<vmem>>, %arg7: memref<1x128xf32, #tpu.memory_space<vmem>>, %arg8: memref<10000x128xf32, #tpu.memory_space<vmem>>) attributes {dimension_semantics = [], scalar_prefetch = 0 : i64, scratch_operands = 0 : i64, tpu.core_type = #tpu.core_type<tc>} {
    %get3A = arith.constant 0 : index
    %get3A_0 = arith.constant 0 : index
    %get3A_1 = arith.constant 0 : index
    %get3A_2 = vector.load %arg2[%get3A, %get3A_0, %get3A_1] : memref<2x80x128xf32, #tpu.memory_space<vmem>>, vector<1x80x128xf32>
    %get3A_3 = vector.shape_cast %get3A_2 : vector<1x80x128xf32> to vector<80x128xf32>
    %get3A_4 = arith.constant 1 : index
    %get3A_5 = arith.constant 0 : index
    %get3A_6 = arith.constant 0 : index
    %get3A_7 = vector.load %arg2[%get3A_4, %get3A_5, %get3A_6] : memref<2x80x128xf32, #tpu.memory_space<vmem>>, vector<1x80x128xf32>
    %get3A_8 = vector.shape_cast %get3A_7 : vector<1x80x128xf32> to vector<80x128xf32>
    %add3A = arith.addf %get3A_3, %get3A_8 : vector<80x128xf32>
    %slice3A = vector.extract_strided_slice %add3A {offsets = [0, 0], sizes = [79, 128], strides = [1, 1]} : vector<80x128xf32> to vector<79x128xf32>
    %max3A = arith.constant 1.000000e+00 : f32
    %max3A_9 = vector.broadcast %max3A : f32 to vector<79x128xf32>
    %max3A_10 = arith.maximumf %slice3A, %max3A_9 : vector<79x128xf32>
    %div3A = arith.constant 1.000000e+00 : f32
    %div3A_11 = vector.broadcast %div3A : f32 to vector<79x128xf32>
    %div3A_12 = arith.divf %div3A_11, %max3A_10 : vector<79x128xf32>
    %get3A_13 = arith.constant 0 : index
    %get3A_14 = arith.constant 0 : index
    %get3A_15 = arith.constant 0 : index
    %get3A_16 = vector.load %arg0[%get3A_13, %get3A_14, %get3A_15] : memref<2x10112x128xf32, #tpu.memory_space<vmem>>, vector<1x10112x128xf32>
    %get3A_17 = vector.shape_cast %get3A_16 : vector<1x10112x128xf32> to vector<10112x128xf32>
    %get3A_18 = arith.constant 1 : index
    %get3A_19 = arith.constant 0 : index
    %get3A_20 = arith.constant 0 : index
    %get3A_21 = vector.load %arg0[%get3A_18, %get3A_19, %get3A_20] : memref<2x10112x128xf32, #tpu.memory_space<vmem>>, vector<1x10112x128xf32>
    %get3A_22 = vector.shape_cast %get3A_21 : vector<1x10112x128xf32> to vector<10112x128xf32>
    %add3A_23 = arith.addf %get3A_17, %get3A_22 : vector<10112x128xf32>
    %reshape3A = vector.shape_cast %add3A_23 : vector<10112x128xf32> to vector<79x128x128xf32>
    %broadcast_in_dim3A = vector.shape_cast %div3A_12 : vector<79x128xf32> to vector<79x128x1xf32>
    %mul3A = vector.broadcast %broadcast_in_dim3A : vector<79x128x1xf32> to vector<79x128x128xf32>
    %mul3A_24 = arith.mulf %reshape3A, %mul3A : vector<79x128x128xf32>
    %reshape3A_25 = vector.shape_cast %mul3A_24 : vector<79x128x128xf32> to vector<10112x128xf32>
    %slice3A_26 = vector.extract_strided_slice %reshape3A_25 {offsets = [0, 0], sizes = [10000, 128], strides = [1, 1]} : vector<10112x128xf32> to vector<10000x128xf32>
    %get3A_27 = arith.constant 0 : index
    %get3A_28 = arith.constant 0 : index
    %get3A_29 = vector.load %arg3[%get3A_27, %get3A_28] : memref<128x128xf32, #tpu.memory_space<vmem>>, vector<128x128xf32>
    %dot_general3A = arith.constant dense<0.000000e+00> : vector<10000x128xf32>
    %dot_general3A_30 = tpu.matmul %slice3A_26, %get3A_29, %dot_general3A {dimension_numbers = #tpu.dot_dimension_numbers<[1], [0], [0], [1], [0, 0, 1, 1], [], []>, transpose_lhs_hint = false} : vector<10000x128xf32>, vector<128x128xf32>, vector<10000x128xf32> -> vector<10000x128xf32>
    %get3A_31 = arith.constant 0 : index
    %get3A_32 = arith.constant 0 : index
    %get3A_33 = vector.load %arg4[%get3A_31, %get3A_32] : memref<1x128xf32, #tpu.memory_space<vmem>>, vector<1x128xf32>
    %add3A_34 = vector.broadcast %get3A_33 : vector<1x128xf32> to vector<10000x128xf32>
    %add3A_35 = arith.addf %dot_general3A_30, %add3A_34 : vector<10000x128xf32>
    %get3A_36 = arith.constant 0 : index
    %get3A_37 = arith.constant 0 : index
    %get3A_38 = vector.load %arg1[%get3A_36, %get3A_37] : memref<10000x128xf32, #tpu.memory_space<vmem>>, vector<10000x128xf32>
    %get3A_39 = arith.constant 0 : index
    %get3A_40 = arith.constant 0 : index
    %get3A_41 = vector.load %arg5[%get3A_39, %get3A_40] : memref<128x128xf32, #tpu.memory_space<vmem>>, vector<128x128xf32>
    %dot_general3A_42 = arith.constant dense<0.000000e+00> : vector<10000x128xf32>
    %dot_general3A_43 = tpu.matmul %get3A_38, %get3A_41, %dot_general3A_42 {dimension_numbers = #tpu.dot_dimension_numbers<[1], [0], [0], [1], [0, 0, 1, 1], [], []>, transpose_lhs_hint = false} : vector<10000x128xf32>, vector<128x128xf32>, vector<10000x128xf32> -> vector<10000x128xf32>
    %add3A_44 = arith.addf %add3A_35, %dot_general3A_43 : vector<10000x128xf32>
    %get3A_45 = arith.constant 0 : index
    %get3A_46 = arith.constant 0 : index
    %get3A_47 = vector.load %arg6[%get3A_45, %get3A_46] : memref<1x128xf32, #tpu.memory_space<vmem>>, vector<1x128xf32>
    %get3A_48 = arith.constant 0 : index
    %get3A_49 = arith.constant 0 : index
    %get3A_50 = vector.load %arg7[%get3A_48, %get3A_49] : memref<1x128xf32, #tpu.memory_space<vmem>>, vector<1x128xf32>
    %reduce_sum3A = arith.constant dense<0.000000e+00> : vector<128xf32>
    %reduce_sum3A_51 = vector.multi_reduction <add>, %add3A_44, %reduce_sum3A [0] : vector<10000x128xf32> to vector<128xf32>
    %broadcast_in_dim3A_52 = vector.shape_cast %reduce_sum3A_51 : vector<128xf32> to vector<1x128xf32>
    %div3A_53 = arith.constant 1.000000e+04 : f32
    %div3A_54 = vector.broadcast %div3A_53 : f32 to vector<1x128xf32>
    %div3A_55 = arith.divf %broadcast_in_dim3A_52, %div3A_54 : vector<1x128xf32>
    %sub3A = vector.broadcast %div3A_55 : vector<1x128xf32> to vector<10000x128xf32>
    %sub3A_56 = arith.subf %add3A_44, %sub3A : vector<10000x128xf32>
    %mul3A_57 = arith.mulf %sub3A_56, %sub3A_56 : vector<10000x128xf32>
    %reduce_sum3A_58 = arith.constant dense<0.000000e+00> : vector<128xf32>
    %reduce_sum3A_59 = vector.multi_reduction <add>, %mul3A_57, %reduce_sum3A_58 [0] : vector<10000x128xf32> to vector<128xf32>
    %broadcast_in_dim3A_60 = vector.shape_cast %reduce_sum3A_59 : vector<128xf32> to vector<1x128xf32>
    %div3A_61 = arith.constant 1.000000e+04 : f32
    %div3A_62 = vector.broadcast %div3A_61 : f32 to vector<1x128xf32>
    %div3A_63 = arith.divf %broadcast_in_dim3A_60, %div3A_62 : vector<1x128xf32>
    %mul3A_64 = vector.broadcast %get3A_47 : vector<1x128xf32> to vector<10000x128xf32>
    %mul3A_65 = arith.mulf %mul3A_64, %sub3A_56 : vector<10000x128xf32>
    %add3A_66 = arith.constant 9.99999974E-6 : f32
    %add3A_67 = vector.broadcast %add3A_66 : f32 to vector<1x128xf32>
    %add3A_68 = arith.addf %div3A_63, %add3A_67 : vector<1x128xf32>
    %rsqrt3A = math.rsqrt %add3A_68 : vector<1x128xf32>
    %mul3A_69 = vector.broadcast %rsqrt3A : vector<1x128xf32> to vector<10000x128xf32>
    %mul3A_70 = arith.mulf %mul3A_65, %mul3A_69 : vector<10000x128xf32>
    %add3A_71 = vector.broadcast %get3A_50 : vector<1x128xf32> to vector<10000x128xf32>
    %add3A_72 = arith.addf %mul3A_70, %add3A_71 : vector<10000x128xf32>
    %max3A_73 = arith.constant 0.000000e+00 : f32
    %max3A_74 = vector.broadcast %max3A_73 : f32 to vector<10000x128xf32>
    %max3A_75 = arith.maximumf %add3A_72, %max3A_74 : vector<10000x128xf32>
    %swap3A = arith.constant 0 : index
    %swap3A_76 = arith.constant 0 : index
    %swap3A_77 = vector.load %arg8[%swap3A, %swap3A_76] : memref<10000x128xf32, #tpu.memory_space<vmem>>, vector<10000x128xf32>
    tpu.vector_store %arg8[%swap3A, %swap3A_76], %max3A_75 {strides = array<i32>} : memref<10000x128xf32, #tpu.memory_space<vmem>>, vector<10000x128xf32>,
    return
  }
}

</mosaic_0001>

<sc_bundles>
// kernel: kernel.6.cloned.1.call-start
scs
__scs_entry_jumppad:
0x0: {  	(pc) =	sbr.rel $0x88, $3  }
0x1: {  	(tag) =	ssettag $0x0;
	lr =	simm.s32 $0x1  }
0x2: {  	[smem:$0x3F95] =	sst lr;
	_ =	strace $0xD0000000  }
0x3: {  	_ = 	snop  }
0x4: {  	_ = 	snop  }
0x5: {  	_ = 	snop  }
0x6: {  	_ = 	snop  }
0x7: {  	_ = 	snop  }
__scs_overlays_trampoline_lowered:
0x8: {  	[smem:$0x3FA4] =	sst s0  }
0x9: {  	[smem:$0x3FA5] =	sst s1  }
0xa: {  	[smem:$0x3FA6] =	sst s2  }
0xb: {  	[smem:$0x3FA7] =	sst s3  }
0xc: {  	[smem:$0x3FA8] =	sst s4  }
0xd: {  	[smem:$0x3FA9] =	sst s5  }
0xe: {  	[smem:$0x3FAA] =	sst s6  }
0xf: {  	[smem:$0x3FAB] =	sst s7  }
0x10: {  	[smem:$0x3FAC] =	sst s8  }
0x11: {  	[smem:$0x3FAD] =	sst s9;
	s0 =	simm.s32 @!p0 $0x0  }
0x12: {  	s1 =	sld [smem:$0x3F93];
	s0 =	simm.s32 @p0 $0x1  }
0x13: {  	[smem:$0x3FAE] =	sst s0;
	s0 =	simm.s32 @!p1 $0x0  }
0x14: {  	s2 =	sld [smem:$0x3F92];
	s0 =	simm.s32 @p1 $0x1  }
0x15: {  	[smem:$0x3FAF] =	sst s0;
	s0 =	simm.s32 @!p2 $0x0  }
0x16: {  	s3 =	sld [smem:$0x3FDB];
	s0 =	simm.s32 @p2 $0x1  }
0x17: {  	s4 =	simm.s32 $0x1BF5;
	[smem:$0x3FB1] =	sst s0  }
0x18: {  	s0 =	sld [smem:$0x3F94];
	_ =	swait.ge [sflag:s4], $0x0  }
0x19: {  	s7 =	sld [smem:$0x3F95]  }
0x1a: {  	s8 =	sadd.s32 $0xFFFFE003, lr  }
0x1b: {  	s9 =	sadd.s32 $0xFFFFFEF7, lr;
	s5 =	simm.s32 $0xFFFFFFFF;
	p2 =	slt.u32 s8, $0xFFFFF086  }
0x1c: {  	p1 =	slt.u32 s9, $0xF7A;
	s5 =	simm.s32 @!p2 $0x0  }
0x1d: {  	s5 =	simm.s32 @p1 $0x1;
	p0 =	seq.s32 s7, s2  }
0x1e: {  	s7 =	smul.u32 @!p0 $0xF7A, s2;
	p2 =	seq.s32 @!p0 s5, $0x0  }
0x1f: {  	s9 =	smul.u32 $0xF7A, s1;
	s8 =	simm.s32 @!p0 $0x1BF5;
	p2 =	por !p2, p0  }
0x20: {  	[sflag:s8] =	ssyncset.s32 @!p0 $0xFFFFF086;
	s6 =	sadd.s32 @!p0 s3, s7;
	s7 =	simm.s32 @!p0 $0x108  }
0x21: {  	s3 =	sadd.s32 s3, s9;
	s6 =	sadd.s32 @!p0 $0x88, s6;
	s7 =	simm.s32 @p2 $0x1082  }
0x22: {  	[simem:s7], [sflag:s8] =	dma.local @!p0 [hbm:s6], $0xF7A  }
0x23: {  	s9 =	sor.u32 $0xD0000000, s2;
	s6 =	simm.s32 $0x108;
	_ =	swait.ge @!p0 [sflag:s8], $0x0  }
0x24: {  	s3 =	sadd.s32 $0x88, s3;
	s6 =	simm.s32 @!p1 $0x1082;
	[sflag:s4] =	ssyncset.s32 $0xFFFFF086  }
0x25: {  	[simem:s6], [sflag:s4] =	dma.local [hbm:s3], $0xF7A  }
0x26: {  	[smem:$0x3F95] =	sst s1;
	(tag) =	ssettag s2;
	_ =	strace s9  }
0x27: {  	s1 =	sld [smem:$0x3FA5]  }
0x28: {  	s2 =	sld [smem:$0x3FA6]  }
0x29: {  	s4 =	sld [smem:$0x3FA8]  }
0x2a: {  	p0 =	seq.s32 s5, $0x0;
	s5 =	sld [smem:$0x3FA9]  }
0x2b: {  	s6 =	sld [smem:$0x3FAA]  }
0x2c: {  	s7 =	sld [smem:$0x3FAB]  }
0x2d: {  	s3 =	simm.s32 $0x108;
	s8 =	sld [smem:$0x3FAC]  }
0x2e: {  	s3 =	simm.s32 @!p0 $0x1082;
	s9 =	sld [smem:$0x3FAD]  }
0x2f: {  	lr =	sadd.s32 s0, s3;
	s0 =	sld [smem:$0x3FA4]  }
0x30: {  	s3 =	sld [smem:$0x3FA7]  }
0x31: {  	[smem:$0x3FB0] =	sst s10  }
0x32: {  	s10 =	sld [smem:$0x3FAE];
	_ =	sdelay $0x3  }
0x33: {  	p0 =	seq.s32 s10, $0x1;
	s10 =	sld [smem:$0x3FB0];
	_ =	sdelay $0x3  }
0x34: {  	[smem:$0x3FB0] =	sst s10  }
0x35: {  	s10 =	sld [smem:$0x3FAF];
	_ =	sdelay $0x3  }
0x36: {  	p1 =	seq.s32 s10, $0x1;
	s10 =	sld [smem:$0x3FB0];
	_ =	sdelay $0x3  }
0x37: {  	[smem:$0x3FB0] =	sst s10  }
0x38: {  	s10 =	sld [smem:$0x3FB1]  }
0x39: {  	_ = 	snop;
	(pc) =	sbr.ind lr, $3  }
0x3a: {  	_ = 	snop  }
0x3b: {  	_ = 	snop  }
0x3c: {  	p2 =	seq.s32 s10, $0x1;
	s10 =	sld [smem:$0x3FB0]  }
0x3d: {  	_ =	shalt  }
0x3e: {  	_ =	shalt  }
0x3f: {  	_ =	shalt  }
0x40: {  	_ =	shalt  }
0x41: {  	_ =	shalt  }
0x42: {  	_ =	shalt  }
0x43: {  	_ =	shalt  }
0x44: {  	_ =	shalt  }
0x45: {  	_ =	shalt  }
0x46: {  	_ =	shalt  }
0x47: {  	_ =	shalt  }
0x48: {  	_ =	shalt  }
0x49: {  	_ =	shalt  }
0x4a: {  	_ =	shalt  }
0x4b: {  	_ =	shalt  }
0x4c: {  	_ =	shalt  }
0x4d: {  	_ =	shalt  }
0x4e: {  	_ =	shalt  }
0x4f: {  	_ =	shalt  }
0x50: {  	_ =	shalt  }
0x51: {  	_ =	shalt  }
0x52: {  	_ =	shalt  }
0x53: {  	_ =	shalt  }
0x54: {  	_ =	shalt  }
0x55: {  	_ =	shalt  }
0x56: {  	_ =	shalt  }
0x57: {  	_ =	shalt  }
0x58: {  	_ =	shalt  }
0x59: {  	_ =	shalt  }
0x5a: {  	_ =	shalt  }
0x5b: {  	_ =	shalt  }
0x5c: {  	_ =	shalt  }
0x5d: {  	_ =	shalt  }
0x5e: {  	_ =	shalt  }
0x5f: {  	_ =	shalt  }
0x60: {  	_ =	shalt  }
0x61: {  	_ =	shalt  }
0x62: {  	_ =	shalt  }
0x63: {  	_ =	shalt  }
0x64: {  	_ =	shalt  }
0x65: {  	_ =	shalt  }
0x66: {  	_ =	shalt  }
0x67: {  	_ =	shalt  }
0x68: {  	_ =	shalt  }
0x69: {  	_ =	shalt  }
0x6a: {  	_ =	shalt  }
0x6b: {  	_ =	shalt  }
0x6c: {  	_ =	shalt  }
0x6d: {  	_ =	shalt  }
0x6e: {  	_ =	shalt  }
0x6f: {  	_ =	shalt  }
0x70: {  	_ =	shalt  }
0x71: {  	_ =	shalt  }
0x72: {  	_ =	shalt  }
0x73: {  	_ =	shalt  }
0x74: {  	_ =	shalt  }
0x75: {  	_ =	shalt  }
0x76: {  	_ =	shalt  }
0x77: {  	_ =	shalt  }
0x78: {  	_ =	shalt  }
0x79: {  	_ =	shalt  }
0x7a: {  	_ =	shalt  }
0x7b: {  	_ =	shalt  }
0x7c: {  	_ =	shalt  }
0x7d: {  	_ =	shalt  }
0x7e: {  	_ =	shalt  }
0x7f: {  	_ =	shalt  }
0x80: {  	_ =	shalt  }
0x81: {  	_ =	shalt  }
0x82: {  	_ =	shalt  }
0x83: {  	_ =	shalt  }
0x84: {  	_ =	shalt  }
0x85: {  	_ =	shalt  }
0x86: {  	_ =	shalt  }
0x87: {  	_ =	shalt  }
.Lfunc_end0:
.L_simem_size_0:
called_computation_lowered:
.L_overlay_start_0:
0x88: {  	s2 =	sld [smem:$0x3FD9]  }
0x89: {  	s3 =	sld [smem:$0x3FFE];
	_ =	sdelay $0x1  }
0x8a: {  	s1 =	srdreg.scid  }
0x8b: {  	s0 =	sand.u32 $0x1, s1  }
0x8c: {  	s17 =	sshll.u32 s0, $0xA;
	s2 =	sadd.s32 s3, s2  }
0x8d: {  	s2 =	sadd.s32 s2, s17  }
0x8e: {  	[smem:$0x3FBC] =	sst s2  }
0x8f: {  	_ = 	snop  }
0x90: {  	s2 =	sld [smem:$0x3FC9];
	(tm) =	ssettm $0x1  }
0x91: {  	s18 =	sld [smem:$0x3FFB];
	_ =	sdelay $0x3  }
0x92: {  	_ =	strace s18  }
0x93: {  	s3 =	sld [smem:$0x3FFC];
	_ =	sdelay $0x3  }
0x94: {  	_ =	strace s3  }
0x95: {  	s3 =	sld [smem:$0x3FFD];
	_ =	sdelay $0x3  }
0x96: {  	_ =	strace s3  }
0x97: {  	_ =	strace $0x8FFFFFFF  }
0x98: {  	s19 =	sld [smem:$0x3FDB];
	_ =	sdelay $0x1  }
0x99: {  	s4 =	simm.s32 $_scs_section_size  }
0x9a: {  	s5 =	simm.s32 $_size__tile_overlayer_lowered;
	s6 =	simm.s32 $_tile_overlayer_lowered  }
0x9b: {  	s22 =	simm.s32 $0x1BFF;
	s21 =	sshll.u32 s6, $0x1;
	s3 =	sadd.s32 s4, s19  }
0x9c: {  	s7 =	simm.s32 $0x0;
	s20 =	sshll.u32 s5, $0x1;
	s5 =	sadd.s32 s21, s3  }
0x9d: {  	[timem:s7], [sflag:s22] =	dma.local [hbm:s5], s20  }
0x9e: {  	_ =	swait.ge [sflag:s22], s20  }
0x9f: {  	s4 =	ssub.s32 $0x0, s20;
	[sflag:s22] =	ssyncset.done $0x0  }
0xa0: {  	[sflag:s22] =	ssyncadd.s32 s4;
	_ =	sdelay $0x1  }
0xa1: {  	s23 =	simm.s32 $0x1B8B  }
0xa2: {  	_ =	swait.ge [sflag:s23], $0x1  }
0xa3: {  	[sflag:s23] =	ssyncset.done $0x0  }
0xa4: {  	s25 =	simm.s32 $0x1B8E;
	s24 =	sld [smem:$0x3FFE];
	[sflag:s23] =	ssyncadd.s32 $0xFFFFFFFF  }
0xa5: {  	s26 =	simm.s32 $execute0_lowered;
	[smem:$0x3FD2] =	sst s25  }
0xa6: {  	s5 =	sshll.u32 s26, $0x1;
	_ =	strace $0x80000046;
	[dreg:$0x1] =	wrdreg $0xFFFFFFFF  }
0xa7: {  	s28 =	simm.s32 $_size_execute0_lowered;
	s3 =	sadd.s32 s3, s5;
	[dreg:$0x0] =	wrdreg $0x0  }
0xa8: {  	s5 =	sshll.u32 s28, $0x1;
	[dreg:$0x2] =	wrdreg s3  }
0xa9: {  	[dreg:$0x3] =	wrdreg s5  }
0xaa: {  	[dreg:$0x4] =	wrdreg $0xC0  }
0xab: {  	_ =	task [dreg:s7], $0x5FFFF  }
0xac: {  	[dreg:$0x1] =	wrdreg $0xFFFFFFFF  }
0xad: {  	[dreg:$0x0] =	wrdreg $0x60  }
0xae: {  	[dreg:$0x2] =	wrdreg s2  }
0xaf: {  	[dreg:$0x3] =	wrdreg s24  }
0xb0: {  	[dreg:$0x4] =	wrdreg $0xB8800  }
0xb1: {  	[dreg:$0x5] =	wrdreg $0x1F4800  }
0xb2: {  	[dreg:$0x6] =	wrdreg $0x9  }
0xb3: {  	_ =	task.clear_ibuf [dreg:s7], $0x7FFFF;
	_ =	strace $0x90000046  }
0xb4: {  	s29 =	simm.s32 $0x9;
	_ =	strace $0x80000048  }
0xb5: {  	_ =	swait.ge [sflag:s29], $0x1  }
0xb6: {  	[sflag:s29] =	ssyncadd.s32 $0xFFFFFFFF  }
0xb7: {  	_ =	strace $0x90000048  }
0xb8: {  	_ =	sfence  }
0xb9: {  	s30 =	sld [smem:$0x0];
	_ =	sdelay $0x2  }
0xba: {  	s31 =	sshll.u32 s1, $0xD;
	s1 =	sshrl.u32 s1, $0x2  }
0xbb: {  	s3 =	sand.u32 $0x4000, s31;
	s1 =	sadd.s32 s1, s30  }
0xbc: {  	s0 =	sor.u32 s3, s0;
	s1 =	sshll.u32 s1, $0x11  }
0xbd: {  	s0 =	sor.u32 s1, s0  }
0xbe: {  	s0 =	sadd.s32 $0x8F2B, s0  }
0xbf: {  	[sflag:s0] =	ssyncadd.remote.s32 $0x1  }
0xc0: {  	_ =	sfence.sel $0xFFFF  }
0xc1: {  	[dreg:$0x0] =	wrdreg $0xFFFFFFFF;
	(pc) =	sbr.abs _section_cstart, $3  }
0xc2: {  	[dreg:$0x1] =	wrdreg $0xFFFFFFFF  }
0xc3: {  	_ =	task.clear_ibuf [dreg:s7], $0x2FFFF;
	_ =	strace $0x9FFFFFFF  }
0xc4: {  	(tm) =	ssettm $0x7FFFFFFF  }
0xc5: {  	_ =	shalt  }
tec
execute0_lowered:
.L_overlay_start_1:
0x0: {  	(tag) =	ssettag $0x1  }
0x1: {  	s0 =	rddreg [dreg:$0x0]  }
0x2: {  	s1 =	rddreg [dreg:$0x1]  }
0x3: {  	s3 =	rddreg [dreg:$0x2];
	s2 =	srdreg.scid  }
0x4: {  	s4 =	rddreg [dreg:$0x3];
	s5 =	stileid.u32  }
0x5: {  	s6 =	simm.s32 $0x0;
	s28 =	simm.s32 $0xB800;
	s30 =	simm.s32 $0x50  }
0x6: {  	s31 =	simm.s32 $0x6800;
	s2 =	sand.u32 $0x1, s2;
	s8 =	smul.u32 $0x13C00, s5  }
0x7: {  	[smem:$0x7FF] =	sst s6;
	s9 =	smul.u32 $0x280, s5;
	s6 =	sadd.s32 $0x3400, s1  }
0x8: {  	s11 =	sadd.s32 $0x2B800, s1;
	s26 =	sadd.s32 $0x2B600, s1;
	s13 =	smul.u32 $0x4F000, s5  }
0x9: {  	_ =	strace $0x80000047;
	s10 =	smul.u32 $0x2800, s2;
	[dreg:$0x5] =	wrdreg s11  }
0xa: {  	s15 =	sshll.u32 s5, $0x1;
	s7 =	smul.u32 $0x13C000, s2;
	[dreg:$0x6] =	wrdreg s26  }
0xb: {  	s11 =	sadd.s32 $0x2B400, s1;
	s12 =	sadd.s32 s9, s10;
	s10 =	sshrl.u32 s13, $0x2  }
0xc: {  	[dreg:$0x7] =	wrdreg s11;
	s24 =	sadd.s32 s9, s4;
	s10 =	sadd.s32 s10, s3  }
0xd: {  	s14 =	ssub.s32 $0x2, s2;
	[dreg:$0x10] =	wrdreg s24;
	s16 =	sadd.s32 $0x2800, s10  }
0xe: {  	s2 =	sor.u32 s2, s15;
	s17 =	sadd.s32 $0x5000, s10;
	[dreg:$0x8] =	wrdreg s16  }
0xf: {  	s11 =	smul.u32 $0x5000, s2;
	s18 =	sadd.s32 $0x7800, s10;
	[dreg:$0x9] =	wrdreg s17  }
0x10: {  	s7 =	sadd.s32 s8, s7;
	s19 =	sadd.s32 $0xA000, s10;
	[dreg:$0xa] =	wrdreg s18  }
0x11: {  	s7 =	sshrl.u32 s7, $0x3;
	s20 =	sadd.s32 $0xC800, s10;
	[dreg:$0xb] =	wrdreg s19  }
0x12: {  	s8 =	sshrl.u32 s12, $0x3;
	s22 =	sadd.s32 $0xF000, s10;
	[dreg:$0xc] =	wrdreg s20  }
0x13: {  	s21 =	sshrl.u32 s11, $0x3;
	s23 =	sadd.s32 $0x11800, s10;
	[dreg:$0xd] =	wrdreg s22  }
0x14: {  	s12 =	sshrl.u32 s14, $0x1;
	s2 =	sadd.s32 s6, s21;
	[dreg:$0xe] =	wrdreg s23  }
0x15: {  	s7 =	sadd.s32 s7, s1;
	[dreg:$0xf] =	wrdreg s2;
	s2 =	sadd.s32 $0x14000, s2  }
0x16: {  	s1 =	sadd.s32 s8, s1;
	s25 =	sadd.s32 $0x2BE00, s7;
	[dreg:$0x11] =	wrdreg s2  }
0x17: {  	s8 =	ssub.s32 s14, s12;
	s1 =	sadd.s32 $0x7AE00, s1;
	[dreg:$0x12] =	wrdreg s25  }
0x18: {  	s29 =	simm.s32 $0x1;
	s26 =	smax.u32 s8, $0x1;
	[dreg:$0x13] =	wrdreg s1  }
0x19: {  	s7 =	simm.s32 $0x0;
	[dreg:$0x14] =	wrdreg s26;
	s25 =	simm.s32 $0x4000  }
0x1a: {  	s26 =	simm.s32 $0x4;
	s1 =	simm.s32 $0x9000;
	s2 =	simm.s32 $0x2  }
.LBB2_1:
0x1b: {  	s12 =	simm.s32 $0x0;
	s5 =	rddreg [dreg:$0x5]  }
0x1c: {  	[tilespmem:s25], [sflag:$0x4] =	stream.linear.gather [hbm4b:s5+s12], $0x2800, $0x38;
	[tilespmem:$0x1F700] =	vst v63  }
0x1d: {  	_ =	swait.ge [sflag:s26], $0x2800  }
0x1e: {  	[sflag:s26] =	ssyncset.done $0x0  }
0x1f: {  	[sflag:s26] =	ssyncadd.s32 $0xFFFFD800  }
0x20: {  	[spmem:s10] =	stream.linear.scatter [tilespmem:s25], [sflag:$0x4], $0x2800, $0x38;
	[tilespmem:$0x1F700] =	vst v63  }
0x21: {  	_ =	swait.ge [sflag:s26], $0x2800  }
0x22: {  	[sflag:s26] =	ssyncset.done $0x0  }
0x23: {  	s9 =	rddreg [dreg:$0x8];
	[sflag:s26] =	ssyncadd.s32 $0xFFFFD800  }
0x24: {  	[spmem:s9] =	stream.linear.scatter [tilespmem:s25], [sflag:$0x4], $0x2800, $0x38;
	[tilespmem:$0x1F700] =	vst v63  }
0x25: {  	_ =	swait.ge [sflag:s26], $0x2800  }
0x26: {  	[sflag:s26] =	ssyncset.done $0x0  }
0x27: {  	s13 =	rddreg [dreg:$0x9];
	[sflag:s26] =	ssyncadd.s32 $0xFFFFD800  }
0x28: {  	[spmem:s13] =	stream.linear.scatter [tilespmem:s25], [sflag:$0x4], $0x2800, $0x38;
	[tilespmem:$0x1F700] =	vst v63  }
0x29: {  	_ =	swait.ge [sflag:s26], $0x2800  }
0x2a: {  	[sflag:s26] =	ssyncset.done $0x0  }
0x2b: {  	s14 =	rddreg [dreg:$0xa];
	[sflag:s26] =	ssyncadd.s32 $0xFFFFD800  }
0x2c: {  	[spmem:s14] =	stream.linear.scatter [tilespmem:s25], [sflag:$0x4], $0x2800, $0x38;
	[tilespmem:$0x1F700] =	vst v63  }
0x2d: {  	_ =	swait.ge [sflag:s26], $0x2800  }
0x2e: {  	[sflag:s26] =	ssyncset.done $0x0  }
0x2f: {  	s15 =	rddreg [dreg:$0xb];
	[sflag:s26] =	ssyncadd.s32 $0xFFFFD800  }
0x30: {  	[spmem:s15] =	stream.linear.scatter [tilespmem:s25], [sflag:$0x4], $0x2800, $0x38;
	[tilespmem:$0x1F700] =	vst v63  }
0x31: {  	_ =	swait.ge [sflag:s26], $0x2800  }
0x32: {  	[sflag:s26] =	ssyncset.done $0x0  }
0x33: {  	s16 =	rddreg [dreg:$0xc];
	[sflag:s26] =	ssyncadd.s32 $0xFFFFD800  }
0x34: {  	[spmem:s16] =	stream.linear.scatter [tilespmem:s25], [sflag:$0x4], $0x2800, $0x38;
	[tilespmem:$0x1F700] =	vst v63  }
0x35: {  	_ =	swait.ge [sflag:s26], $0x2800  }
0x36: {  	[sflag:s26] =	ssyncset.done $0x0  }
0x37: {  	s17 =	rddreg [dreg:$0xd];
	[sflag:s26] =	ssyncadd.s32 $0xFFFFD800  }
0x38: {  	[spmem:s17] =	stream.linear.scatter [tilespmem:s25], [sflag:$0x4], $0x2800, $0x38;
	[tilespmem:$0x1F700] =	vst v63  }
0x39: {  	_ =	swait.ge [sflag:s26], $0x2800  }
0x3a: {  	[sflag:s26] =	ssyncset.done $0x0  }
0x3b: {  	s19 =	stileid.u32;
	s18 =	rddreg [dreg:$0xe];
	[sflag:s26] =	ssyncadd.s32 $0xFFFFD800  }
0x3c: {  	[spmem:s18] =	stream.linear.scatter [tilespmem:s25], [sflag:$0x4], $0x2400, $0x38;
	[tilespmem:$0x1F700] =	vst v63  }
0x3d: {  	s8 =	sshll.u32 s19, $0x6;
	_ =	swait.ge [sflag:s26], $0x2400  }
0x3e: {  	s8 =	sor.u32 $0x1C04, s8;
	[sflag:s26] =	ssyncset.done $0x0;
	s20 =	rddreg [dreg:$0x10]  }
0x3f: {  	s21 =	rddreg [dreg:$0x6];
	[sflag:s26] =	ssyncadd.s32 $0xFFFFDC00;
	s9 =	sshrl.u32 s20, $0x3  }
0x40: {  	[spmem:s9], [sflag:s8] =	dma.local [hbm:s21], $0x50  }
0x41: {  	_ =	swait.ge [sflag:s26], $0x50  }
0x42: {  	[sflag:s26] =	ssyncset.done $0x0  }
0x43: {  	s22 =	rddreg [dreg:$0x7];
	[sflag:s26] =	ssyncadd.s32 $0xFFFFFFB0  }
0x44: {  	[tilespmem:s28], [sflag:$0x4] =	stream.linear.gather [hbm4b:s22+s12], $0x80, $0x38;
	[tilespmem:$0x1F700] =	vst v63  }
0x45: {  	_ =	swait.ge [sflag:s26], $0x80  }
0x46: {  	[sflag:s26] =	ssyncset.done $0x0  }
0x47: {  	[sflag:s26] =	ssyncadd.s32 $0xFFFFFF80  }
0x48: {  	[bflag:$0x0] =	sbarrier.arrive $0xFFFF  }
0x49: {  	s23 =	rddreg [dreg:$0xf]  }
0x4a: {  	[tilespmem:s12], [sflag:$0x4] =	stream.linear.gather [hbm4b:s23+s12], $0xC80, $0x38;
	[tilespmem:$0x1F700] =	vst v63  }
0x4b: {  	_ =	swait.ge [sflag:s26], $0xC80  }
0x4c: {  	[sflag:s26] =	ssyncset.done $0x0  }
0x4d: {  	s13 =	simm.s32 $0x2000;
	s24 =	rddreg [dreg:$0x11];
	[sflag:s26] =	ssyncadd.s32 $0xFFFFF380  }
0x4e: {  	[tilespmem:s13], [sflag:$0x4] =	stream.linear.gather [hbm4b:s24+s12], $0xC80, $0x38;
	[tilespmem:$0x1F700] =	vst v63  }
0x4f: {  	_ =	swait.ge [sflag:s26], $0xC80  }
0x50: {  	[sflag:s26] =	ssyncset.done $0x0  }
0x51: {  	s12 =	simm.s32 $0x0;
	[sflag:s26] =	ssyncadd.s32 $0xFFFFF380  }
.LBB2_2:
0x52: {  	s13 =	smov.u32 s12  }
0x53: {  	s12 =	sadd.s32 $0x1, s12;
	p0 =	seq.s32 s13, $0x4  }
0x54: {  	s14 =	sshll.u32 @!p0 s12, $0xC  }
0x55: {  	s13 =	sshll.u32 @!p0 s13, $0xC;
	s14 =	sadd.s32 @!p0 s11, s14  }
0x56: {  	s13 =	sand.u32 @!p0 $0x1000, s13;
	s14 =	sshrl.u32 @!p0 s14, $0x3  }
0x57: {  	s16 =	simm.s32 @!p0 $0x0;
	s15 =	sxor.u32 @!p0 $0x1000, s13;
	s14 =	sadd.s32 @!p0 s6, s14  }
0x58: {  	[tilespmem:s15], [sflag:$0x3] =	stream.linear.gather @!p0 [hbm4b:s14+s16], $0xC80, $0x38;
	[tilespmem:$0x1F700] =	vst v63  }
0x59: {  	s15 =	sxor.u32 @!p0 $0x3000, s13;
	s14 =	sadd.s32 @!p0 $0x14000, s14  }
0x5a: {  	[tilespmem:s15], [sflag:$0x3] =	stream.linear.gather @!p0 [hbm4b:s14+s16], $0xC80, $0x38;
	[tilespmem:$0x1F700] =	vst v63  }
0x5b: {  	s16 =	simm.s32 $0x3  }
0x5c: {  	s13 =	simm.s32 @p0 $0x0;
	s14 =	smul.u32 $0xAB, s16  }
0x5d: {  	[tilespmem:s25], [sflag:$0x1] =	stream.indirect.gather [hbm4b:s0+s30], $0x80, s13, s30, $0xb8;
	[tilespmem:$0x1F700] =	vst v63  }
0x5e: {  	s15 =	sadd.s32 $0x80, s13;
	s18 =	sadd.s32 $0xFFFFFDFF, s14;
	s14 =	sshrl.u32 s14, $0x9  }
0x5f: {  	[tilespmem:s31], [sflag:$0x1] =	stream.indirect.gather [hbm4b:s0+s30], $0x80, s15, s30, $0xb8;
	[tilespmem:$0x1F700] =	vst v63  }
0x60: {  	s24 =	simm.s32 $0x6;
	s17 =	sadd.s32 $0x100, s13;
	s14 =	sand.u32 $0x7F, s14  }
0x61: {  	s15 =	sshrl.u32 s18, $0x9;
	s18 =	simm.s32 $0x4;
	s14 =	smul.u32 $0x3, s14  }
0x62: {  	s19 =	sor.u32 $0x2000, s13;
	s15 =	sand.u32 $0x7F, s15;
	s21 =	smul.u32 $0xAB, s18  }
0x63: {  	[tilespmem:s1], [sflag:$0x1] =	stream.indirect.gather [hbm4b:s0+s30], $0x80, s17, s30, $0xb8;
	[tilespmem:$0x1F700] =	vst v63  }
0x64: {  	s18 =	sadd.s32 $0x80, s19;
	s15 =	smul.u32 $0x3, s15;
	s17 =	sadd.s32 $0x180, s13  }
0x65: {  	s16 =	sadd.s32 $0x80, s18;
	s20 =	ssub.s32 $0x3, s14;
	_ =	swait.ge [sflag:s29], $0x2800  }
0x66: {  	s22 =	sadd.s32 $0xFFFFFDFF, s21;
	s21 =	sshrl.u32 s21, $0x9;
	s15 =	ssub.s32 $0x3, s15  }
0x67: {  	s20 =	sand.u32 $0xFF, s20;
	[sflag:s29] =	ssyncset.done $0x0;
	s15 =	sadd.s32 $0xFFFFFFFD, s15  }
0x68: {  	s22 =	sshrl.u32 s22, $0x9;
	s20 =	smul.u32 $0xA000, s20;
	s15 =	sand.u32 $0xFF, s15  }
0x69: {  	s21 =	sand.u32 $0x7F, s21;
	[sflag:s29] =	ssyncadd.s32 $0xFFFFD800;
	s15 =	smul.u32 $0xA000, s15  }
0x6a: {  	[spmem:s4] =	stream.indirect.scatter.add.f32 [tilespmem:s28], [sflag:$0x2], $0x1, s19, s30, $0xb8;
	[tilespmem:$0x1F700] =	vst v63  }
0x6b: {  	s22 =	sand.u32 $0x7F, s22;
	s23 =	smul.u32 $0x3, s21;
	s15 =	sshrl.u32 s15, $0x2  }
0x6c: {  	s14 =	simm.s32 $0x5;
	s22 =	smul.u32 $0x3, s22;
	s15 =	sadd.s32 $0x4000, s15  }
0x6d: {  	[spmem:s3] =	stream.indirect.scatter.add.f32 [tilespmem:s15], [sflag:$0x4], $0x80, s19, s30, $0xb8;
	[tilespmem:$0x1F700] =	vst v63  }
0x6e: {  	s21 =	sadd.s32 $0x80, s17;
	s5 =	ssub.s32 $0x4, s23;
	_ =	swait.ge [sflag:s26], $0x2800  }
0x6f: {  	s22 =	ssub.s32 $0x4, s22;
	s15 =	sshrl.u32 s20, $0x2;
	[sflag:s26] =	ssyncset.done $0x0  }
0x70: {  	s20 =	sand.u32 $0xFF, s5;
	s19 =	sadd.s32 $0xFFFFFFFD, s22;
	[sflag:s26] =	ssyncadd.s32 $0xFFFFD800  }
0x71: {  	s23 =	sadd.s32 $0x4000, s15;
	s22 =	sand.u32 $0xFF, s19;
	_ =	swait.ge [sflag:s2], $0x50  }
0x72: {  	s15 =	smov.u32 s21;
	s22 =	smul.u32 $0xA000, s22;
	[sflag:s2] =	ssyncset.done $0x0  }
.LBB2_3:
0x73: {  	s21 =	sadd.s32 $0x80, s21  }
0x74: {  	[sflag:s2] =	ssyncadd.s32 $0xFFFFFFB0;
	s19 =	smov.u32 s24;
	s5 =	sadd.s32 $0x1, s24  }
0x75: {  	[tilespmem:s23], [sflag:$0x1] =	stream.indirect.gather [hbm4b:s0+s30], $0x80, s17, s30, $0xb8;
	[tilespmem:$0x1F700] =	vst v63  }
0x76: {  	p1 =	sne.s32 s24, $0x18;
	s23 =	smul.u32 $0xAB, s14  }
0x77: {  	s20 =	smul.u32 $0xA000, s20;
	s17 =	smov.u32 s15;
	s15 =	sshrl.u32 s22, $0x2  }
0x78: {  	_ =	swait.ge [sflag:s29], $0x2800;
	s22 =	sadd.s32 $0xFFFFFDFF, s23;
	s23 =	sshrl.u32 s23, $0x9  }
0x79: {  	[sflag:s29] =	ssyncset.done $0x0;
	s22 =	sshrl.u32 s22, $0x9;
	s23 =	sand.u32 $0x7F, s23  }
0x7a: {  	s24 =	sshrl.u32 s20, $0x2;
	s20 =	sand.u32 $0x7F, s22;
	s22 =	smul.u32 $0x3, s23  }
0x7b: {  	s15 =	sadd.s32 $0x4000, s15;
	[sflag:s29] =	ssyncadd.s32 $0xFFFFD800;
	s20 =	smul.u32 $0x3, s20  }
0x7c: {  	[spmem:s4] =	stream.indirect.scatter.add.f32 [tilespmem:s28], [sflag:$0x2], $0x1, s18, s30, $0xb8;
	[tilespmem:$0x1F700] =	vst v63  }
0x7d: {  	s23 =	sadd.s32 $0x4000, s24;
	s22 =	ssub.s32 s14, s22;
	s14 =	ssub.s32 s14, s20  }
0x7e: {  	[spmem:s3] =	stream.indirect.scatter.add.f32 [tilespmem:s15], [sflag:$0x4], $0x80, s18, s30, $0xb8;
	[tilespmem:$0x1F700] =	vst v63  }
.Ltmp0:
0x7f: {  	s20 =	sand.u32 $0xFF, s22;
	_ =	swait.ge [sflag:s26], $0x2800;
	(pc) =	sbr.rel @p1 .LBB2_3-.Ltmp0, $4  }
0x80: {  	s24 =	smov.u32 s5;
	s14 =	sadd.s32 $0xFFFFFFFD, s14;
	[sflag:s26] =	ssyncset.done $0x0  }
0x81: {  	s15 =	sand.u32 $0xFF, s14;
	s14 =	smov.u32 s19;
	[sflag:s26] =	ssyncadd.s32 $0xFFFFD800  }
0x82: {  	s22 =	smul.u32 $0xA000, s15;
	s15 =	smov.u32 s21;
	_ =	swait.ge [sflag:s2], $0x50  }
0x83: {  	s18 =	smov.u32 s16;
	s16 =	sadd.s32 $0x80, s16;
	[sflag:s2] =	ssyncset.done $0x0  }
0x84: {  	[sflag:s2] =	ssyncadd.s32 $0xFFFFFFB0  }
0x85: {  	[tilespmem:s23], [sflag:$0x1] =	stream.indirect.gather [hbm4b:s0+s30], $0x80, s17, s30, $0xb8;
	[tilespmem:$0x1F700] =	vst v63  }
0x86: {  	s5 =	smul.u32 $0xAB, s14;
	_ =	swait.ge [sflag:s29], $0x2800  }
0x87: {  	[sflag:s29] =	ssyncset.done $0x0  }
0x88: {  	s24 =	sshrl.u32 s22, $0x2;
	s19 =	sadd.s32 $0xFFFFFDFF, s5;
	[sflag:s29] =	ssyncadd.s32 $0xFFFFD800  }
0x89: {  	[spmem:s4] =	stream.indirect.scatter.add.f32 [tilespmem:s28], [sflag:$0x2], $0x1, s18, s30, $0xb8;
	[tilespmem:$0x1F700] =	vst v63  }
0x8a: {  	s17 =	sadd.s32 $0x4000, s24;
	s19 =	sshrl.u32 s19, $0x9  }
0x8b: {  	[spmem:s3] =	stream.indirect.scatter.add.f32 [tilespmem:s17], [sflag:$0x4], $0x80, s18, s30, $0xb8;
	[tilespmem:$0x1F700] =	vst v63  }
0x8c: {  	s18 =	sand.u32 $0x7F, s19;
	_ =	swait.ge [sflag:s26], $0x2800  }
0x8d: {  	s17 =	smul.u32 $0x3, s18;
	[sflag:s26] =	ssyncset.done $0x0  }
0x8e: {  	s19 =	smul.u32 $0xA000, s20;
	[sflag:s26] =	ssyncadd.s32 $0xFFFFD800  }
0x8f: {  	s17 =	ssub.s32 s14, s17;
	_ =	swait.ge [sflag:s2], $0x50  }
0x90: {  	s18 =	sshrl.u32 s19, $0x2;
	s17 =	sadd.s32 $0xFFFFFFFD, s17;
	[sflag:s2] =	ssyncset.done $0x0  }
0x91: {  	s18 =	sadd.s32 $0x4000, s18;
	s17 =	sand.u32 $0xFF, s17;
	[sflag:s2] =	ssyncadd.s32 $0xFFFFFFB0  }
0x92: {  	[tilespmem:s18], [sflag:$0x1] =	stream.indirect.gather [hbm4b:s0+s30], $0x80, s15, s30, $0xb8;
	[tilespmem:$0x1F700] =	vst v63  }
0x93: {  	s20 =	smul.u32 $0xA000, s17;
	_ =	swait.ge [sflag:s29], $0x2800  }
0x94: {  	s5 =	sshrl.u32 s5, $0x9;
	[sflag:s29] =	ssyncset.done $0x0  }
0x95: {  	s5 =	sand.u32 $0x7F, s5;
	s15 =	sshrl.u32 s20, $0x2;
	[sflag:s29] =	ssyncadd.s32 $0xFFFFD800  }
0x96: {  	[spmem:s4] =	stream.indirect.scatter.add.f32 [tilespmem:s28], [sflag:$0x2], $0x1, s16, s30, $0xb8;
	[tilespmem:$0x1F700] =	vst v63  }
0x97: {  	s5 =	smul.u32 $0x3, s5;
	s15 =	sadd.s32 $0x4000, s15  }
0x98: {  	[spmem:s3] =	stream.indirect.scatter.add.f32 [tilespmem:s15], [sflag:$0x4], $0x80, s16, s30, $0xb8;
	[tilespmem:$0x1F700] =	vst v63  }
0x99: {  	s5 =	ssub.s32 s14, s5;
	_ =	swait.ge [sflag:s26], $0x2800  }
0x9a: {  	s5 =	sand.u32 $0xFF, s5;
	[sflag:s26] =	ssyncset.done $0x0  }
0x9b: {  	s5 =	smul.u32 $0xA000, s5;
	[sflag:s26] =	ssyncadd.s32 $0xFFFFD800  }
0x9c: {  	_ =	swait.ge [sflag:s2], $0x50  }
0x9d: {  	s5 =	sshrl.u32 s5, $0x2;
	[sflag:s2] =	ssyncset.done $0x0  }
0x9e: {  	s21 =	sadd.s32 $0x80, s21;
	s5 =	sadd.s32 $0x4000, s5;
	[sflag:s2] =	ssyncadd.s32 $0xFFFFFFB0  }
0x9f: {  	[tilespmem:s5], [sflag:$0x1] =	stream.indirect.gather [hbm4b:s0+s30], $0x80, s21, s30, $0xb8;
	[tilespmem:$0x1F700] =	vst v63  }
0xa0: {  	_ =	swait.ge [sflag:s29], $0x2800  }
0xa1: {  	[sflag:s29] =	ssyncset.done $0x0  }
0xa2: {  	s22 =	sadd.s32 $0x2B00, s13;
	[sflag:s29] =	ssyncadd.s32 $0xFFFFD800  }
0xa3: {  	[spmem:s4] =	stream.indirect.scatter.add.f32 [tilespmem:s28], [sflag:$0x2], $0x1, s22, s30, $0xb8;
	[tilespmem:$0x1F700] =	vst v63  }
0xa4: {  	_ = 	snop  }
0xa5: {  	[spmem:s3] =	stream.indirect.scatter.add.f32 [tilespmem:s31], [sflag:$0x4], $0x80, s22, s30, $0xb8;
	[tilespmem:$0x1F700] =	vst v63  }
0xa6: {  	_ =	swait.ge [sflag:s26], $0x2800  }
0xa7: {  	[sflag:s26] =	ssyncset.done $0x0  }
0xa8: {  	[sflag:s26] =	ssyncadd.s32 $0xFFFFD800  }
0xa9: {  	_ =	swait.ge [sflag:s2], $0x50  }
0xaa: {  	[sflag:s2] =	ssyncset.done $0x0  }
0xab: {  	[sflag:s2] =	ssyncadd.s32 $0xFFFFFFB0  }
0xac: {  	_ =	swait.ge [sflag:s29], $0x2800  }
0xad: {  	[sflag:s29] =	ssyncset.done $0x0  }
0xae: {  	s23 =	sadd.s32 $0x2B80, s13;
	[sflag:s29] =	ssyncadd.s32 $0xFFFFD800  }
0xaf: {  	[spmem:s4] =	stream.indirect.scatter.add.f32 [tilespmem:s28], [sflag:$0x2], $0x1, s23, s30, $0xb8;
	[tilespmem:$0x1F700] =	vst v63  }
0xb0: {  	_ = 	snop  }
0xb1: {  	[spmem:s3] =	stream.indirect.scatter.add.f32 [tilespmem:s1], [sflag:$0x4], $0x80, s23, s30, $0xb8;
	[tilespmem:$0x1F700] =	vst v63  }
0xb2: {  	_ =	swait.ge [sflag:s26], $0x2800  }
0xb3: {  	[sflag:s26] =	ssyncset.done $0x0  }
0xb4: {  	[sflag:s26] =	ssyncadd.s32 $0xFFFFD800  }
0xb5: {  	_ =	swait.ge [sflag:s2], $0x50  }
0xb6: {  	[sflag:s2] =	ssyncset.done $0x0  }
0xb7: {  	[sflag:s2] =	ssyncadd.s32 $0xFFFFFFB0  }
0xb8: {  	_ =	swait.ge [sflag:s29], $0x2800  }
0xb9: {  	[sflag:s29] =	ssyncset.done $0x0  }
0xba: {  	s24 =	sadd.s32 $0x2C00, s13;
	[sflag:s29] =	ssyncadd.s32 $0xFFFFD800  }
0xbb: {  	[spmem:s4] =	stream.indirect.scatter.add.f32 [tilespmem:s28], [sflag:$0x2], $0x1, s24, s30, $0xb8;
	[tilespmem:$0x1F700] =	vst v63  }
0xbc: {  	_ = 	snop  }
0xbd: {  	[spmem:s3] =	stream.indirect.scatter.add.f32 [tilespmem:s25], [sflag:$0x4], $0x80, s24, s30, $0xb8;
	[tilespmem:$0x1F700] =	vst v63  }
0xbe: {  	_ =	swait.ge [sflag:s26], $0x2800  }
0xbf: {  	[sflag:s26] =	ssyncset.done $0x0  }
0xc0: {  	[sflag:s26] =	ssyncadd.s32 $0xFFFFD800  }
0xc1: {  	_ =	swait.ge [sflag:s2], $0x50  }
0xc2: {  	[sflag:s2] =	ssyncset.done $0x0  }
0xc3: {  	p1 =	sne.s32 @!p0 s12, $0x5;
	s5 =	simm.s32 @!p0 $0x3;
	[sflag:s2] =	ssyncadd.s32 $0xFFFFFFB0  }
0xc4: {  	p1 =	por p0, !p1;
	_ =	swait.ge @!p0 [sflag:s5], $0xC80  }
.Ltmp1:
0xc5: {  	[sflag:s5] =	ssyncset.done @!p0 $0x0;
	(pc) =	sbr.rel @!p1 .LBB2_2-.Ltmp1, $4  }
0xc6: {  	[sflag:s5] =	ssyncadd.s32 @!p0 $0xFFFFF380  }
0xc7: {  	_ =	swait.ge @!p0 [sflag:s5], $0xC80  }
0xc8: {  	[sflag:s5] =	ssyncset.done @!p0 $0x0  }
0xc9: {  	[sflag:s5] =	ssyncadd.s32 @!p0 $0xFFFFF380  }
0xca: {  	[bflag:$0x0] =	sbarrier.arrive $0xFFFF  }
0xcb: {  	s5 =	sshrl.u32 s10, $0x3;
	s12 =	rddreg [dreg:$0x12]  }
0xcc: {  	[hbm:s12], [sflag:s8] =	dma.local [spmem:s5], $0x2780  }
0xcd: {  	_ =	swait.ge [sflag:s26], $0x2780  }
0xce: {  	[sflag:s26] =	ssyncset.done $0x0  }
0xcf: {  	s23 =	rddreg [dreg:$0x13];
	[sflag:s26] =	ssyncadd.s32 $0xFFFFD880  }
0xd0: {  	[hbm:s23], [sflag:s8] =	dma.local [spmem:s9], $0x50  }
0xd1: {  	_ =	swait.ge [sflag:s26], $0x50  }
0xd2: {  	s7 =	sadd.s32 $0x1, s7;
	s24 =	rddreg [dreg:$0x14]  }
0xd3: {  	p0 =	sne.s32 s7, s24  }
.Ltmp2:
0xd4: {  	_ = 	snop;
	(pc) =	sbr.rel @p0 .LBB2_1-.Ltmp2, $3  }
0xd5: {  	_ =	sdelay $0x1  }
0xd6: {  	[sflag:s26] =	ssyncset.done $0x0  }
0xd7: {  	[sflag:s26] =	ssyncadd.s32 $0xFFFFFFB0  }
0xd8: {  	_ =	sfence.sel $0x180000  }
0xd9: {  	[bflag:$0x0] =	sbarrier.arrive $0xFFFF  }
0xda: {  	_ =	strace $0x90000047  }
0xdb: {  	s0 =	stileid.u32;
	[bflag:$0x2] =	sbarrier.arrive $0xFFFF  }
0xdc: {  	p0 =	sne.s32 s0, $0x0;
	s0 =	rddreg [dreg:$0x4]  }
0xdd: {  	s0 =	sadd.s32 @!p0 $0x100000, s0  }
0xde: {  	[sflag:s0] =	ssyncadd.tile.s32 @!p0 $0x1;
	_ =	shalt  }
.Lfunc_end2:
_tile_overlayer_lowered:
.L_overlay_start_2:
0xdf: {  	(tag) =	ssettag $0x2  }
0xe0: {  	s0 =	rddreg [dreg:$0x0];
	s2 =	stileid.u32  }
0xe1: {  	s1 =	rddreg [dreg:$0x1];
	p0 =	sne.s32 s2, $0x0  }
0xe2: {  	s3 =	rddreg [dreg:$0x2];
	[bflag:$0x3] =	sbarrier.arrive $0xFFFF;
	s2 =	simm.s32 @!p0 $0x1C04  }
0xe3: {  	[timem:s3], [sflag:s2] =	dma.local @!p0 [hbm:s0], s1  }
0xe4: {  	s0 =	simm.s32 @!p0 $0x4  }
0xe5: {  	_ =	swait.ge @!p0 [sflag:s0], s1  }
0xe6: {  	s1 =	ssub.s32 @!p0 $0x0, s1;
	[sflag:s0] =	ssyncset.done @!p0 $0x0  }
0xe7: {  	[sflag:s0] =	ssyncadd.s32 @!p0 s1  }
0xe8: {  	[bflag:$0x3] =	sbarrier.arrive $0xFFFF  }
0xe9: {  	_ =	shalt  }

// kernel: kernel.9.cloned.1.call-start
scs
__scs_entry_jumppad:
0x0: {  	(pc) =	sbr.rel $0x88, $3  }
0x1: {  	(tag) =	ssettag $0x0;
	lr =	simm.s32 $0x1  }
0x2: {  	[smem:$0x3F95] =	sst lr;
	_ =	strace $0xD0000000  }
0x3: {  	_ = 	snop  }
0x4: {  	_ = 	snop  }
0x5: {  	_ = 	snop  }
0x6: {  	_ = 	snop  }
0x7: {  	_ = 	snop  }
__scs_overlays_trampoline_lowered:
0x8: {  	[smem:$0x3FA4] =	sst s0  }
0x9: {  	[smem:$0x3FA5] =	sst s1  }
0xa: {  	[smem:$0x3FA6] =	sst s2  }
0xb: {  	[smem:$0x3FA7] =	sst s3  }
0xc: {  	[smem:$0x3FA8] =	sst s4  }
0xd: {  	[smem:$0x3FA9] =	sst s5  }
0xe: {  	[smem:$0x3FAA] =	sst s6  }
0xf: {  	[smem:$0x3FAB] =	sst s7  }
0x10: {  	[smem:$0x3FAC] =	sst s8  }
0x11: {  	[smem:$0x3FAD] =	sst s9;
	s0 =	simm.s32 @!p0 $0x0  }
0x12: {  	s1 =	sld [smem:$0x3F93];
	s0 =	simm.s32 @p0 $0x1  }
0x13: {  	[smem:$0x3FAE] =	sst s0;
	s0 =	simm.s32 @!p1 $0x0  }
0x14: {  	s2 =	sld [smem:$0x3F92];
	s0 =	simm.s32 @p1 $0x1  }
0x15: {  	[smem:$0x3FAF] =	sst s0;
	s0 =	simm.s32 @!p2 $0x0  }
0x16: {  	s3 =	sld [smem:$0x3FDB];
	s0 =	simm.s32 @p2 $0x1  }
0x17: {  	s4 =	simm.s32 $0x1BF5;
	[smem:$0x3FB1] =	sst s0  }
0x18: {  	s0 =	sld [smem:$0x3F94];
	_ =	swait.ge [sflag:s4], $0x0  }
0x19: {  	s7 =	sld [smem:$0x3F95]  }
0x1a: {  	s8 =	sadd.s32 $0xFFFFE003, lr  }
0x1b: {  	s9 =	sadd.s32 $0xFFFFFEF7, lr;
	s5 =	simm.s32 $0xFFFFFFFF;
	p2 =	slt.u32 s8, $0xFFFFF086  }
0x1c: {  	p1 =	slt.u32 s9, $0xF7A;
	s5 =	simm.s32 @!p2 $0x0  }
0x1d: {  	s5 =	simm.s32 @p1 $0x1;
	p0 =	seq.s32 s7, s2  }
0x1e: {  	s7 =	smul.u32 @!p0 $0xF7A, s2;
	p2 =	seq.s32 @!p0 s5, $0x0  }
0x1f: {  	s9 =	smul.u32 $0xF7A, s1;
	s8 =	simm.s32 @!p0 $0x1BF5;
	p2 =	por !p2, p0  }
0x20: {  	[sflag:s8] =	ssyncset.s32 @!p0 $0xFFFFF086;
	s6 =	sadd.s32 @!p0 s3, s7;
	s7 =	simm.s32 @!p0 $0x108  }
0x21: {  	s3 =	sadd.s32 s3, s9;
	s6 =	sadd.s32 @!p0 $0x88, s6;
	s7 =	simm.s32 @p2 $0x1082  }
0x22: {  	[simem:s7], [sflag:s8] =	dma.local @!p0 [hbm:s6], $0xF7A  }
0x23: {  	s9 =	sor.u32 $0xD0000000, s2;
	s6 =	simm.s32 $0x108;
	_ =	swait.ge @!p0 [sflag:s8], $0x0  }
0x24: {  	s3 =	sadd.s32 $0x88, s3;
	s6 =	simm.s32 @!p1 $0x1082;
	[sflag:s4] =	ssyncset.s32 $0xFFFFF086  }
0x25: {  	[simem:s6], [sflag:s4] =	dma.local [hbm:s3], $0xF7A  }
0x26: {  	[smem:$0x3F95] =	sst s1;
	(tag) =	ssettag s2;
	_ =	strace s9  }
0x27: {  	s1 =	sld [smem:$0x3FA5]  }
0x28: {  	s2 =	sld [smem:$0x3FA6]  }
0x29: {  	s4 =	sld [smem:$0x3FA8]  }
0x2a: {  	p0 =	seq.s32 s5, $0x0;
	s5 =	sld [smem:$0x3FA9]  }
0x2b: {  	s6 =	sld [smem:$0x3FAA]  }
0x2c: {  	s7 =	sld [smem:$0x3FAB]  }
0x2d: {  	s3 =	simm.s32 $0x108;
	s8 =	sld [smem:$0x3FAC]  }
0x2e: {  	s3 =	simm.s32 @!p0 $0x1082;
	s9 =	sld [smem:$0x3FAD]  }
0x2f: {  	lr =	sadd.s32 s0, s3;
	s0 =	sld [smem:$0x3FA4]  }
0x30: {  	s3 =	sld [smem:$0x3FA7]  }
0x31: {  	[smem:$0x3FB0] =	sst s10  }
0x32: {  	s10 =	sld [smem:$0x3FAE];
	_ =	sdelay $0x3  }
0x33: {  	p0 =	seq.s32 s10, $0x1;
	s10 =	sld [smem:$0x3FB0];
	_ =	sdelay $0x3  }
0x34: {  	[smem:$0x3FB0] =	sst s10  }
0x35: {  	s10 =	sld [smem:$0x3FAF];
	_ =	sdelay $0x3  }
0x36: {  	p1 =	seq.s32 s10, $0x1;
	s10 =	sld [smem:$0x3FB0];
	_ =	sdelay $0x3  }
0x37: {  	[smem:$0x3FB0] =	sst s10  }
0x38: {  	s10 =	sld [smem:$0x3FB1]  }
0x39: {  	_ = 	snop;
	(pc) =	sbr.ind lr, $3  }
0x3a: {  	_ = 	snop  }
0x3b: {  	_ = 	snop  }
0x3c: {  	p2 =	seq.s32 s10, $0x1;
	s10 =	sld [smem:$0x3FB0]  }
0x3d: {  	_ =	shalt  }
0x3e: {  	_ =	shalt  }
0x3f: {  	_ =	shalt  }
0x40: {  	_ =	shalt  }
0x41: {  	_ =	shalt  }
0x42: {  	_ =	shalt  }
0x43: {  	_ =	shalt  }
0x44: {  	_ =	shalt  }
0x45: {  	_ =	shalt  }
0x46: {  	_ =	shalt  }
0x47: {  	_ =	shalt  }
0x48: {  	_ =	shalt  }
0x49: {  	_ =	shalt  }
0x4a: {  	_ =	shalt  }
0x4b: {  	_ =	shalt  }
0x4c: {  	_ =	shalt  }
0x4d: {  	_ =	shalt  }
0x4e: {  	_ =	shalt  }
0x4f: {  	_ =	shalt  }
0x50: {  	_ =	shalt  }
0x51: {  	_ =	shalt  }
0x52: {  	_ =	shalt  }
0x53: {  	_ =	shalt  }
0x54: {  	_ =	shalt  }
0x55: {  	_ =	shalt  }
0x56: {  	_ =	shalt  }
0x57: {  	_ =	shalt  }
0x58: {  	_ =	shalt  }
0x59: {  	_ =	shalt  }
0x5a: {  	_ =	shalt  }
0x5b: {  	_ =	shalt  }
0x5c: {  	_ =	shalt  }
0x5d: {  	_ =	shalt  }
0x5e: {  	_ =	shalt  }
0x5f: {  	_ =	shalt  }
0x60: {  	_ =	shalt  }
0x61: {  	_ =	shalt  }
0x62: {  	_ =	shalt  }
0x63: {  	_ =	shalt  }
0x64: {  	_ =	shalt  }
0x65: {  	_ =	shalt  }
0x66: {  	_ =	shalt  }
0x67: {  	_ =	shalt  }
0x68: {  	_ =	shalt  }
0x69: {  	_ =	shalt  }
0x6a: {  	_ =	shalt  }
0x6b: {  	_ =	shalt  }
0x6c: {  	_ =	shalt  }
0x6d: {  	_ =	shalt  }
0x6e: {  	_ =	shalt  }
0x6f: {  	_ =	shalt  }
0x70: {  	_ =	shalt  }
0x71: {  	_ =	shalt  }
0x72: {  	_ =	shalt  }
0x73: {  	_ =	shalt  }
0x74: {  	_ =	shalt  }
0x75: {  	_ =	shalt  }
0x76: {  	_ =	shalt  }
0x77: {  	_ =	shalt  }
0x78: {  	_ =	shalt  }
0x79: {  	_ =	shalt  }
0x7a: {  	_ =	shalt  }
0x7b: {  	_ =	shalt  }
0x7c: {  	_ =	shalt  }
0x7d: {  	_ =	shalt  }
0x7e: {  	_ =	shalt  }
0x7f: {  	_ =	shalt  }
0x80: {  	_ =	shalt  }
0x81: {  	_ =	shalt  }
0x82: {  	_ =	shalt  }
0x83: {  	_ =	shalt  }
0x84: {  	_ =	shalt  }
0x85: {  	_ =	shalt  }
0x86: {  	_ =	shalt  }
0x87: {  	_ =	shalt  }
.Lfunc_end0:
.L_simem_size_0:
called_computation.1_lowered:
.L_overlay_start_0:
0x88: {  	s2 =	sld [smem:$0x3FD9]  }
0x89: {  	s3 =	sld [smem:$0x3FFE];
	_ =	sdelay $0x1  }
0x8a: {  	s1 =	srdreg.scid  }
0x8b: {  	s0 =	sand.u32 $0x1, s1  }
0x8c: {  	s17 =	sshll.u32 s0, $0xA;
	s2 =	sadd.s32 s3, s2  }
0x8d: {  	s2 =	sadd.s32 s2, s17  }
0x8e: {  	[smem:$0x3FBC] =	sst s2  }
0x8f: {  	_ = 	snop  }
0x90: {  	s2 =	sld [smem:$0x3FD0];
	(tm) =	ssettm $0x1  }
0x91: {  	s18 =	sld [smem:$0x3FFB];
	_ =	sdelay $0x3  }
0x92: {  	_ =	strace s18  }
0x93: {  	s3 =	sld [smem:$0x3FFC];
	_ =	sdelay $0x3  }
0x94: {  	_ =	strace s3  }
0x95: {  	s3 =	sld [smem:$0x3FFD];
	_ =	sdelay $0x3  }
0x96: {  	_ =	strace s3  }
0x97: {  	_ =	strace $0x8FFFFFFF  }
0x98: {  	s19 =	sld [smem:$0x3FDB];
	_ =	sdelay $0x1  }
0x99: {  	s4 =	simm.s32 $_scs_section_size  }
0x9a: {  	s5 =	simm.s32 $_size__tile_overlayer_lowered;
	s6 =	simm.s32 $_tile_overlayer_lowered  }
0x9b: {  	s22 =	simm.s32 $0x1BFF;
	s21 =	sshll.u32 s6, $0x1;
	s3 =	sadd.s32 s4, s19  }
0x9c: {  	s7 =	simm.s32 $0x0;
	s20 =	sshll.u32 s5, $0x1;
	s5 =	sadd.s32 s21, s3  }
0x9d: {  	[timem:s7], [sflag:s22] =	dma.local [hbm:s5], s20  }
0x9e: {  	_ =	swait.ge [sflag:s22], s20  }
0x9f: {  	s4 =	ssub.s32 $0x0, s20;
	[sflag:s22] =	ssyncset.done $0x0  }
0xa0: {  	[sflag:s22] =	ssyncadd.s32 s4;
	_ =	sdelay $0x1  }
0xa1: {  	s23 =	simm.s32 $0x1B8B  }
0xa2: {  	_ =	swait.ge [sflag:s23], $0x1  }
0xa3: {  	[sflag:s23] =	ssyncset.done $0x0  }
0xa4: {  	s25 =	simm.s32 $0x1B8E;
	s24 =	sld [smem:$0x3FFE];
	[sflag:s23] =	ssyncadd.s32 $0xFFFFFFFF  }
0xa5: {  	s26 =	simm.s32 $execute0_lowered;
	[smem:$0x3FD2] =	sst s25  }
0xa6: {  	s5 =	sshll.u32 s26, $0x1;
	_ =	strace $0x80000049;
	[dreg:$0x1] =	wrdreg $0xFFFFFFFF  }
0xa7: {  	s28 =	simm.s32 $_size_execute0_lowered;
	s3 =	sadd.s32 s3, s5;
	[dreg:$0x0] =	wrdreg $0x0  }
0xa8: {  	s5 =	sshll.u32 s28, $0x1;
	[dreg:$0x2] =	wrdreg s3  }
0xa9: {  	[dreg:$0x3] =	wrdreg s5  }
0xaa: {  	[dreg:$0x4] =	wrdreg $0xC0  }
0xab: {  	_ =	task [dreg:s7], $0x5FFFF  }
0xac: {  	[dreg:$0x1] =	wrdreg $0xFFFFFFFF  }
0xad: {  	[dreg:$0x0] =	wrdreg $0x60  }
0xae: {  	[dreg:$0x2] =	wrdreg s2  }
0xaf: {  	[dreg:$0x3] =	wrdreg s24  }
0xb0: {  	[dreg:$0x4] =	wrdreg $0xB8000  }
0xb1: {  	[dreg:$0x5] =	wrdreg $0x9  }
0xb2: {  	_ =	task.clear_ibuf [dreg:s7], $0x6FFFF;
	_ =	strace $0x90000049  }
0xb3: {  	s29 =	simm.s32 $0x9;
	_ =	strace $0x8000004B  }
0xb4: {  	_ =	swait.ge [sflag:s29], $0x1  }
0xb5: {  	[sflag:s29] =	ssyncadd.s32 $0xFFFFFFFF  }
0xb6: {  	_ =	strace $0x9000004B  }
0xb7: {  	_ =	sfence  }
0xb8: {  	s30 =	sld [smem:$0x0];
	_ =	sdelay $0x2  }
0xb9: {  	s31 =	sshll.u32 s1, $0xD;
	s1 =	sshrl.u32 s1, $0x2  }
0xba: {  	s3 =	sand.u32 $0x4000, s31;
	s1 =	sadd.s32 s1, s30  }
0xbb: {  	s0 =	sor.u32 s3, s0;
	s1 =	sshll.u32 s1, $0x11  }
0xbc: {  	s0 =	sor.u32 s1, s0  }
0xbd: {  	s0 =	sadd.s32 $0x8F2B, s0  }
0xbe: {  	[sflag:s0] =	ssyncadd.remote.s32 $0x1  }
0xbf: {  	_ =	sfence.sel $0xFFFF  }
0xc0: {  	[dreg:$0x0] =	wrdreg $0xFFFFFFFF;
	(pc) =	sbr.abs _section_cstart, $3  }
0xc1: {  	[dreg:$0x1] =	wrdreg $0xFFFFFFFF  }
0xc2: {  	_ =	task.clear_ibuf [dreg:s7], $0x2FFFF;
	_ =	strace $0x9FFFFFFF  }
0xc3: {  	(tm) =	ssettm $0x7FFFFFFF  }
tec
execute0_lowered:
.L_overlay_start_1:
0x0: {  	(tag) =	ssettag $0x1  }
0x1: {  	s0 =	rddreg [dreg:$0x0]  }
0x2: {  	s1 =	rddreg [dreg:$0x1];
	s2 =	srdreg.scid  }
0x3: {  	s3 =	rddreg [dreg:$0x2];
	s8 =	stileid.u32  }
0x4: {  	s4 =	simm.s32 $0x0;
	s20 =	simm.s32 $0x4000;
	s28 =	simm.s32 $0x0  }
0x5: {  	s2 =	sand.u32 $0x1, s2;
	s6 =	smul.u32 $0x13C00, s8;
	[smem:$0x7FF] =	sst s4  }
0x6: {  	s7 =	smul.u32 $0x4F000, s8;
	s9 =	sadd.s32 $0x2B800, s1;
	s21 =	sshll.u32 s8, $0x1  }
0x7: {  	s5 =	smul.u32 $0x13C000, s2;
	_ =	strace $0x8000004A;
	[dreg:$0x4] =	wrdreg s9  }
0x8: {  	s22 =	ssub.s32 $0x2, s2;
	s2 =	sor.u32 s2, s21;
	s21 =	simm.s32 $0x3  }
0x9: {  	s23 =	sshrl.u32 s7, $0x2;
	s10 =	sshrl.u32 s22, $0x1;
	s8 =	smul.u32 $0x5000, s2  }
0xa: {  	s6 =	sadd.s32 s6, s5;
	s5 =	sadd.s32 $0x3400, s1;
	s7 =	sadd.s32 s23, s3  }
0xb: {  	s24 =	ssub.s32 s22, s10;
	s23 =	simm.s32 $0x50;
	s6 =	sshrl.u32 s6, $0x3  }
0xc: {  	s25 =	sadd.s32 $0x5000, s7;
	s26 =	sadd.s32 $0x7800, s7;
	s29 =	sadd.s32 $0xA000, s7  }
0xd: {  	s30 =	sshrl.u32 s8, $0x3;
	s31 =	sadd.s32 $0xC800, s7;
	[dreg:$0x6] =	wrdreg s25  }
0xe: {  	s14 =	sadd.s32 $0xF000, s7;
	s16 =	sadd.s32 $0x11800, s7;
	[dreg:$0x7] =	wrdreg s26  }
0xf: {  	s19 =	smax.u32 s24, $0x1;
	s24 =	simm.s32 $0x6800;
	[dreg:$0x8] =	wrdreg s29  }
0x10: {  	s1 =	sadd.s32 s6, s1;
	s6 =	sadd.s32 $0x2800, s7;
	[dreg:$0x9] =	wrdreg s31  }
0x11: {  	s15 =	sadd.s32 s5, s30;
	s25 =	simm.s32 $0x9000;
	s26 =	simm.s32 $0x1  }
0x12: {  	[dreg:$0x5] =	wrdreg s6;
	s17 =	sadd.s32 $0x14000, s15;
	s18 =	sadd.s32 $0x2BE00, s1  }
.LBB2_1:
0x13: {  	s1 =	rddreg [dreg:$0x4]  }
0x14: {  	[tilespmem:s20], [sflag:$0x3] =	stream.linear.gather [hbm4b:s1+s4], $0x2800, $0x38;
	[tilespmem:$0x1F400] =	vst v63  }
0x15: {  	_ =	swait.ge [sflag:s21], $0x2800  }
0x16: {  	[sflag:s21] =	ssyncset.done $0x0  }
0x17: {  	[sflag:s21] =	ssyncadd.s32 $0xFFFFD800  }
0x18: {  	[spmem:s7] =	stream.linear.scatter [tilespmem:s20], [sflag:$0x3], $0x2800, $0x38;
	[tilespmem:$0x1F400] =	vst v63  }
0x19: {  	_ =	swait.ge [sflag:s21], $0x2800  }
0x1a: {  	[sflag:s21] =	ssyncset.done $0x0  }
0x1b: {  	s11 =	rddreg [dreg:$0x5];
	[sflag:s21] =	ssyncadd.s32 $0xFFFFD800  }
0x1c: {  	[spmem:s11] =	stream.linear.scatter [tilespmem:s20], [sflag:$0x3], $0x2800, $0x38;
	[tilespmem:$0x1F400] =	vst v63  }
0x1d: {  	_ =	swait.ge [sflag:s21], $0x2800  }
0x1e: {  	[sflag:s21] =	ssyncset.done $0x0  }
0x1f: {  	s12 =	rddreg [dreg:$0x6];
	[sflag:s21] =	ssyncadd.s32 $0xFFFFD800  }
0x20: {  	[spmem:s12] =	stream.linear.scatter [tilespmem:s20], [sflag:$0x3], $0x2800, $0x38;
	[tilespmem:$0x1F400] =	vst v63  }
0x21: {  	_ =	swait.ge [sflag:s21], $0x2800  }
0x22: {  	[sflag:s21] =	ssyncset.done $0x0  }
0x23: {  	s13 =	rddreg [dreg:$0x7];
	[sflag:s21] =	ssyncadd.s32 $0xFFFFD800  }
0x24: {  	[spmem:s13] =	stream.linear.scatter [tilespmem:s20], [sflag:$0x3], $0x2800, $0x38;
	[tilespmem:$0x1F400] =	vst v63  }
0x25: {  	_ =	swait.ge [sflag:s21], $0x2800  }
0x26: {  	[sflag:s21] =	ssyncset.done $0x0  }
0x27: {  	s22 =	rddreg [dreg:$0x8];
	[sflag:s21] =	ssyncadd.s32 $0xFFFFD800  }
0x28: {  	[spmem:s22] =	stream.linear.scatter [tilespmem:s20], [sflag:$0x3], $0x2800, $0x38;
	[tilespmem:$0x1F400] =	vst v63  }
0x29: {  	_ =	swait.ge [sflag:s21], $0x2800  }
0x2a: {  	[sflag:s21] =	ssyncset.done $0x0  }
0x2b: {  	s30 =	rddreg [dreg:$0x9];
	[sflag:s21] =	ssyncadd.s32 $0xFFFFD800  }
0x2c: {  	[spmem:s30] =	stream.linear.scatter [tilespmem:s20], [sflag:$0x3], $0x2800, $0x38;
	[tilespmem:$0x1F400] =	vst v63  }
0x2d: {  	_ =	swait.ge [sflag:s21], $0x2800  }
0x2e: {  	[sflag:s21] =	ssyncset.done $0x0  }
0x2f: {  	[sflag:s21] =	ssyncadd.s32 $0xFFFFD800  }
0x30: {  	[spmem:s14] =	stream.linear.scatter [tilespmem:s20], [sflag:$0x3], $0x2800, $0x38;
	[tilespmem:$0x1F400] =	vst v63  }
0x31: {  	_ =	swait.ge [sflag:s21], $0x2800  }
0x32: {  	[sflag:s21] =	ssyncset.done $0x0  }
0x33: {  	[sflag:s21] =	ssyncadd.s32 $0xFFFFD800  }
0x34: {  	[spmem:s16] =	stream.linear.scatter [tilespmem:s20], [sflag:$0x3], $0x2400, $0x38;
	[tilespmem:$0x1F400] =	vst v63  }
0x35: {  	_ =	swait.ge [sflag:s21], $0x2400  }
0x36: {  	[sflag:s21] =	ssyncset.done $0x0  }
0x37: {  	[sflag:s21] =	ssyncadd.s32 $0xFFFFDC00  }
0x38: {  	[bflag:$0x0] =	sbarrier.arrive $0xFFFF  }
0x39: {  	[tilespmem:s4], [sflag:$0x3] =	stream.linear.gather [hbm4b:s15+s4], $0xC80, $0x38;
	[tilespmem:$0x1F400] =	vst v63  }
0x3a: {  	_ =	swait.ge [sflag:s21], $0xC80  }
0x3b: {  	[sflag:s21] =	ssyncset.done $0x0  }
0x3c: {  	s31 =	simm.s32 $0x2000;
	[sflag:s21] =	ssyncadd.s32 $0xFFFFF380  }
0x3d: {  	[tilespmem:s31], [sflag:$0x3] =	stream.linear.gather [hbm4b:s17+s4], $0xC80, $0x38;
	[tilespmem:$0x1F400] =	vst v63  }
0x3e: {  	_ =	swait.ge [sflag:s21], $0xC80  }
0x3f: {  	[sflag:s21] =	ssyncset.done $0x0  }
0x40: {  	s29 =	simm.s32 $0x0;
	[sflag:s21] =	ssyncadd.s32 $0xFFFFF380  }
.LBB2_2:
0x41: {  	s1 =	smov.u32 s29  }
0x42: {  	s29 =	sadd.s32 $0x1, s29;
	p0 =	seq.s32 s1, $0x4  }
0x43: {  	s2 =	sshll.u32 @!p0 s29, $0xC  }
0x44: {  	s1 =	sshll.u32 @!p0 s1, $0xC;
	s2 =	sadd.s32 @!p0 s8, s2  }
0x45: {  	s30 =	sand.u32 @!p0 $0x1000, s1;
	s1 =	sshrl.u32 @!p0 s2, $0x3  }
0x46: {  	s6 =	simm.s32 @!p0 $0x0;
	s2 =	sxor.u32 @!p0 $0x1000, s30;
	s1 =	sadd.s32 @!p0 s5, s1  }
0x47: {  	[tilespmem:s2], [sflag:$0x2] =	stream.linear.gather @!p0 [hbm4b:s1+s6], $0xC80, $0x38;
	[tilespmem:$0x1F400] =	vst v63  }
0x48: {  	s2 =	sxor.u32 @!p0 $0x3000, s30;
	s1 =	sadd.s32 @!p0 $0x14000, s1  }
0x49: {  	[tilespmem:s2], [sflag:$0x2] =	stream.linear.gather @!p0 [hbm4b:s1+s6], $0xC80, $0x38;
	[tilespmem:$0x1F400] =	vst v63  }
0x4a: {  	s6 =	simm.s32 $0x3  }
0x4b: {  	s30 =	simm.s32 @p0 $0x0;
	s1 =	smul.u32 $0xAB, s6  }
0x4c: {  	[tilespmem:s20], [sflag:$0x1] =	stream.indirect.gather [hbm4b:s0+s23], $0x80, s30, s23, $0xb8;
	[tilespmem:$0x1F400] =	vst v63  }
0x4d: {  	s9 =	sadd.s32 $0x80, s30;
	s10 =	sshrl.u32 s1, $0x9;
	s1 =	sadd.s32 $0xFFFFFDFF, s1  }
0x4e: {  	[tilespmem:s24], [sflag:$0x1] =	stream.indirect.gather [hbm4b:s0+s23], $0x80, s9, s23, $0xb8;
	[tilespmem:$0x1F400] =	vst v63  }
0x4f: {  	s2 =	sand.u32 $0x7F, s10;
	s1 =	sshrl.u32 s1, $0x9  }
0x50: {  	s2 =	smul.u32 $0x3, s2;
	s1 =	sand.u32 $0x7F, s1  }
0x51: {  	s11 =	sadd.s32 $0x100, s30;
	s1 =	smul.u32 $0x3, s1  }
0x52: {  	[tilespmem:s25], [sflag:$0x1] =	stream.indirect.gather [hbm4b:s0+s23], $0x80, s11, s23, $0xb8;
	[tilespmem:$0x1F400] =	vst v63  }
0x53: {  	s2 =	ssub.s32 $0x3, s2;
	s1 =	ssub.s32 $0x3, s1  }
0x54: {  	s31 =	sadd.s32 $0x180, s30;
	s2 =	sand.u32 $0xFF, s2;
	s1 =	sadd.s32 $0xFFFFFFFD, s1  }
0x55: {  	_ =	swait.ge [sflag:s26], $0x2800;
	s2 =	smul.u32 $0xA000, s2;
	s9 =	sand.u32 $0xFF, s1  }
0x56: {  	[sflag:s26] =	ssyncset.done $0x0;
	s1 =	simm.s32 $0x4;
	s10 =	smul.u32 $0xA000, s9  }
0x57: {  	s6 =	sor.u32 $0x2000, s30;
	[sflag:s26] =	ssyncadd.s32 $0xFFFFD800;
	s13 =	smul.u32 $0xAB, s1  }
0x58: {  	s9 =	simm.s32 $0x5;
	s2 =	sshrl.u32 s2, $0x2;
	s12 =	sshrl.u32 s10, $0x2  }
0x59: {  	s22 =	sadd.s32 $0x4000, s2;
	s11 =	sshrl.u32 s13, $0x9;
	s2 =	sadd.s32 $0x4000, s12  }
0x5a: {  	[spmem:s3] =	stream.indirect.scatter.add.f32 [tilespmem:s2], [sflag:$0x3], $0x80, s6, s23, $0xb8;
	[tilespmem:$0x1F400] =	vst v63  }
0x5b: {  	s12 =	sadd.s32 $0xFFFFFDFF, s13;
	s13 =	sand.u32 $0x7F, s11;
	_ =	swait.ge [sflag:s21], $0x2800  }
0x5c: {  	s2 =	sadd.s32 $0x80, s6;
	s11 =	sshrl.u32 s12, $0x9;
	[sflag:s21] =	ssyncset.done $0x0  }
0x5d: {  	s10 =	smul.u32 $0x3, s13;
	s6 =	smov.u32 s31;
	[sflag:s21] =	ssyncadd.s32 $0xFFFFD800  }
.LBB2_3:
0x5e: {  	s11 =	sand.u32 $0x7F, s11  }
0x5f: {  	s31 =	sadd.s32 $0x80, s31;
	s12 =	smov.u32 s9;
	s13 =	sadd.s32 $0x1, s9  }
0x60: {  	p1 =	sne.s32 s9, $0x18;
	s9 =	smul.u32 $0x3, s11;
	s10 =	ssub.s32 s1, s10  }
0x61: {  	[tilespmem:s22], [sflag:$0x1] =	stream.indirect.gather [hbm4b:s0+s23], $0x80, s6, s23, $0xb8;
	[tilespmem:$0x1F400] =	vst v63  }
0x62: {  	s6 =	ssub.s32 s1, s9;
	s9 =	sand.u32 $0xFF, s10;
	s1 =	smov.u32 s12  }
0x63: {  	s10 =	sadd.s32 $0xFFFFFFFD, s6;
	s9 =	smul.u32 $0xA000, s9;
	s6 =	smov.u32 s31  }
0x64: {  	s10 =	sand.u32 $0xFF, s10  }
0x65: {  	s10 =	smul.u32 $0xA000, s10;
	s9 =	sshrl.u32 s9, $0x2  }
0x66: {  	_ =	swait.ge [sflag:s26], $0x2800;
	s22 =	sadd.s32 $0x4000, s9  }
0x67: {  	[sflag:s26] =	ssyncset.done $0x0;
	s9 =	sshrl.u32 s10, $0x2  }
0x68: {  	s10 =	smul.u32 $0xAB, s1;
	[sflag:s26] =	ssyncadd.s32 $0xFFFFD800;
	s9 =	sadd.s32 $0x4000, s9  }
0x69: {  	[spmem:s3] =	stream.indirect.scatter.add.f32 [tilespmem:s9], [sflag:$0x3], $0x80, s2, s23, $0xb8;
	[tilespmem:$0x1F400] =	vst v63  }
.Ltmp0:
0x6a: {  	_ = 	snop;
	(pc) =	sbr.rel @p1 .LBB2_3-.Ltmp0, $4  }
0x6b: {  	s9 =	sshrl.u32 s10, $0x9  }
0x6c: {  	s2 =	sadd.s32 $0x80, s2;
	s10 =	sadd.s32 $0xFFFFFDFF, s10;
	_ =	swait.ge [sflag:s21], $0x2800  }
0x6d: {  	s9 =	sand.u32 $0x7F, s9;
	s11 =	sshrl.u32 s10, $0x9;
	[sflag:s21] =	ssyncset.done $0x0  }
0x6e: {  	s10 =	smul.u32 $0x3, s9;
	s9 =	smov.u32 s13;
	[sflag:s21] =	ssyncadd.s32 $0xFFFFD800  }
0x6f: {  	s9 =	sand.u32 $0x7F, s11  }
0x70: {  	s9 =	smul.u32 $0x3, s9  }
0x71: {  	[tilespmem:s22], [sflag:$0x1] =	stream.indirect.gather [hbm4b:s0+s23], $0x80, s6, s23, $0xb8;
	[tilespmem:$0x1F400] =	vst v63  }
0x72: {  	s9 =	ssub.s32 s1, s9  }
0x73: {  	s6 =	sadd.s32 $0xFFFFFFFD, s9  }
0x74: {  	s6 =	sand.u32 $0xFF, s6  }
0x75: {  	s6 =	smul.u32 $0xA000, s6  }
0x76: {  	s11 =	ssub.s32 s1, s10;
	_ =	swait.ge [sflag:s26], $0x2800  }
0x77: {  	[sflag:s26] =	ssyncset.done $0x0;
	s1 =	sand.u32 $0xFF, s11;
	s6 =	sshrl.u32 s6, $0x2  }
0x78: {  	[sflag:s26] =	ssyncadd.s32 $0xFFFFD800;
	s1 =	smul.u32 $0xA000, s1;
	s6 =	sadd.s32 $0x4000, s6  }
0x79: {  	[spmem:s3] =	stream.indirect.scatter.add.f32 [tilespmem:s6], [sflag:$0x3], $0x80, s2, s23, $0xb8;
	[tilespmem:$0x1F400] =	vst v63  }
0x7a: {  	_ =	swait.ge [sflag:s21], $0x2800  }
0x7b: {  	s1 =	sshrl.u32 s1, $0x2;
	[sflag:s21] =	ssyncset.done $0x0  }
0x7c: {  	s12 =	sadd.s32 $0x80, s31;
	s1 =	sadd.s32 $0x4000, s1;
	[sflag:s21] =	ssyncadd.s32 $0xFFFFD800  }
0x7d: {  	[tilespmem:s1], [sflag:$0x1] =	stream.indirect.gather [hbm4b:s0+s23], $0x80, s12, s23, $0xb8;
	[tilespmem:$0x1F400] =	vst v63  }
0x7e: {  	_ =	swait.ge [sflag:s26], $0x2800  }
0x7f: {  	[sflag:s26] =	ssyncset.done $0x0  }
0x80: {  	s13 =	sadd.s32 $0x2B00, s30;
	[sflag:s26] =	ssyncadd.s32 $0xFFFFD800  }
0x81: {  	[spmem:s3] =	stream.indirect.scatter.add.f32 [tilespmem:s24], [sflag:$0x3], $0x80, s13, s23, $0xb8;
	[tilespmem:$0x1F400] =	vst v63  }
0x82: {  	_ =	swait.ge [sflag:s21], $0x2800  }
0x83: {  	[sflag:s21] =	ssyncset.done $0x0  }
0x84: {  	[sflag:s21] =	ssyncadd.s32 $0xFFFFD800  }
0x85: {  	_ =	swait.ge [sflag:s26], $0x2800  }
0x86: {  	[sflag:s26] =	ssyncset.done $0x0  }
0x87: {  	s22 =	sadd.s32 $0x2B80, s30;
	[sflag:s26] =	ssyncadd.s32 $0xFFFFD800  }
0x88: {  	[spmem:s3] =	stream.indirect.scatter.add.f32 [tilespmem:s25], [sflag:$0x3], $0x80, s22, s23, $0xb8;
	[tilespmem:$0x1F400] =	vst v63  }
0x89: {  	_ =	swait.ge [sflag:s21], $0x2800  }
0x8a: {  	[sflag:s21] =	ssyncset.done $0x0  }
0x8b: {  	[sflag:s21] =	ssyncadd.s32 $0xFFFFD800  }
0x8c: {  	_ =	swait.ge [sflag:s26], $0x2800  }
0x8d: {  	[sflag:s26] =	ssyncset.done $0x0  }
0x8e: {  	s31 =	sadd.s32 $0x2C00, s30;
	[sflag:s26] =	ssyncadd.s32 $0xFFFFD800  }
0x8f: {  	[spmem:s3] =	stream.indirect.scatter.add.f32 [tilespmem:s20], [sflag:$0x3], $0x80, s31, s23, $0xb8;
	[tilespmem:$0x1F400] =	vst v63  }
0x90: {  	_ =	swait.ge [sflag:s21], $0x2800  }
0x91: {  	[sflag:s21] =	ssyncset.done $0x0  }
0x92: {  	p1 =	sne.s32 @!p0 s29, $0x5;
	s1 =	simm.s32 @!p0 $0x2;
	[sflag:s21] =	ssyncadd.s32 $0xFFFFD800  }
0x93: {  	p1 =	por p0, !p1;
	_ =	swait.ge @!p0 [sflag:s1], $0xC80  }
.Ltmp1:
0x94: {  	[sflag:s1] =	ssyncset.done @!p0 $0x0;
	(pc) =	sbr.rel @!p1 .LBB2_2-.Ltmp1, $4  }
0x95: {  	[sflag:s1] =	ssyncadd.s32 @!p0 $0xFFFFF380  }
0x96: {  	_ =	swait.ge @!p0 [sflag:s1], $0xC80  }
0x97: {  	[sflag:s1] =	ssyncset.done @!p0 $0x0  }
0x98: {  	[sflag:s1] =	ssyncadd.s32 @!p0 $0xFFFFF380  }
0x99: {  	s1 =	stileid.u32;
	s28 =	sadd.s32 $0x1, s28  }
0x9a: {  	[bflag:$0x0] =	sbarrier.arrive $0xFFFF;
	s1 =	sshll.u32 s1, $0x6;
	p0 =	sne.s32 s28, s19  }
.Ltmp2:
0x9b: {  	s2 =	sshrl.u32 s7, $0x3;
	s1 =	sor.u32 $0x1C03, s1;
	(pc) =	sbr.rel @p0 .LBB2_1-.Ltmp2, $4  }
0x9c: {  	[hbm:s18], [sflag:s1] =	dma.local [spmem:s2], $0x2780  }
0x9d: {  	_ =	swait.ge [sflag:s21], $0x2780  }
0x9e: {  	[sflag:s21] =	ssyncset.done $0x0  }
0x9f: {  	[sflag:s21] =	ssyncadd.s32 $0xFFFFD880  }
0xa0: {  	_ =	sfence.sel $0x180000  }
0xa1: {  	[bflag:$0x0] =	sbarrier.arrive $0xFFFF  }
0xa2: {  	_ =	strace $0x9000004A  }
0xa3: {  	s0 =	stileid.u32;
	[bflag:$0x2] =	sbarrier.arrive $0xFFFF  }
0xa4: {  	p0 =	sne.s32 s0, $0x0;
	s0 =	rddreg [dreg:$0x3]  }
0xa5: {  	s0 =	sadd.s32 @!p0 $0x100000, s0  }
0xa6: {  	[sflag:s0] =	ssyncadd.tile.s32 @!p0 $0x1;
	_ =	shalt  }
.Lfunc_end2:
_tile_overlayer_lowered:
.L_overlay_start_2:
0xa7: {  	(tag) =	ssettag $0x2  }
0xa8: {  	s0 =	rddreg [dreg:$0x0];
	s2 =	stileid.u32  }
0xa9: {  	s1 =	rddreg [dreg:$0x1];
	p0 =	sne.s32 s2, $0x0  }
0xaa: {  	s3 =	rddreg [dreg:$0x2];
	[bflag:$0x3] =	sbarrier.arrive $0xFFFF;
	s2 =	simm.s32 @!p0 $0x1C03  }
0xab: {  	[timem:s3], [sflag:s2] =	dma.local @!p0 [hbm:s0], s1  }
0xac: {  	s0 =	simm.s32 @!p0 $0x3  }
0xad: {  	_ =	swait.ge @!p0 [sflag:s0], s1  }
0xae: {  	s1 =	ssub.s32 @!p0 $0x0, s1;
	[sflag:s0] =	ssyncset.done @!p0 $0x0  }
0xaf: {  	[sflag:s0] =	ssyncadd.s32 @!p0 s1  }
0xb0: {  	[bflag:$0x3] =	sbarrier.arrive $0xFFFF  }
0xb1: {  	_ =	shalt  }

</sc_bundles>
